<compile_context>
chip_gen: v7x
topology: tpu7x:2x2x1
jax: 0.10.2.dev20260603
libtpu: 0.0.44.dev20260713+nightly
codegen_flags: <defaults>
</compile_context>

<pallas_src>
import jax
import jax.numpy as jnp
from jax import lax
from jax.experimental import pallas as pl
from jax.experimental.pallas import tpu as pltpu
from jax.experimental.pallas import tpu_sc as plsc

DIM = 64
PAIR_DIM = 128
WINDOW = 128
NC = 2
NS = 16
NW = NC * NS
PHASES = 5


def _gather_kernel(num_indices):
    chunks = num_indices // WINDOW
    cpw = chunks // NW
    mesh = plsc.VectorSubcoreMesh(core_axis_name="c", subcore_axis_name="s")

    @pl.kernel(
        out_type=jax.ShapeDtypeStruct((num_indices, PAIR_DIM), jnp.float32),
        mesh=mesh,
        scratch_types=[
            pltpu.VMEM((cpw, WINDOW), jnp.int32),
            pltpu.VMEM((WINDOW, PAIR_DIM), jnp.float32),
            pltpu.VMEM((WINDOW, PAIR_DIM), jnp.float32),
            pltpu.SemaphoreType.DMA,
            pltpu.SemaphoreType.DMA,
            pltpu.SemaphoreType.DMA,
        ],
    )
    def kern(table_hbm, idx_hbm, out_hbm, idx_v, rows_a, rows_b, gsem, wsem_a, wsem_b):
        wid = lax.axis_index("s") * NC + lax.axis_index("c")
        pltpu.sync_copy(idx_hbm.at[wid], idx_v)
        bufs = (rows_a, rows_b)
        wsems = (wsem_a, wsem_b)

        @pl.loop(0, cpw, step=2)
        def _(j):
            for t in range(2):
                jj = j + t
                base = (wid * cpw + jj) * WINDOW
                dst = out_hbm.at[pl.ds(base, WINDOW)]

                @pl.when(jj >= 2)
                def _():
                    pltpu.make_async_copy(bufs[t], dst, wsems[t]).wait()

                pltpu.async_copy(table_hbm.at[idx_v.at[jj]], bufs[t], gsem).wait()
                pltpu.async_copy(bufs[t], dst, wsems[t])

        for t in range(2):
            base = (wid * cpw + (cpw - 2 + t)) * WINDOW
            pltpu.make_async_copy(
                bufs[t], out_hbm.at[pl.ds(base, WINDOW)], wsems[t]
            ).wait()

    return kern


def _tail_first_kernel(res_ref, xt_ref, o_ref):
    data = res_ref[...]
    par = (xt_ref[0, 0] & 1)[:, None] == 1
    sel = jnp.where(par, data[:, DIM:], data[:, :DIM])
    o_ref[0] = sel.T


def _tail_next_kernel(prev_ref, res_ref, xt_ref, o_ref):
    del prev_ref
    _tail_first_kernel(res_ref, xt_ref, o_ref)


def _tail(res, xt, prev, b, s, sp, s0):
    out_shape = jax.ShapeDtypeStruct((s, DIM, b), jnp.float32)
    res_spec = pl.BlockSpec((b, PAIR_DIM), lambda i: (i, 0))
    xt_spec = pl.BlockSpec((1, 1, b), lambda i: (i, 0, 0))
    out_spec = pl.BlockSpec((1, DIM, b), lambda i: (i + s0, 0, 0))
    if prev is None:
        return pl.pallas_call(
            _tail_first_kernel,
            grid=(sp,),
            in_specs=[res_spec, xt_spec],
            out_specs=out_spec,
            out_shape=out_shape,
        )(res, xt)
    return pl.pallas_call(
        _tail_next_kernel,
        grid=(sp,),
        in_specs=[pl.BlockSpec(memory_space=pltpu.MemorySpace.HBM), res_spec, xt_spec],
        out_specs=out_spec,
        out_shape=out_shape,
        input_output_aliases={0: 0},
    )(prev, res, xt)


def kernel(x, weight):
    b, s = x.shape
    table = weight.reshape(weight.shape[0] // 2, PAIR_DIM)
    sp = s // PHASES
    np_idx = b * sp
    gather = _gather_kernel(np_idx)
    xts = []
    ress = []
    for k in range(PHASES):
        xt_k = x[:, k * sp:(k + 1) * sp].T.astype(jnp.int32)
        idx_k = (xt_k >> 1).reshape(NW, np_idx // (NW * WINDOW), WINDOW)
        xts.append(xt_k)
        ress.append(gather(table, idx_k))
    out = None
    for k in range(PHASES):
        out = _tail(ress[k], xts[k].reshape(sp, 1, b), out, b, s, sp, k * sp)
    return jnp.transpose(out, (2, 0, 1))

# --- scband reference (transcript-rebuilt; emitter-appended) ---
"""Pipeline reference for scband-custom-embedding-layer-58248346468665 (READ-ONLY COPY).

The authoritative reference and input builder live on the scoring server;
editing this copy changes nothing except your own understanding.
"""

import jax, jax.numpy as jnp
import numpy as np

NUM_EMBEDDINGS = 100000
EMBEDDING_DIM = 64

def setup_inputs(seed: int = 0) -> dict:
    key = jax.random.key(seed)
    k1, k2 = jax.random.split(key)
    x = jax.random.randint(k1, (4096, 50), 0, NUM_EMBEDDINGS, dtype=jnp.int64 if jax.config.jax_enable_x64 else jnp.int32)
    weight = jax.random.normal(k2, (NUM_EMBEDDINGS, EMBEDDING_DIM), dtype=jnp.float32)
    return {"x": x, "weight": weight}

def reference(x, weight):
    # Embedding lookup: out[...,:] = weight[x[...], :]
    out = jnp.take(weight, x, axis=0)
    return out

if __name__ == "__main__":
    import jax
    _d = setup_inputs()
    print(jax.jit(kernel)(*tuple(_d.values())))

</pallas_src>

<mosaic_0001>
#map = affine_map<(d0, d1) -> (0, 0)>
#map1 = affine_map<(d0, d1) -> (0, 0, 0)>
module attributes {stable_mosaic.version = 14 : i64} {
  func.func @kern(%arg0: i32, %arg1: i32, %arg2: memref<50000x128xf32, #tpu.memory_space<hbm>>, %arg3: memref<32x10x128xi32, #tpu.memory_space<hbm>>, %arg4: memref<40960x128xf32, #tpu.memory_space<hbm>>, %arg5: memref<10x128xi32, #tpu.memory_space<vmem>>, %arg6: memref<128x128xf32, #tpu.memory_space<vmem>>, %arg7: memref<128x128xf32, #tpu.memory_space<vmem>>, %arg8: memref<!tpu.dma_semaphore, #tpu.memory_space<semaphore_mem>>, %arg9: memref<!tpu.dma_semaphore, #tpu.memory_space<semaphore_mem>>, %arg10: memref<!tpu.dma_semaphore, #tpu.memory_space<semaphore_mem>>) attributes {dimension_semantics = [#tpu.dimension_semantics<core_parallel>, #tpu.dimension_semantics<subcore_parallel>], iteration_bounds = array<i64: 2, 16>, scalar_prefetch = 0 : i64, scratch_operands = 6 : i64, tpu.core_type = #tpu.core_type<sc_vector_subcore>, window_params = [{transform_indices = #map}, {transform_indices = #map1}, {transform_indices = #map}]} {
    %mul3A = arith.constant 2 : i32
    %mul3A_0 = arith.muli %arg1, %mul3A : i32
    %add3A = arith.addi %mul3A_0, %arg0 : i32
    "tpu.region"() ({
      %run_scoped3A = tpu.sem_alloc : memref<!tpu.dma_semaphore, #tpu.memory_space<semaphore_mem>>
      %dma_start3A = arith.constant 0 : i32
      %dma_start3A_24 = arith.constant 0 : i32
      %dma_start3A_25 = tpu.memref_slice %arg3[%add3A, %dma_start3A, %dma_start3A_24] : memref<32x10x128xi32, #tpu.memory_space<hbm>> -> memref<1x10x128xi32, #tpu.memory_space<hbm>>
      %dma_start3A_26 = tpu.memref_squeeze %dma_start3A_25 : memref<1x10x128xi32, #tpu.memory_space<hbm>> -> memref<10x128xi32, #tpu.memory_space<hbm>>
      %dma_start3A_27 = arith.constant 0 : i32
      %dma_start3A_28 = arith.constant 0 : i32
      %dma_start3A_29 = tpu.memref_slice %arg3[%add3A, %dma_start3A_27, %dma_start3A_28] : memref<32x10x128xi32, #tpu.memory_space<hbm>> -> memref<1x10x128xi32, #tpu.memory_space<hbm>>
      %dma_start3A_30 = tpu.memref_squeeze %dma_start3A_29 : memref<1x10x128xi32, #tpu.memory_space<hbm>> -> memref<10x128xi32, #tpu.memory_space<hbm>>
      tpu.enqueue_dma source(%dma_start3A_30 : memref<10x128xi32, #tpu.memory_space<hbm>>) target(%arg5 : memref<10x128xi32, #tpu.memory_space<vmem>>) target_semaphore(%run_scoped3A : memref<!tpu.dma_semaphore, #tpu.memory_space<semaphore_mem>>)
      %dma_wait3A_31 = arith.constant 0 : i32
      %dma_wait3A_32 = arith.constant 0 : i32
      %dma_wait3A_33 = tpu.memref_slice %arg3[%add3A, %dma_wait3A_31, %dma_wait3A_32] : memref<32x10x128xi32, #tpu.memory_space<hbm>> -> memref<1x10x128xi32, #tpu.memory_space<hbm>>
      %dma_wait3A_34 = tpu.memref_squeeze %dma_wait3A_33 : memref<1x10x128xi32, #tpu.memory_space<hbm>> -> memref<10x128xi32, #tpu.memory_space<hbm>>
      %dma_wait3A_35 = arith.constant 0 : i32
      %dma_wait3A_36 = arith.constant 0 : i32
      %dma_wait3A_37 = tpu.memref_slice %arg3[%add3A, %dma_wait3A_35, %dma_wait3A_36] : memref<32x10x128xi32, #tpu.memory_space<hbm>> -> memref<1x10x128xi32, #tpu.memory_space<hbm>>
      %dma_wait3A_38 = tpu.memref_squeeze %dma_wait3A_37 : memref<1x10x128xi32, #tpu.memory_space<hbm>> -> memref<10x128xi32, #tpu.memory_space<hbm>>
      tpu.wait_dma2 semaphore(%run_scoped3A : memref<!tpu.dma_semaphore, #tpu.memory_space<semaphore_mem>>) src(%dma_wait3A_38 : memref<10x128xi32, #tpu.memory_space<hbm>>) dst(%arg5 : memref<10x128xi32, #tpu.memory_space<vmem>>)
      tpu.yield
    }) : () -> ()
    %scan3A = arith.constant 0 : i32
    %scan3A_1 = arith.constant 5 : i32
    %scan3A_2 = arith.addi %scan3A, %scan3A_1 : i32
    %scan3A_3 = arith.constant 1 : i32
    scf.for %scan3A_24 = %scan3A to %scan3A_2 step %scan3A_3  : i32 {
      %mul3A_25 = arith.constant 2 : i32
      %mul3A_26 = arith.muli %scan3A_24, %mul3A_25 : i32
      %add3A_27 = arith.constant 0 : i32
      %add3A_28 = arith.addi %add3A_27, %mul3A_26 : i32
      %add3A_29 = arith.constant 0 : i32
      %add3A_30 = arith.addi %add3A_28, %add3A_29 : i32
      %mul3A_31 = arith.constant 10 : i32
      %mul3A_32 = arith.muli %add3A, %mul3A_31 : i32
      %add3A_33 = arith.addi %mul3A_32, %add3A_30 : i32
      %mul3A_34 = arith.constant 128 : i32
      %mul3A_35 = arith.muli %add3A_33, %mul3A_34 : i32
      %ge3A = arith.constant 2 : i32
      %ge3A_36 = arith.cmpi sge, %add3A_30, %ge3A : i32
      %convert_element_type3A = arith.extui %ge3A_36 : i1 to i32
      %cond3A = arith.constant 0 : i32
      %cond3A_37 = arith.cmpi ne, %convert_element_type3A, %cond3A : i32
      scf.if %cond3A_37 {
        %dma_wait3A_81 = arith.constant 0 : i32
        %dma_wait3A_82 = tpu.memref_slice %arg4[%mul3A_35, %dma_wait3A_81] : memref<40960x128xf32, #tpu.memory_space<hbm>> -> memref<128x128xf32, #tpu.memory_space<hbm>>
        %dma_wait3A_83 = arith.constant 0 : i32
        %dma_wait3A_84 = tpu.memref_slice %arg4[%mul3A_35, %dma_wait3A_83] : memref<40960x128xf32, #tpu.memory_space<hbm>> -> memref<128x128xf32, #tpu.memory_space<hbm>>
        tpu.wait_dma2 semaphore(%arg9 : memref<!tpu.dma_semaphore, #tpu.memory_space<semaphore_mem>>) src(%arg6 : memref<128x128xf32, #tpu.memory_space<vmem>>) dst(%dma_wait3A_84 : memref<128x128xf32, #tpu.memory_space<hbm>>)
      } else {
      }
      %dma_start3A = arith.constant 0 : i32
      %dma_start3A_38 = tpu.memref_slice %arg5[%add3A_30, %dma_start3A] : memref<10x128xi32, #tpu.memory_space<vmem>> -> memref<1x128xi32, #tpu.memory_space<vmem>>
      %dma_start3A_39 = tpu.memref_squeeze %dma_start3A_38 : memref<1x128xi32, #tpu.memory_space<vmem>> -> memref<128xi32, #tpu.memory_space<vmem>>
      %dma_start3A_40 = arith.constant 0 : i32
      %dma_start3A_41 = arith.constant 0 : i32
      %dma_start3A_42 = tpu.memref_slice %arg2[%dma_start3A_40, %dma_start3A_41] : memref<50000x128xf32, #tpu.memory_space<hbm>> -> memref<50000x128xf32, #tpu.memory_space<hbm>>
      tpu.enqueue_indirect_dma source(%dma_start3A_42 : memref<50000x128xf32, #tpu.memory_space<hbm>>) target(%arg6 : memref<128x128xf32, #tpu.memory_space<vmem>>) offsets(%dma_start3A_39 : memref<128xi32, #tpu.memory_space<vmem>>) semaphore(%arg8 : memref<!tpu.dma_semaphore, #tpu.memory_space<semaphore_mem>>)
      %dma_wait3A_43 = arith.constant 0 : i32
      %dma_wait3A_44 = tpu.memref_slice %arg5[%add3A_30, %dma_wait3A_43] : memref<10x128xi32, #tpu.memory_space<vmem>> -> memref<1x128xi32, #tpu.memory_space<vmem>>
      %dma_wait3A_45 = tpu.memref_squeeze %dma_wait3A_44 : memref<1x128xi32, #tpu.memory_space<vmem>> -> memref<128xi32, #tpu.memory_space<vmem>>
      %dma_wait3A_46 = arith.constant 0 : i32
      %dma_wait3A_47 = arith.constant 0 : i32
      %dma_wait3A_48 = tpu.memref_slice %arg2[%dma_wait3A_46, %dma_wait3A_47] : memref<50000x128xf32, #tpu.memory_space<hbm>> -> memref<50000x128xf32, #tpu.memory_space<hbm>>
      tpu.wait_indirect_dma semaphore(%arg8 : memref<!tpu.dma_semaphore, #tpu.memory_space<semaphore_mem>>) src(%dma_wait3A_48 : memref<50000x128xf32, #tpu.memory_space<hbm>>) dst(%arg6 : memref<128x128xf32, #tpu.memory_space<vmem>>)
      %dma_start3A_49 = arith.constant 0 : i32
      %dma_start3A_50 = tpu.memref_slice %arg4[%mul3A_35, %dma_start3A_49] : memref<40960x128xf32, #tpu.memory_space<hbm>> -> memref<128x128xf32, #tpu.memory_space<hbm>>
      %dma_start3A_51 = arith.constant 0 : i32
      %dma_start3A_52 = tpu.memref_slice %arg4[%mul3A_35, %dma_start3A_51] : memref<40960x128xf32, #tpu.memory_space<hbm>> -> memref<128x128xf32, #tpu.memory_space<hbm>>
      tpu.enqueue_dma source(%arg6 : memref<128x128xf32, #tpu.memory_space<vmem>>) target(%dma_start3A_52 : memref<128x128xf32, #tpu.memory_space<hbm>>) target_semaphore(%arg9 : memref<!tpu.dma_semaphore, #tpu.memory_space<semaphore_mem>>)
      %add3A_53 = arith.constant 1 : i32
      %add3A_54 = arith.addi %add3A_28, %add3A_53 : i32
      %mul3A_55 = arith.constant 10 : i32
      %mul3A_56 = arith.muli %add3A, %mul3A_55 : i32
      %add3A_57 = arith.addi %mul3A_56, %add3A_54 : i32
      %mul3A_58 = arith.constant 128 : i32
      %mul3A_59 = arith.muli %add3A_57, %mul3A_58 : i32
      %ge3A_60 = arith.constant 2 : i32
      %ge3A_61 = arith.cmpi sge, %add3A_54, %ge3A_60 : i32
      %convert_element_type3A_62 = arith.extui %ge3A_61 : i1 to i32
      %cond3A_63 = arith.constant 0 : i32
      %cond3A_64 = arith.cmpi ne, %convert_element_type3A_62, %cond3A_63 : i32
      scf.if %cond3A_64 {
        %dma_wait3A_81 = arith.constant 0 : i32
        %dma_wait3A_82 = tpu.memref_slice %arg4[%mul3A_59, %dma_wait3A_81] : memref<40960x128xf32, #tpu.memory_space<hbm>> -> memref<128x128xf32, #tpu.memory_space<hbm>>
        %dma_wait3A_83 = arith.constant 0 : i32
        %dma_wait3A_84 = tpu.memref_slice %arg4[%mul3A_59, %dma_wait3A_83] : memref<40960x128xf32, #tpu.memory_space<hbm>> -> memref<128x128xf32, #tpu.memory_space<hbm>>
        tpu.wait_dma2 semaphore(%arg10 : memref<!tpu.dma_semaphore, #tpu.memory_space<semaphore_mem>>) src(%arg7 : memref<128x128xf32, #tpu.memory_space<vmem>>) dst(%dma_wait3A_84 : memref<128x128xf32, #tpu.memory_space<hbm>>)
      } else {
      }
      %dma_start3A_65 = arith.constant 0 : i32
      %dma_start3A_66 = tpu.memref_slice %arg5[%add3A_54, %dma_start3A_65] : memref<10x128xi32, #tpu.memory_space<vmem>> -> memref<1x128xi32, #tpu.memory_space<vmem>>
      %dma_start3A_67 = tpu.memref_squeeze %dma_start3A_66 : memref<1x128xi32, #tpu.memory_space<vmem>> -> memref<128xi32, #tpu.memory_space<vmem>>
      %dma_start3A_68 = arith.constant 0 : i32
      %dma_start3A_69 = arith.constant 0 : i32
      %dma_start3A_70 = tpu.memref_slice %arg2[%dma_start3A_68, %dma_start3A_69] : memref<50000x128xf32, #tpu.memory_space<hbm>> -> memref<50000x128xf32, #tpu.memory_space<hbm>>
      tpu.enqueue_indirect_dma source(%dma_start3A_70 : memref<50000x128xf32, #tpu.memory_space<hbm>>) target(%arg7 : memref<128x128xf32, #tpu.memory_space<vmem>>) offsets(%dma_start3A_67 : memref<128xi32, #tpu.memory_space<vmem>>) semaphore(%arg8 : memref<!tpu.dma_semaphore, #tpu.memory_space<semaphore_mem>>)
      %dma_wait3A_71 = arith.constant 0 : i32
      %dma_wait3A_72 = tpu.memref_slice %arg5[%add3A_54, %dma_wait3A_71] : memref<10x128xi32, #tpu.memory_space<vmem>> -> memref<1x128xi32, #tpu.memory_space<vmem>>
      %dma_wait3A_73 = tpu.memref_squeeze %dma_wait3A_72 : memref<1x128xi32, #tpu.memory_space<vmem>> -> memref<128xi32, #tpu.memory_space<vmem>>
      %dma_wait3A_74 = arith.constant 0 : i32
      %dma_wait3A_75 = arith.constant 0 : i32
      %dma_wait3A_76 = tpu.memref_slice %arg2[%dma_wait3A_74, %dma_wait3A_75] : memref<50000x128xf32, #tpu.memory_space<hbm>> -> memref<50000x128xf32, #tpu.memory_space<hbm>>
      tpu.wait_indirect_dma semaphore(%arg8 : memref<!tpu.dma_semaphore, #tpu.memory_space<semaphore_mem>>) src(%dma_wait3A_76 : memref<50000x128xf32, #tpu.memory_space<hbm>>) dst(%arg7 : memref<128x128xf32, #tpu.memory_space<vmem>>)
      %dma_start3A_77 = arith.constant 0 : i32
      %dma_start3A_78 = tpu.memref_slice %arg4[%mul3A_59, %dma_start3A_77] : memref<40960x128xf32, #tpu.memory_space<hbm>> -> memref<128x128xf32, #tpu.memory_space<hbm>>
      %dma_start3A_79 = arith.constant 0 : i32
      %dma_start3A_80 = tpu.memref_slice %arg4[%mul3A_59, %dma_start3A_79] : memref<40960x128xf32, #tpu.memory_space<hbm>> -> memref<128x128xf32, #tpu.memory_space<hbm>>
      tpu.enqueue_dma source(%arg7 : memref<128x128xf32, #tpu.memory_space<vmem>>) target(%dma_start3A_80 : memref<128x128xf32, #tpu.memory_space<hbm>>) target_semaphore(%arg10 : memref<!tpu.dma_semaphore, #tpu.memory_space<semaphore_mem>>)
    }
    %scan3A_4 = arith.constant 5 : i32
    %mul3A_5 = arith.constant 10 : i32
    %mul3A_6 = arith.muli %add3A, %mul3A_5 : i32
    %add3A_7 = arith.constant 8 : i32
    %add3A_8 = arith.addi %mul3A_6, %add3A_7 : i32
    %mul3A_9 = arith.constant 128 : i32
    %mul3A_10 = arith.muli %add3A_8, %mul3A_9 : i32
    %dma_wait3A = arith.constant 0 : i32
    %dma_wait3A_11 = tpu.memref_slice %arg4[%mul3A_10, %dma_wait3A] : memref<40960x128xf32, #tpu.memory_space<hbm>> -> memref<128x128xf32, #tpu.memory_space<hbm>>
    %dma_wait3A_12 = arith.constant 0 : i32
    %dma_wait3A_13 = tpu.memref_slice %arg4[%mul3A_10, %dma_wait3A_12] : memref<40960x128xf32, #tpu.memory_space<hbm>> -> memref<128x128xf32, #tpu.memory_space<hbm>>
    tpu.wait_dma2 semaphore(%arg9 : memref<!tpu.dma_semaphore, #tpu.memory_space<semaphore_mem>>) src(%arg6 : memref<128x128xf32, #tpu.memory_space<vmem>>) dst(%dma_wait3A_13 : memref<128x128xf32, #tpu.memory_space<hbm>>)
    %mul3A_14 = arith.constant 10 : i32
    %mul3A_15 = arith.muli %add3A, %mul3A_14 : i32
    %add3A_16 = arith.constant 9 : i32
    %add3A_17 = arith.addi %mul3A_15, %add3A_16 : i32
    %mul3A_18 = arith.constant 128 : i32
    %mul3A_19 = arith.muli %add3A_17, %mul3A_18 : i32
    %dma_wait3A_20 = arith.constant 0 : i32
    %dma_wait3A_21 = tpu.memref_slice %arg4[%mul3A_19, %dma_wait3A_20] : memref<40960x128xf32, #tpu.memory_space<hbm>> -> memref<128x128xf32, #tpu.memory_space<hbm>>
    %dma_wait3A_22 = arith.constant 0 : i32
    %dma_wait3A_23 = tpu.memref_slice %arg4[%mul3A_19, %dma_wait3A_22] : memref<40960x128xf32, #tpu.memory_space<hbm>> -> memref<128x128xf32, #tpu.memory_space<hbm>>
    tpu.wait_dma2 semaphore(%arg10 : memref<!tpu.dma_semaphore, #tpu.memory_space<semaphore_mem>>) src(%arg7 : memref<128x128xf32, #tpu.memory_space<vmem>>) dst(%dma_wait3A_23 : memref<128x128xf32, #tpu.memory_space<hbm>>)
    return
  }
}

#map = affine_map<(d0, d1) -> (0, 0)>
#map1 = affine_map<(d0, d1) -> (0, 0, 0)>
module attributes {stable_mosaic.version = 14 : i64} {
  func.func @kern(%arg0: i32, %arg1: i32, %arg2: memref<50000x128xf32, #tpu.memory_space<hbm>>, %arg3: memref<32x10x128xi32, #tpu.memory_space<hbm>>, %arg4: memref<40960x128xf32, #tpu.memory_space<hbm>>, %arg5: memref<10x128xi32, #tpu.memory_space<vmem>>, %arg6: memref<128x128xf32, #tpu.memory_space<vmem>>, %arg7: memref<128x128xf32, #tpu.memory_space<vmem>>, %arg8: memref<!tpu.dma_semaphore, #tpu.memory_space<semaphore_mem>>, %arg9: memref<!tpu.dma_semaphore, #tpu.memory_space<semaphore_mem>>, %arg10: memref<!tpu.dma_semaphore, #tpu.memory_space<semaphore_mem>>) attributes {dimension_semantics = [#tpu.dimension_semantics<core_parallel>, #tpu.dimension_semantics<subcore_parallel>], iteration_bounds = array<i64: 2, 16>, scalar_prefetch = 0 : i64, scratch_operands = 6 : i64, tpu.core_type = #tpu.core_type<sc_vector_subcore>, window_params = [{transform_indices = #map}, {transform_indices = #map1}, {transform_indices = #map}]} {
    %mul3A = arith.constant 2 : i32
    %mul3A_0 = arith.muli %arg1, %mul3A : i32
    %add3A = arith.addi %mul3A_0, %arg0 : i32
    "tpu.region"() ({
      %run_scoped3A = tpu.sem_alloc : memref<!tpu.dma_semaphore, #tpu.memory_space<semaphore_mem>>
      %dma_start3A = arith.constant 0 : i32
      %dma_start3A_24 = arith.constant 0 : i32
      %dma_start3A_25 = tpu.memref_slice %arg3[%add3A, %dma_start3A, %dma_start3A_24] : memref<32x10x128xi32, #tpu.memory_space<hbm>> -> memref<1x10x128xi32, #tpu.memory_space<hbm>>
      %dma_start3A_26 = tpu.memref_squeeze %dma_start3A_25 : memref<1x10x128xi32, #tpu.memory_space<hbm>> -> memref<10x128xi32, #tpu.memory_space<hbm>>
      %dma_start3A_27 = arith.constant 0 : i32
      %dma_start3A_28 = arith.constant 0 : i32
      %dma_start3A_29 = tpu.memref_slice %arg3[%add3A, %dma_start3A_27, %dma_start3A_28] : memref<32x10x128xi32, #tpu.memory_space<hbm>> -> memref<1x10x128xi32, #tpu.memory_space<hbm>>
      %dma_start3A_30 = tpu.memref_squeeze %dma_start3A_29 : memref<1x10x128xi32, #tpu.memory_space<hbm>> -> memref<10x128xi32, #tpu.memory_space<hbm>>
      tpu.enqueue_dma source(%dma_start3A_30 : memref<10x128xi32, #tpu.memory_space<hbm>>) target(%arg5 : memref<10x128xi32, #tpu.memory_space<vmem>>) target_semaphore(%run_scoped3A : memref<!tpu.dma_semaphore, #tpu.memory_space<semaphore_mem>>)
      %dma_wait3A_31 = arith.constant 0 : i32
      %dma_wait3A_32 = arith.constant 0 : i32
      %dma_wait3A_33 = tpu.memref_slice %arg3[%add3A, %dma_wait3A_31, %dma_wait3A_32] : memref<32x10x128xi32, #tpu.memory_space<hbm>> -> memref<1x10x128xi32, #tpu.memory_space<hbm>>
      %dma_wait3A_34 = tpu.memref_squeeze %dma_wait3A_33 : memref<1x10x128xi32, #tpu.memory_space<hbm>> -> memref<10x128xi32, #tpu.memory_space<hbm>>
      %dma_wait3A_35 = arith.constant 0 : i32
      %dma_wait3A_36 = arith.constant 0 : i32
      %dma_wait3A_37 = tpu.memref_slice %arg3[%add3A, %dma_wait3A_35, %dma_wait3A_36] : memref<32x10x128xi32, #tpu.memory_space<hbm>> -> memref<1x10x128xi32, #tpu.memory_space<hbm>>
      %dma_wait3A_38 = tpu.memref_squeeze %dma_wait3A_37 : memref<1x10x128xi32, #tpu.memory_space<hbm>> -> memref<10x128xi32, #tpu.memory_space<hbm>>
      tpu.wait_dma2 semaphore(%run_scoped3A : memref<!tpu.dma_semaphore, #tpu.memory_space<semaphore_mem>>) src(%dma_wait3A_38 : memref<10x128xi32, #tpu.memory_space<hbm>>) dst(%arg5 : memref<10x128xi32, #tpu.memory_space<vmem>>)
      tpu.yield
    }) : () -> ()
    %scan3A = arith.constant 0 : i32
    %scan3A_1 = arith.constant 5 : i32
    %scan3A_2 = arith.addi %scan3A, %scan3A_1 : i32
    %scan3A_3 = arith.constant 1 : i32
    scf.for %scan3A_24 = %scan3A to %scan3A_2 step %scan3A_3  : i32 {
      %mul3A_25 = arith.constant 2 : i32
      %mul3A_26 = arith.muli %scan3A_24, %mul3A_25 : i32
      %add3A_27 = arith.constant 0 : i32
      %add3A_28 = arith.addi %add3A_27, %mul3A_26 : i32
      %add3A_29 = arith.constant 0 : i32
      %add3A_30 = arith.addi %add3A_28, %add3A_29 : i32
      %mul3A_31 = arith.constant 10 : i32
      %mul3A_32 = arith.muli %add3A, %mul3A_31 : i32
      %add3A_33 = arith.addi %mul3A_32, %add3A_30 : i32
      %mul3A_34 = arith.constant 128 : i32
      %mul3A_35 = arith.muli %add3A_33, %mul3A_34 : i32
      %ge3A = arith.constant 2 : i32
      %ge3A_36 = arith.cmpi sge, %add3A_30, %ge3A : i32
      %convert_element_type3A = arith.extui %ge3A_36 : i1 to i32
      %cond3A = arith.constant 0 : i32
      %cond3A_37 = arith.cmpi ne, %convert_element_type3A, %cond3A : i32
      scf.if %cond3A_37 {
        %dma_wait3A_81 = arith.constant 0 : i32
        %dma_wait3A_82 = tpu.memref_slice %arg4[%mul3A_35, %dma_wait3A_81] : memref<40960x128xf32, #tpu.memory_space<hbm>> -> memref<128x128xf32, #tpu.memory_space<hbm>>
        %dma_wait3A_83 = arith.constant 0 : i32
        %dma_wait3A_84 = tpu.memref_slice %arg4[%mul3A_35, %dma_wait3A_83] : memref<40960x128xf32, #tpu.memory_space<hbm>> -> memref<128x128xf32, #tpu.memory_space<hbm>>
        tpu.wait_dma2 semaphore(%arg9 : memref<!tpu.dma_semaphore, #tpu.memory_space<semaphore_mem>>) src(%arg6 : memref<128x128xf32, #tpu.memory_space<vmem>>) dst(%dma_wait3A_84 : memref<128x128xf32, #tpu.memory_space<hbm>>)
      } else {
      }
      %dma_start3A = arith.constant 0 : i32
      %dma_start3A_38 = tpu.memref_slice %arg5[%add3A_30, %dma_start3A] : memref<10x128xi32, #tpu.memory_space<vmem>> -> memref<1x128xi32, #tpu.memory_space<vmem>>
      %dma_start3A_39 = tpu.memref_squeeze %dma_start3A_38 : memref<1x128xi32, #tpu.memory_space<vmem>> -> memref<128xi32, #tpu.memory_space<vmem>>
      %dma_start3A_40 = arith.constant 0 : i32
      %dma_start3A_41 = arith.constant 0 : i32
      %dma_start3A_42 = tpu.memref_slice %arg2[%dma_start3A_40, %dma_start3A_41] : memref<50000x128xf32, #tpu.memory_space<hbm>> -> memref<50000x128xf32, #tpu.memory_space<hbm>>
      tpu.enqueue_indirect_dma source(%dma_start3A_42 : memref<50000x128xf32, #tpu.memory_space<hbm>>) target(%arg6 : memref<128x128xf32, #tpu.memory_space<vmem>>) offsets(%dma_start3A_39 : memref<128xi32, #tpu.memory_space<vmem>>) semaphore(%arg8 : memref<!tpu.dma_semaphore, #tpu.memory_space<semaphore_mem>>)
      %dma_wait3A_43 = arith.constant 0 : i32
      %dma_wait3A_44 = tpu.memref_slice %arg5[%add3A_30, %dma_wait3A_43] : memref<10x128xi32, #tpu.memory_space<vmem>> -> memref<1x128xi32, #tpu.memory_space<vmem>>
      %dma_wait3A_45 = tpu.memref_squeeze %dma_wait3A_44 : memref<1x128xi32, #tpu.memory_space<vmem>> -> memref<128xi32, #tpu.memory_space<vmem>>
      %dma_wait3A_46 = arith.constant 0 : i32
      %dma_wait3A_47 = arith.constant 0 : i32
      %dma_wait3A_48 = tpu.memref_slice %arg2[%dma_wait3A_46, %dma_wait3A_47] : memref<50000x128xf32, #tpu.memory_space<hbm>> -> memref<50000x128xf32, #tpu.memory_space<hbm>>
      tpu.wait_indirect_dma semaphore(%arg8 : memref<!tpu.dma_semaphore, #tpu.memory_space<semaphore_mem>>) src(%dma_wait3A_48 : memref<50000x128xf32, #tpu.memory_space<hbm>>) dst(%arg6 : memref<128x128xf32, #tpu.memory_space<vmem>>)
      %dma_start3A_49 = arith.constant 0 : i32
      %dma_start3A_50 = tpu.memref_slice %arg4[%mul3A_35, %dma_start3A_49] : memref<40960x128xf32, #tpu.memory_space<hbm>> -> memref<128x128xf32, #tpu.memory_space<hbm>>
      %dma_start3A_51 = arith.constant 0 : i32
      %dma_start3A_52 = tpu.memref_slice %arg4[%mul3A_35, %dma_start3A_51] : memref<40960x128xf32, #tpu.memory_space<hbm>> -> memref<128x128xf32, #tpu.memory_space<hbm>>
      tpu.enqueue_dma source(%arg6 : memref<128x128xf32, #tpu.memory_space<vmem>>) target(%dma_start3A_52 : memref<128x128xf32, #tpu.memory_space<hbm>>) target_semaphore(%arg9 : memref<!tpu.dma_semaphore, #tpu.memory_space<semaphore_mem>>)
      %add3A_53 = arith.constant 1 : i32
      %add3A_54 = arith.addi %add3A_28, %add3A_53 : i32
      %mul3A_55 = arith.constant 10 : i32
      %mul3A_56 = arith.muli %add3A, %mul3A_55 : i32
      %add3A_57 = arith.addi %mul3A_56, %add3A_54 : i32
      %mul3A_58 = arith.constant 128 : i32
      %mul3A_59 = arith.muli %add3A_57, %mul3A_58 : i32
      %ge3A_60 = arith.constant 2 : i32
      %ge3A_61 = arith.cmpi sge, %add3A_54, %ge3A_60 : i32
      %convert_element_type3A_62 = arith.extui %ge3A_61 : i1 to i32
      %cond3A_63 = arith.constant 0 : i32
      %cond3A_64 = arith.cmpi ne, %convert_element_type3A_62, %cond3A_63 : i32
      scf.if %cond3A_64 {
        %dma_wait3A_81 = arith.constant 0 : i32
        %dma_wait3A_82 = tpu.memref_slice %arg4[%mul3A_59, %dma_wait3A_81] : memref<40960x128xf32, #tpu.memory_space<hbm>> -> memref<128x128xf32, #tpu.memory_space<hbm>>
        %dma_wait3A_83 = arith.constant 0 : i32
        %dma_wait3A_84 = tpu.memref_slice %arg4[%mul3A_59, %dma_wait3A_83] : memref<40960x128xf32, #tpu.memory_space<hbm>> -> memref<128x128xf32, #tpu.memory_space<hbm>>
        tpu.wait_dma2 semaphore(%arg10 : memref<!tpu.dma_semaphore, #tpu.memory_space<semaphore_mem>>) src(%arg7 : memref<128x128xf32, #tpu.memory_space<vmem>>) dst(%dma_wait3A_84 : memref<128x128xf32, #tpu.memory_space<hbm>>)
      } else {
      }
      %dma_start3A_65 = arith.constant 0 : i32
      %dma_start3A_66 = tpu.memref_slice %arg5[%add3A_54, %dma_start3A_65] : memref<10x128xi32, #tpu.memory_space<vmem>> -> memref<1x128xi32, #tpu.memory_space<vmem>>
      %dma_start3A_67 = tpu.memref_squeeze %dma_start3A_66 : memref<1x128xi32, #tpu.memory_space<vmem>> -> memref<128xi32, #tpu.memory_space<vmem>>
      %dma_start3A_68 = arith.constant 0 : i32
      %dma_start3A_69 = arith.constant 0 : i32
      %dma_start3A_70 = tpu.memref_slice %arg2[%dma_start3A_68, %dma_start3A_69] : memref<50000x128xf32, #tpu.memory_space<hbm>> -> memref<50000x128xf32, #tpu.memory_space<hbm>>
      tpu.enqueue_indirect_dma source(%dma_start3A_70 : memref<50000x128xf32, #tpu.memory_space<hbm>>) target(%arg7 : memref<128x128xf32, #tpu.memory_space<vmem>>) offsets(%dma_start3A_67 : memref<128xi32, #tpu.memory_space<vmem>>) semaphore(%arg8 : memref<!tpu.dma_semaphore, #tpu.memory_space<semaphore_mem>>)
      %dma_wait3A_71 = arith.constant 0 : i32
      %dma_wait3A_72 = tpu.memref_slice %arg5[%add3A_54, %dma_wait3A_71] : memref<10x128xi32, #tpu.memory_space<vmem>> -> memref<1x128xi32, #tpu.memory_space<vmem>>
      %dma_wait3A_73 = tpu.memref_squeeze %dma_wait3A_72 : memref<1x128xi32, #tpu.memory_space<vmem>> -> memref<128xi32, #tpu.memory_space<vmem>>
      %dma_wait3A_74 = arith.constant 0 : i32
      %dma_wait3A_75 = arith.constant 0 : i32
      %dma_wait3A_76 = tpu.memref_slice %arg2[%dma_wait3A_74, %dma_wait3A_75] : memref<50000x128xf32, #tpu.memory_space<hbm>> -> memref<50000x128xf32, #tpu.memory_space<hbm>>
      tpu.wait_indirect_dma semaphore(%arg8 : memref<!tpu.dma_semaphore, #tpu.memory_space<semaphore_mem>>) src(%dma_wait3A_76 : memref<50000x128xf32, #tpu.memory_space<hbm>>) dst(%arg7 : memref<128x128xf32, #tpu.memory_space<vmem>>)
      %dma_start3A_77 = arith.constant 0 : i32
      %dma_start3A_78 = tpu.memref_slice %arg4[%mul3A_59, %dma_start3A_77] : memref<40960x128xf32, #tpu.memory_space<hbm>> -> memref<128x128xf32, #tpu.memory_space<hbm>>
      %dma_start3A_79 = arith.constant 0 : i32
      %dma_start3A_80 = tpu.memref_slice %arg4[%mul3A_59, %dma_start3A_79] : memref<40960x128xf32, #tpu.memory_space<hbm>> -> memref<128x128xf32, #tpu.memory_space<hbm>>
      tpu.enqueue_dma source(%arg7 : memref<128x128xf32, #tpu.memory_space<vmem>>) target(%dma_start3A_80 : memref<128x128xf32, #tpu.memory_space<hbm>>) target_semaphore(%arg10 : memref<!tpu.dma_semaphore, #tpu.memory_space<semaphore_mem>>)
    }
    %scan3A_4 = arith.constant 5 : i32
    %mul3A_5 = arith.constant 10 : i32
    %mul3A_6 = arith.muli %add3A, %mul3A_5 : i32
    %add3A_7 = arith.constant 8 : i32
    %add3A_8 = arith.addi %mul3A_6, %add3A_7 : i32
    %mul3A_9 = arith.constant 128 : i32
    %mul3A_10 = arith.muli %add3A_8, %mul3A_9 : i32
    %dma_wait3A = arith.constant 0 : i32
    %dma_wait3A_11 = tpu.memref_slice %arg4[%mul3A_10, %dma_wait3A] : memref<40960x128xf32, #tpu.memory_space<hbm>> -> memref<128x128xf32, #tpu.memory_space<hbm>>
    %dma_wait3A_12 = arith.constant 0 : i32
    %dma_wait3A_13 = tpu.memref_slice %arg4[%mul3A_10, %dma_wait3A_12] : memref<40960x128xf32, #tpu.memory_space<hbm>> -> memref<128x128xf32, #tpu.memory_space<hbm>>
    tpu.wait_dma2 semaphore(%arg9 : memref<!tpu.dma_semaphore, #tpu.memory_space<semaphore_mem>>) src(%arg6 : memref<128x128xf32, #tpu.memory_space<vmem>>) dst(%dma_wait3A_13 : memref<128x128xf32, #tpu.memory_space<hbm>>)
    %mul3A_14 = arith.constant 10 : i32
    %mul3A_15 = arith.muli %add3A, %mul3A_14 : i32
    %add3A_16 = arith.constant 9 : i32
    %add3A_17 = arith.addi %mul3A_15, %add3A_16 : i32
    %mul3A_18 = arith.constant 128 : i32
    %mul3A_19 = arith.muli %add3A_17, %mul3A_18 : i32
    %dma_wait3A_20 = arith.constant 0 : i32
    %dma_wait3A_21 = tpu.memref_slice %arg4[%mul3A_19, %dma_wait3A_20] : memref<40960x128xf32, #tpu.memory_space<hbm>> -> memref<128x128xf32, #tpu.memory_space<hbm>>
    %dma_wait3A_22 = arith.constant 0 : i32
    %dma_wait3A_23 = tpu.memref_slice %arg4[%mul3A_19, %dma_wait3A_22] : memref<40960x128xf32, #tpu.memory_space<hbm>> -> memref<128x128xf32, #tpu.memory_space<hbm>>
    tpu.wait_dma2 semaphore(%arg10 : memref<!tpu.dma_semaphore, #tpu.memory_space<semaphore_mem>>) src(%arg7 : memref<128x128xf32, #tpu.memory_space<vmem>>) dst(%dma_wait3A_23 : memref<128x128xf32, #tpu.memory_space<hbm>>)
    return
  }
}

#map = affine_map<(d0, d1) -> (0, 0)>
#map1 = affine_map<(d0, d1) -> (0, 0, 0)>
module attributes {stable_mosaic.version = 14 : i64} {
  func.func @kern(%arg0: i32, %arg1: i32, %arg2: memref<50000x128xf32, #tpu.memory_space<hbm>>, %arg3: memref<32x10x128xi32, #tpu.memory_space<hbm>>, %arg4: memref<40960x128xf32, #tpu.memory_space<hbm>>, %arg5: memref<10x128xi32, #tpu.memory_space<vmem>>, %arg6: memref<128x128xf32, #tpu.memory_space<vmem>>, %arg7: memref<128x128xf32, #tpu.memory_space<vmem>>, %arg8: memref<!tpu.dma_semaphore, #tpu.memory_space<semaphore_mem>>, %arg9: memref<!tpu.dma_semaphore, #tpu.memory_space<semaphore_mem>>, %arg10: memref<!tpu.dma_semaphore, #tpu.memory_space<semaphore_mem>>) attributes {dimension_semantics = [#tpu.dimension_semantics<core_parallel>, #tpu.dimension_semantics<subcore_parallel>], iteration_bounds = array<i64: 2, 16>, scalar_prefetch = 0 : i64, scratch_operands = 6 : i64, tpu.core_type = #tpu.core_type<sc_vector_subcore>, window_params = [{transform_indices = #map}, {transform_indices = #map1}, {transform_indices = #map}]} {
    %mul3A = arith.constant 2 : i32
    %mul3A_0 = arith.muli %arg1, %mul3A : i32
    %add3A = arith.addi %mul3A_0, %arg0 : i32
    "tpu.region"() ({
      %run_scoped3A = tpu.sem_alloc : memref<!tpu.dma_semaphore, #tpu.memory_space<semaphore_mem>>
      %dma_start3A = arith.constant 0 : i32
      %dma_start3A_24 = arith.constant 0 : i32
      %dma_start3A_25 = tpu.memref_slice %arg3[%add3A, %dma_start3A, %dma_start3A_24] : memref<32x10x128xi32, #tpu.memory_space<hbm>> -> memref<1x10x128xi32, #tpu.memory_space<hbm>>
      %dma_start3A_26 = tpu.memref_squeeze %dma_start3A_25 : memref<1x10x128xi32, #tpu.memory_space<hbm>> -> memref<10x128xi32, #tpu.memory_space<hbm>>
      %dma_start3A_27 = arith.constant 0 : i32
      %dma_start3A_28 = arith.constant 0 : i32
      %dma_start3A_29 = tpu.memref_slice %arg3[%add3A, %dma_start3A_27, %dma_start3A_28] : memref<32x10x128xi32, #tpu.memory_space<hbm>> -> memref<1x10x128xi32, #tpu.memory_space<hbm>>
      %dma_start3A_30 = tpu.memref_squeeze %dma_start3A_29 : memref<1x10x128xi32, #tpu.memory_space<hbm>> -> memref<10x128xi32, #tpu.memory_space<hbm>>
      tpu.enqueue_dma source(%dma_start3A_30 : memref<10x128xi32, #tpu.memory_space<hbm>>) target(%arg5 : memref<10x128xi32, #tpu.memory_space<vmem>>) target_semaphore(%run_scoped3A : memref<!tpu.dma_semaphore, #tpu.memory_space<semaphore_mem>>)
      %dma_wait3A_31 = arith.constant 0 : i32
      %dma_wait3A_32 = arith.constant 0 : i32
      %dma_wait3A_33 = tpu.memref_slice %arg3[%add3A, %dma_wait3A_31, %dma_wait3A_32] : memref<32x10x128xi32, #tpu.memory_space<hbm>> -> memref<1x10x128xi32, #tpu.memory_space<hbm>>
      %dma_wait3A_34 = tpu.memref_squeeze %dma_wait3A_33 : memref<1x10x128xi32, #tpu.memory_space<hbm>> -> memref<10x128xi32, #tpu.memory_space<hbm>>
      %dma_wait3A_35 = arith.constant 0 : i32
      %dma_wait3A_36 = arith.constant 0 : i32
      %dma_wait3A_37 = tpu.memref_slice %arg3[%add3A, %dma_wait3A_35, %dma_wait3A_36] : memref<32x10x128xi32, #tpu.memory_space<hbm>> -> memref<1x10x128xi32, #tpu.memory_space<hbm>>
      %dma_wait3A_38 = tpu.memref_squeeze %dma_wait3A_37 : memref<1x10x128xi32, #tpu.memory_space<hbm>> -> memref<10x128xi32, #tpu.memory_space<hbm>>
      tpu.wait_dma2 semaphore(%run_scoped3A : memref<!tpu.dma_semaphore, #tpu.memory_space<semaphore_mem>>) src(%dma_wait3A_38 : memref<10x128xi32, #tpu.memory_space<hbm>>) dst(%arg5 : memref<10x128xi32, #tpu.memory_space<vmem>>)
      tpu.yield
    }) : () -> ()
    %scan3A = arith.constant 0 : i32
    %scan3A_1 = arith.constant 5 : i32
    %scan3A_2 = arith.addi %scan3A, %scan3A_1 : i32
    %scan3A_3 = arith.constant 1 : i32
    scf.for %scan3A_24 = %scan3A to %scan3A_2 step %scan3A_3  : i32 {
      %mul3A_25 = arith.constant 2 : i32
      %mul3A_26 = arith.muli %scan3A_24, %mul3A_25 : i32
      %add3A_27 = arith.constant 0 : i32
      %add3A_28 = arith.addi %add3A_27, %mul3A_26 : i32
      %add3A_29 = arith.constant 0 : i32
      %add3A_30 = arith.addi %add3A_28, %add3A_29 : i32
      %mul3A_31 = arith.constant 10 : i32
      %mul3A_32 = arith.muli %add3A, %mul3A_31 : i32
      %add3A_33 = arith.addi %mul3A_32, %add3A_30 : i32
      %mul3A_34 = arith.constant 128 : i32
      %mul3A_35 = arith.muli %add3A_33, %mul3A_34 : i32
      %ge3A = arith.constant 2 : i32
      %ge3A_36 = arith.cmpi sge, %add3A_30, %ge3A : i32
      %convert_element_type3A = arith.extui %ge3A_36 : i1 to i32
      %cond3A = arith.constant 0 : i32
      %cond3A_37 = arith.cmpi ne, %convert_element_type3A, %cond3A : i32
      scf.if %cond3A_37 {
        %dma_wait3A_81 = arith.constant 0 : i32
        %dma_wait3A_82 = tpu.memref_slice %arg4[%mul3A_35, %dma_wait3A_81] : memref<40960x128xf32, #tpu.memory_space<hbm>> -> memref<128x128xf32, #tpu.memory_space<hbm>>
        %dma_wait3A_83 = arith.constant 0 : i32
        %dma_wait3A_84 = tpu.memref_slice %arg4[%mul3A_35, %dma_wait3A_83] : memref<40960x128xf32, #tpu.memory_space<hbm>> -> memref<128x128xf32, #tpu.memory_space<hbm>>
        tpu.wait_dma2 semaphore(%arg9 : memref<!tpu.dma_semaphore, #tpu.memory_space<semaphore_mem>>) src(%arg6 : memref<128x128xf32, #tpu.memory_space<vmem>>) dst(%dma_wait3A_84 : memref<128x128xf32, #tpu.memory_space<hbm>>)
      } else {
      }
      %dma_start3A = arith.constant 0 : i32
      %dma_start3A_38 = tpu.memref_slice %arg5[%add3A_30, %dma_start3A] : memref<10x128xi32, #tpu.memory_space<vmem>> -> memref<1x128xi32, #tpu.memory_space<vmem>>
      %dma_start3A_39 = tpu.memref_squeeze %dma_start3A_38 : memref<1x128xi32, #tpu.memory_space<vmem>> -> memref<128xi32, #tpu.memory_space<vmem>>
      %dma_start3A_40 = arith.constant 0 : i32
      %dma_start3A_41 = arith.constant 0 : i32
      %dma_start3A_42 = tpu.memref_slice %arg2[%dma_start3A_40, %dma_start3A_41] : memref<50000x128xf32, #tpu.memory_space<hbm>> -> memref<50000x128xf32, #tpu.memory_space<hbm>>
      tpu.enqueue_indirect_dma source(%dma_start3A_42 : memref<50000x128xf32, #tpu.memory_space<hbm>>) target(%arg6 : memref<128x128xf32, #tpu.memory_space<vmem>>) offsets(%dma_start3A_39 : memref<128xi32, #tpu.memory_space<vmem>>) semaphore(%arg8 : memref<!tpu.dma_semaphore, #tpu.memory_space<semaphore_mem>>)
      %dma_wait3A_43 = arith.constant 0 : i32
      %dma_wait3A_44 = tpu.memref_slice %arg5[%add3A_30, %dma_wait3A_43] : memref<10x128xi32, #tpu.memory_space<vmem>> -> memref<1x128xi32, #tpu.memory_space<vmem>>
      %dma_wait3A_45 = tpu.memref_squeeze %dma_wait3A_44 : memref<1x128xi32, #tpu.memory_space<vmem>> -> memref<128xi32, #tpu.memory_space<vmem>>
      %dma_wait3A_46 = arith.constant 0 : i32
      %dma_wait3A_47 = arith.constant 0 : i32
      %dma_wait3A_48 = tpu.memref_slice %arg2[%dma_wait3A_46, %dma_wait3A_47] : memref<50000x128xf32, #tpu.memory_space<hbm>> -> memref<50000x128xf32, #tpu.memory_space<hbm>>
      tpu.wait_indirect_dma semaphore(%arg8 : memref<!tpu.dma_semaphore, #tpu.memory_space<semaphore_mem>>) src(%dma_wait3A_48 : memref<50000x128xf32, #tpu.memory_space<hbm>>) dst(%arg6 : memref<128x128xf32, #tpu.memory_space<vmem>>)
      %dma_start3A_49 = arith.constant 0 : i32
      %dma_start3A_50 = tpu.memref_slice %arg4[%mul3A_35, %dma_start3A_49] : memref<40960x128xf32, #tpu.memory_space<hbm>> -> memref<128x128xf32, #tpu.memory_space<hbm>>
      %dma_start3A_51 = arith.constant 0 : i32
      %dma_start3A_52 = tpu.memref_slice %arg4[%mul3A_35, %dma_start3A_51] : memref<40960x128xf32, #tpu.memory_space<hbm>> -> memref<128x128xf32, #tpu.memory_space<hbm>>
      tpu.enqueue_dma source(%arg6 : memref<128x128xf32, #tpu.memory_space<vmem>>) target(%dma_start3A_52 : memref<128x128xf32, #tpu.memory_space<hbm>>) target_semaphore(%arg9 : memref<!tpu.dma_semaphore, #tpu.memory_space<semaphore_mem>>)
      %add3A_53 = arith.constant 1 : i32
      %add3A_54 = arith.addi %add3A_28, %add3A_53 : i32
      %mul3A_55 = arith.constant 10 : i32
      %mul3A_56 = arith.muli %add3A, %mul3A_55 : i32
      %add3A_57 = arith.addi %mul3A_56, %add3A_54 : i32
      %mul3A_58 = arith.constant 128 : i32
      %mul3A_59 = arith.muli %add3A_57, %mul3A_58 : i32
      %ge3A_60 = arith.constant 2 : i32
      %ge3A_61 = arith.cmpi sge, %add3A_54, %ge3A_60 : i32
      %convert_element_type3A_62 = arith.extui %ge3A_61 : i1 to i32
      %cond3A_63 = arith.constant 0 : i32
      %cond3A_64 = arith.cmpi ne, %convert_element_type3A_62, %cond3A_63 : i32
      scf.if %cond3A_64 {
        %dma_wait3A_81 = arith.constant 0 : i32
        %dma_wait3A_82 = tpu.memref_slice %arg4[%mul3A_59, %dma_wait3A_81] : memref<40960x128xf32, #tpu.memory_space<hbm>> -> memref<128x128xf32, #tpu.memory_space<hbm>>
        %dma_wait3A_83 = arith.constant 0 : i32
        %dma_wait3A_84 = tpu.memref_slice %arg4[%mul3A_59, %dma_wait3A_83] : memref<40960x128xf32, #tpu.memory_space<hbm>> -> memref<128x128xf32, #tpu.memory_space<hbm>>
        tpu.wait_dma2 semaphore(%arg10 : memref<!tpu.dma_semaphore, #tpu.memory_space<semaphore_mem>>) src(%arg7 : memref<128x128xf32, #tpu.memory_space<vmem>>) dst(%dma_wait3A_84 : memref<128x128xf32, #tpu.memory_space<hbm>>)
      } else {
      }
      %dma_start3A_65 = arith.constant 0 : i32
      %dma_start3A_66 = tpu.memref_slice %arg5[%add3A_54, %dma_start3A_65] : memref<10x128xi32, #tpu.memory_space<vmem>> -> memref<1x128xi32, #tpu.memory_space<vmem>>
      %dma_start3A_67 = tpu.memref_squeeze %dma_start3A_66 : memref<1x128xi32, #tpu.memory_space<vmem>> -> memref<128xi32, #tpu.memory_space<vmem>>
      %dma_start3A_68 = arith.constant 0 : i32
      %dma_start3A_69 = arith.constant 0 : i32
      %dma_start3A_70 = tpu.memref_slice %arg2[%dma_start3A_68, %dma_start3A_69] : memref<50000x128xf32, #tpu.memory_space<hbm>> -> memref<50000x128xf32, #tpu.memory_space<hbm>>
      tpu.enqueue_indirect_dma source(%dma_start3A_70 : memref<50000x128xf32, #tpu.memory_space<hbm>>) target(%arg7 : memref<128x128xf32, #tpu.memory_space<vmem>>) offsets(%dma_start3A_67 : memref<128xi32, #tpu.memory_space<vmem>>) semaphore(%arg8 : memref<!tpu.dma_semaphore, #tpu.memory_space<semaphore_mem>>)
      %dma_wait3A_71 = arith.constant 0 : i32
      %dma_wait3A_72 = tpu.memref_slice %arg5[%add3A_54, %dma_wait3A_71] : memref<10x128xi32, #tpu.memory_space<vmem>> -> memref<1x128xi32, #tpu.memory_space<vmem>>
      %dma_wait3A_73 = tpu.memref_squeeze %dma_wait3A_72 : memref<1x128xi32, #tpu.memory_space<vmem>> -> memref<128xi32, #tpu.memory_space<vmem>>
      %dma_wait3A_74 = arith.constant 0 : i32
      %dma_wait3A_75 = arith.constant 0 : i32
      %dma_wait3A_76 = tpu.memref_slice %arg2[%dma_wait3A_74, %dma_wait3A_75] : memref<50000x128xf32, #tpu.memory_space<hbm>> -> memref<50000x128xf32, #tpu.memory_space<hbm>>
      tpu.wait_indirect_dma semaphore(%arg8 : memref<!tpu.dma_semaphore, #tpu.memory_space<semaphore_mem>>) src(%dma_wait3A_76 : memref<50000x128xf32, #tpu.memory_space<hbm>>) dst(%arg7 : memref<128x128xf32, #tpu.memory_space<vmem>>)
      %dma_start3A_77 = arith.constant 0 : i32
      %dma_start3A_78 = tpu.memref_slice %arg4[%mul3A_59, %dma_start3A_77] : memref<40960x128xf32, #tpu.memory_space<hbm>> -> memref<128x128xf32, #tpu.memory_space<hbm>>
      %dma_start3A_79 = arith.constant 0 : i32
      %dma_start3A_80 = tpu.memref_slice %arg4[%mul3A_59, %dma_start3A_79] : memref<40960x128xf32, #tpu.memory_space<hbm>> -> memref<128x128xf32, #tpu.memory_space<hbm>>
      tpu.enqueue_dma source(%arg7 : memref<128x128xf32, #tpu.memory_space<vmem>>) target(%dma_start3A_80 : memref<128x128xf32, #tpu.memory_space<hbm>>) target_semaphore(%arg10 : memref<!tpu.dma_semaphore, #tpu.memory_space<semaphore_mem>>)
    }
    %scan3A_4 = arith.constant 5 : i32
    %mul3A_5 = arith.constant 10 : i32
    %mul3A_6 = arith.muli %add3A, %mul3A_5 : i32
    %add3A_7 = arith.constant 8 : i32
    %add3A_8 = arith.addi %mul3A_6, %add3A_7 : i32
    %mul3A_9 = arith.constant 128 : i32
    %mul3A_10 = arith.muli %add3A_8, %mul3A_9 : i32
    %dma_wait3A = arith.constant 0 : i32
    %dma_wait3A_11 = tpu.memref_slice %arg4[%mul3A_10, %dma_wait3A] : memref<40960x128xf32, #tpu.memory_space<hbm>> -> memref<128x128xf32, #tpu.memory_space<hbm>>
    %dma_wait3A_12 = arith.constant 0 : i32
    %dma_wait3A_13 = tpu.memref_slice %arg4[%mul3A_10, %dma_wait3A_12] : memref<40960x128xf32, #tpu.memory_space<hbm>> -> memref<128x128xf32, #tpu.memory_space<hbm>>
    tpu.wait_dma2 semaphore(%arg9 : memref<!tpu.dma_semaphore, #tpu.memory_space<semaphore_mem>>) src(%arg6 : memref<128x128xf32, #tpu.memory_space<vmem>>) dst(%dma_wait3A_13 : memref<128x128xf32, #tpu.memory_space<hbm>>)
    %mul3A_14 = arith.constant 10 : i32
    %mul3A_15 = arith.muli %add3A, %mul3A_14 : i32
    %add3A_16 = arith.constant 9 : i32
    %add3A_17 = arith.addi %mul3A_15, %add3A_16 : i32
    %mul3A_18 = arith.constant 128 : i32
    %mul3A_19 = arith.muli %add3A_17, %mul3A_18 : i32
    %dma_wait3A_20 = arith.constant 0 : i32
    %dma_wait3A_21 = tpu.memref_slice %arg4[%mul3A_19, %dma_wait3A_20] : memref<40960x128xf32, #tpu.memory_space<hbm>> -> memref<128x128xf32, #tpu.memory_space<hbm>>
    %dma_wait3A_22 = arith.constant 0 : i32
    %dma_wait3A_23 = tpu.memref_slice %arg4[%mul3A_19, %dma_wait3A_22] : memref<40960x128xf32, #tpu.memory_space<hbm>> -> memref<128x128xf32, #tpu.memory_space<hbm>>
    tpu.wait_dma2 semaphore(%arg10 : memref<!tpu.dma_semaphore, #tpu.memory_space<semaphore_mem>>) src(%arg7 : memref<128x128xf32, #tpu.memory_space<vmem>>) dst(%dma_wait3A_23 : memref<128x128xf32, #tpu.memory_space<hbm>>)
    return
  }
}

#map = affine_map<(d0, d1) -> (0, 0)>
#map1 = affine_map<(d0, d1) -> (0, 0, 0)>
module attributes {stable_mosaic.version = 14 : i64} {
  func.func @kern(%arg0: i32, %arg1: i32, %arg2: memref<50000x128xf32, #tpu.memory_space<hbm>>, %arg3: memref<32x10x128xi32, #tpu.memory_space<hbm>>, %arg4: memref<40960x128xf32, #tpu.memory_space<hbm>>, %arg5: memref<10x128xi32, #tpu.memory_space<vmem>>, %arg6: memref<128x128xf32, #tpu.memory_space<vmem>>, %arg7: memref<128x128xf32, #tpu.memory_space<vmem>>, %arg8: memref<!tpu.dma_semaphore, #tpu.memory_space<semaphore_mem>>, %arg9: memref<!tpu.dma_semaphore, #tpu.memory_space<semaphore_mem>>, %arg10: memref<!tpu.dma_semaphore, #tpu.memory_space<semaphore_mem>>) attributes {dimension_semantics = [#tpu.dimension_semantics<core_parallel>, #tpu.dimension_semantics<subcore_parallel>], iteration_bounds = array<i64: 2, 16>, scalar_prefetch = 0 : i64, scratch_operands = 6 : i64, tpu.core_type = #tpu.core_type<sc_vector_subcore>, window_params = [{transform_indices = #map}, {transform_indices = #map1}, {transform_indices = #map}]} {
    %mul3A = arith.constant 2 : i32
    %mul3A_0 = arith.muli %arg1, %mul3A : i32
    %add3A = arith.addi %mul3A_0, %arg0 : i32
    "tpu.region"() ({
      %run_scoped3A = tpu.sem_alloc : memref<!tpu.dma_semaphore, #tpu.memory_space<semaphore_mem>>
      %dma_start3A = arith.constant 0 : i32
      %dma_start3A_24 = arith.constant 0 : i32
      %dma_start3A_25 = tpu.memref_slice %arg3[%add3A, %dma_start3A, %dma_start3A_24] : memref<32x10x128xi32, #tpu.memory_space<hbm>> -> memref<1x10x128xi32, #tpu.memory_space<hbm>>
      %dma_start3A_26 = tpu.memref_squeeze %dma_start3A_25 : memref<1x10x128xi32, #tpu.memory_space<hbm>> -> memref<10x128xi32, #tpu.memory_space<hbm>>
      %dma_start3A_27 = arith.constant 0 : i32
      %dma_start3A_28 = arith.constant 0 : i32
      %dma_start3A_29 = tpu.memref_slice %arg3[%add3A, %dma_start3A_27, %dma_start3A_28] : memref<32x10x128xi32, #tpu.memory_space<hbm>> -> memref<1x10x128xi32, #tpu.memory_space<hbm>>
      %dma_start3A_30 = tpu.memref_squeeze %dma_start3A_29 : memref<1x10x128xi32, #tpu.memory_space<hbm>> -> memref<10x128xi32, #tpu.memory_space<hbm>>
      tpu.enqueue_dma source(%dma_start3A_30 : memref<10x128xi32, #tpu.memory_space<hbm>>) target(%arg5 : memref<10x128xi32, #tpu.memory_space<vmem>>) target_semaphore(%run_scoped3A : memref<!tpu.dma_semaphore, #tpu.memory_space<semaphore_mem>>)
      %dma_wait3A_31 = arith.constant 0 : i32
      %dma_wait3A_32 = arith.constant 0 : i32
      %dma_wait3A_33 = tpu.memref_slice %arg3[%add3A, %dma_wait3A_31, %dma_wait3A_32] : memref<32x10x128xi32, #tpu.memory_space<hbm>> -> memref<1x10x128xi32, #tpu.memory_space<hbm>>
      %dma_wait3A_34 = tpu.memref_squeeze %dma_wait3A_33 : memref<1x10x128xi32, #tpu.memory_space<hbm>> -> memref<10x128xi32, #tpu.memory_space<hbm>>
      %dma_wait3A_35 = arith.constant 0 : i32
      %dma_wait3A_36 = arith.constant 0 : i32
      %dma_wait3A_37 = tpu.memref_slice %arg3[%add3A, %dma_wait3A_35, %dma_wait3A_36] : memref<32x10x128xi32, #tpu.memory_space<hbm>> -> memref<1x10x128xi32, #tpu.memory_space<hbm>>
      %dma_wait3A_38 = tpu.memref_squeeze %dma_wait3A_37 : memref<1x10x128xi32, #tpu.memory_space<hbm>> -> memref<10x128xi32, #tpu.memory_space<hbm>>
      tpu.wait_dma2 semaphore(%run_scoped3A : memref<!tpu.dma_semaphore, #tpu.memory_space<semaphore_mem>>) src(%dma_wait3A_38 : memref<10x128xi32, #tpu.memory_space<hbm>>) dst(%arg5 : memref<10x128xi32, #tpu.memory_space<vmem>>)
      tpu.yield
    }) : () -> ()
    %scan3A = arith.constant 0 : i32
    %scan3A_1 = arith.constant 5 : i32
    %scan3A_2 = arith.addi %scan3A, %scan3A_1 : i32
    %scan3A_3 = arith.constant 1 : i32
    scf.for %scan3A_24 = %scan3A to %scan3A_2 step %scan3A_3  : i32 {
      %mul3A_25 = arith.constant 2 : i32
      %mul3A_26 = arith.muli %scan3A_24, %mul3A_25 : i32
      %add3A_27 = arith.constant 0 : i32
      %add3A_28 = arith.addi %add3A_27, %mul3A_26 : i32
      %add3A_29 = arith.constant 0 : i32
      %add3A_30 = arith.addi %add3A_28, %add3A_29 : i32
      %mul3A_31 = arith.constant 10 : i32
      %mul3A_32 = arith.muli %add3A, %mul3A_31 : i32
      %add3A_33 = arith.addi %mul3A_32, %add3A_30 : i32
      %mul3A_34 = arith.constant 128 : i32
      %mul3A_35 = arith.muli %add3A_33, %mul3A_34 : i32
      %ge3A = arith.constant 2 : i32
      %ge3A_36 = arith.cmpi sge, %add3A_30, %ge3A : i32
      %convert_element_type3A = arith.extui %ge3A_36 : i1 to i32
      %cond3A = arith.constant 0 : i32
      %cond3A_37 = arith.cmpi ne, %convert_element_type3A, %cond3A : i32
      scf.if %cond3A_37 {
        %dma_wait3A_81 = arith.constant 0 : i32
        %dma_wait3A_82 = tpu.memref_slice %arg4[%mul3A_35, %dma_wait3A_81] : memref<40960x128xf32, #tpu.memory_space<hbm>> -> memref<128x128xf32, #tpu.memory_space<hbm>>
        %dma_wait3A_83 = arith.constant 0 : i32
        %dma_wait3A_84 = tpu.memref_slice %arg4[%mul3A_35, %dma_wait3A_83] : memref<40960x128xf32, #tpu.memory_space<hbm>> -> memref<128x128xf32, #tpu.memory_space<hbm>>
        tpu.wait_dma2 semaphore(%arg9 : memref<!tpu.dma_semaphore, #tpu.memory_space<semaphore_mem>>) src(%arg6 : memref<128x128xf32, #tpu.memory_space<vmem>>) dst(%dma_wait3A_84 : memref<128x128xf32, #tpu.memory_space<hbm>>)
      } else {
      }
      %dma_start3A = arith.constant 0 : i32
      %dma_start3A_38 = tpu.memref_slice %arg5[%add3A_30, %dma_start3A] : memref<10x128xi32, #tpu.memory_space<vmem>> -> memref<1x128xi32, #tpu.memory_space<vmem>>
      %dma_start3A_39 = tpu.memref_squeeze %dma_start3A_38 : memref<1x128xi32, #tpu.memory_space<vmem>> -> memref<128xi32, #tpu.memory_space<vmem>>
      %dma_start3A_40 = arith.constant 0 : i32
      %dma_start3A_41 = arith.constant 0 : i32
      %dma_start3A_42 = tpu.memref_slice %arg2[%dma_start3A_40, %dma_start3A_41] : memref<50000x128xf32, #tpu.memory_space<hbm>> -> memref<50000x128xf32, #tpu.memory_space<hbm>>
      tpu.enqueue_indirect_dma source(%dma_start3A_42 : memref<50000x128xf32, #tpu.memory_space<hbm>>) target(%arg6 : memref<128x128xf32, #tpu.memory_space<vmem>>) offsets(%dma_start3A_39 : memref<128xi32, #tpu.memory_space<vmem>>) semaphore(%arg8 : memref<!tpu.dma_semaphore, #tpu.memory_space<semaphore_mem>>)
      %dma_wait3A_43 = arith.constant 0 : i32
      %dma_wait3A_44 = tpu.memref_slice %arg5[%add3A_30, %dma_wait3A_43] : memref<10x128xi32, #tpu.memory_space<vmem>> -> memref<1x128xi32, #tpu.memory_space<vmem>>
      %dma_wait3A_45 = tpu.memref_squeeze %dma_wait3A_44 : memref<1x128xi32, #tpu.memory_space<vmem>> -> memref<128xi32, #tpu.memory_space<vmem>>
      %dma_wait3A_46 = arith.constant 0 : i32
      %dma_wait3A_47 = arith.constant 0 : i32
      %dma_wait3A_48 = tpu.memref_slice %arg2[%dma_wait3A_46, %dma_wait3A_47] : memref<50000x128xf32, #tpu.memory_space<hbm>> -> memref<50000x128xf32, #tpu.memory_space<hbm>>
      tpu.wait_indirect_dma semaphore(%arg8 : memref<!tpu.dma_semaphore, #tpu.memory_space<semaphore_mem>>) src(%dma_wait3A_48 : memref<50000x128xf32, #tpu.memory_space<hbm>>) dst(%arg6 : memref<128x128xf32, #tpu.memory_space<vmem>>)
      %dma_start3A_49 = arith.constant 0 : i32
      %dma_start3A_50 = tpu.memref_slice %arg4[%mul3A_35, %dma_start3A_49] : memref<40960x128xf32, #tpu.memory_space<hbm>> -> memref<128x128xf32, #tpu.memory_space<hbm>>
      %dma_start3A_51 = arith.constant 0 : i32
      %dma_start3A_52 = tpu.memref_slice %arg4[%mul3A_35, %dma_start3A_51] : memref<40960x128xf32, #tpu.memory_space<hbm>> -> memref<128x128xf32, #tpu.memory_space<hbm>>
      tpu.enqueue_dma source(%arg6 : memref<128x128xf32, #tpu.memory_space<vmem>>) target(%dma_start3A_52 : memref<128x128xf32, #tpu.memory_space<hbm>>) target_semaphore(%arg9 : memref<!tpu.dma_semaphore, #tpu.memory_space<semaphore_mem>>)
      %add3A_53 = arith.constant 1 : i32
      %add3A_54 = arith.addi %add3A_28, %add3A_53 : i32
      %mul3A_55 = arith.constant 10 : i32
      %mul3A_56 = arith.muli %add3A, %mul3A_55 : i32
      %add3A_57 = arith.addi %mul3A_56, %add3A_54 : i32
      %mul3A_58 = arith.constant 128 : i32
      %mul3A_59 = arith.muli %add3A_57, %mul3A_58 : i32
      %ge3A_60 = arith.constant 2 : i32
      %ge3A_61 = arith.cmpi sge, %add3A_54, %ge3A_60 : i32
      %convert_element_type3A_62 = arith.extui %ge3A_61 : i1 to i32
      %cond3A_63 = arith.constant 0 : i32
      %cond3A_64 = arith.cmpi ne, %convert_element_type3A_62, %cond3A_63 : i32
      scf.if %cond3A_64 {
        %dma_wait3A_81 = arith.constant 0 : i32
        %dma_wait3A_82 = tpu.memref_slice %arg4[%mul3A_59, %dma_wait3A_81] : memref<40960x128xf32, #tpu.memory_space<hbm>> -> memref<128x128xf32, #tpu.memory_space<hbm>>
        %dma_wait3A_83 = arith.constant 0 : i32
        %dma_wait3A_84 = tpu.memref_slice %arg4[%mul3A_59, %dma_wait3A_83] : memref<40960x128xf32, #tpu.memory_space<hbm>> -> memref<128x128xf32, #tpu.memory_space<hbm>>
        tpu.wait_dma2 semaphore(%arg10 : memref<!tpu.dma_semaphore, #tpu.memory_space<semaphore_mem>>) src(%arg7 : memref<128x128xf32, #tpu.memory_space<vmem>>) dst(%dma_wait3A_84 : memref<128x128xf32, #tpu.memory_space<hbm>>)
      } else {
      }
      %dma_start3A_65 = arith.constant 0 : i32
      %dma_start3A_66 = tpu.memref_slice %arg5[%add3A_54, %dma_start3A_65] : memref<10x128xi32, #tpu.memory_space<vmem>> -> memref<1x128xi32, #tpu.memory_space<vmem>>
      %dma_start3A_67 = tpu.memref_squeeze %dma_start3A_66 : memref<1x128xi32, #tpu.memory_space<vmem>> -> memref<128xi32, #tpu.memory_space<vmem>>
      %dma_start3A_68 = arith.constant 0 : i32
      %dma_start3A_69 = arith.constant 0 : i32
      %dma_start3A_70 = tpu.memref_slice %arg2[%dma_start3A_68, %dma_start3A_69] : memref<50000x128xf32, #tpu.memory_space<hbm>> -> memref<50000x128xf32, #tpu.memory_space<hbm>>
      tpu.enqueue_indirect_dma source(%dma_start3A_70 : memref<50000x128xf32, #tpu.memory_space<hbm>>) target(%arg7 : memref<128x128xf32, #tpu.memory_space<vmem>>) offsets(%dma_start3A_67 : memref<128xi32, #tpu.memory_space<vmem>>) semaphore(%arg8 : memref<!tpu.dma_semaphore, #tpu.memory_space<semaphore_mem>>)
      %dma_wait3A_71 = arith.constant 0 : i32
      %dma_wait3A_72 = tpu.memref_slice %arg5[%add3A_54, %dma_wait3A_71] : memref<10x128xi32, #tpu.memory_space<vmem>> -> memref<1x128xi32, #tpu.memory_space<vmem>>
      %dma_wait3A_73 = tpu.memref_squeeze %dma_wait3A_72 : memref<1x128xi32, #tpu.memory_space<vmem>> -> memref<128xi32, #tpu.memory_space<vmem>>
      %dma_wait3A_74 = arith.constant 0 : i32
      %dma_wait3A_75 = arith.constant 0 : i32
      %dma_wait3A_76 = tpu.memref_slice %arg2[%dma_wait3A_74, %dma_wait3A_75] : memref<50000x128xf32, #tpu.memory_space<hbm>> -> memref<50000x128xf32, #tpu.memory_space<hbm>>
      tpu.wait_indirect_dma semaphore(%arg8 : memref<!tpu.dma_semaphore, #tpu.memory_space<semaphore_mem>>) src(%dma_wait3A_76 : memref<50000x128xf32, #tpu.memory_space<hbm>>) dst(%arg7 : memref<128x128xf32, #tpu.memory_space<vmem>>)
      %dma_start3A_77 = arith.constant 0 : i32
      %dma_start3A_78 = tpu.memref_slice %arg4[%mul3A_59, %dma_start3A_77] : memref<40960x128xf32, #tpu.memory_space<hbm>> -> memref<128x128xf32, #tpu.memory_space<hbm>>
      %dma_start3A_79 = arith.constant 0 : i32
      %dma_start3A_80 = tpu.memref_slice %arg4[%mul3A_59, %dma_start3A_79] : memref<40960x128xf32, #tpu.memory_space<hbm>> -> memref<128x128xf32, #tpu.memory_space<hbm>>
      tpu.enqueue_dma source(%arg7 : memref<128x128xf32, #tpu.memory_space<vmem>>) target(%dma_start3A_80 : memref<128x128xf32, #tpu.memory_space<hbm>>) target_semaphore(%arg10 : memref<!tpu.dma_semaphore, #tpu.memory_space<semaphore_mem>>)
    }
    %scan3A_4 = arith.constant 5 : i32
    %mul3A_5 = arith.constant 10 : i32
    %mul3A_6 = arith.muli %add3A, %mul3A_5 : i32
    %add3A_7 = arith.constant 8 : i32
    %add3A_8 = arith.addi %mul3A_6, %add3A_7 : i32
    %mul3A_9 = arith.constant 128 : i32
    %mul3A_10 = arith.muli %add3A_8, %mul3A_9 : i32
    %dma_wait3A = arith.constant 0 : i32
    %dma_wait3A_11 = tpu.memref_slice %arg4[%mul3A_10, %dma_wait3A] : memref<40960x128xf32, #tpu.memory_space<hbm>> -> memref<128x128xf32, #tpu.memory_space<hbm>>
    %dma_wait3A_12 = arith.constant 0 : i32
    %dma_wait3A_13 = tpu.memref_slice %arg4[%mul3A_10, %dma_wait3A_12] : memref<40960x128xf32, #tpu.memory_space<hbm>> -> memref<128x128xf32, #tpu.memory_space<hbm>>
    tpu.wait_dma2 semaphore(%arg9 : memref<!tpu.dma_semaphore, #tpu.memory_space<semaphore_mem>>) src(%arg6 : memref<128x128xf32, #tpu.memory_space<vmem>>) dst(%dma_wait3A_13 : memref<128x128xf32, #tpu.memory_space<hbm>>)
    %mul3A_14 = arith.constant 10 : i32
    %mul3A_15 = arith.muli %add3A, %mul3A_14 : i32
    %add3A_16 = arith.constant 9 : i32
    %add3A_17 = arith.addi %mul3A_15, %add3A_16 : i32
    %mul3A_18 = arith.constant 128 : i32
    %mul3A_19 = arith.muli %add3A_17, %mul3A_18 : i32
    %dma_wait3A_20 = arith.constant 0 : i32
    %dma_wait3A_21 = tpu.memref_slice %arg4[%mul3A_19, %dma_wait3A_20] : memref<40960x128xf32, #tpu.memory_space<hbm>> -> memref<128x128xf32, #tpu.memory_space<hbm>>
    %dma_wait3A_22 = arith.constant 0 : i32
    %dma_wait3A_23 = tpu.memref_slice %arg4[%mul3A_19, %dma_wait3A_22] : memref<40960x128xf32, #tpu.memory_space<hbm>> -> memref<128x128xf32, #tpu.memory_space<hbm>>
    tpu.wait_dma2 semaphore(%arg10 : memref<!tpu.dma_semaphore, #tpu.memory_space<semaphore_mem>>) src(%arg7 : memref<128x128xf32, #tpu.memory_space<vmem>>) dst(%dma_wait3A_23 : memref<128x128xf32, #tpu.memory_space<hbm>>)
    return
  }
}

#map = affine_map<(d0, d1) -> (0, 0)>
#map1 = affine_map<(d0, d1) -> (0, 0, 0)>
module attributes {stable_mosaic.version = 14 : i64} {
  func.func @kern(%arg0: i32, %arg1: i32, %arg2: memref<50000x128xf32, #tpu.memory_space<hbm>>, %arg3: memref<32x10x128xi32, #tpu.memory_space<hbm>>, %arg4: memref<40960x128xf32, #tpu.memory_space<hbm>>, %arg5: memref<10x128xi32, #tpu.memory_space<vmem>>, %arg6: memref<128x128xf32, #tpu.memory_space<vmem>>, %arg7: memref<128x128xf32, #tpu.memory_space<vmem>>, %arg8: memref<!tpu.dma_semaphore, #tpu.memory_space<semaphore_mem>>, %arg9: memref<!tpu.dma_semaphore, #tpu.memory_space<semaphore_mem>>, %arg10: memref<!tpu.dma_semaphore, #tpu.memory_space<semaphore_mem>>) attributes {dimension_semantics = [#tpu.dimension_semantics<core_parallel>, #tpu.dimension_semantics<subcore_parallel>], iteration_bounds = array<i64: 2, 16>, scalar_prefetch = 0 : i64, scratch_operands = 6 : i64, tpu.core_type = #tpu.core_type<sc_vector_subcore>, window_params = [{transform_indices = #map}, {transform_indices = #map1}, {transform_indices = #map}]} {
    %mul3A = arith.constant 2 : i32
    %mul3A_0 = arith.muli %arg1, %mul3A : i32
    %add3A = arith.addi %mul3A_0, %arg0 : i32
    "tpu.region"() ({
      %run_scoped3A = tpu.sem_alloc : memref<!tpu.dma_semaphore, #tpu.memory_space<semaphore_mem>>
      %dma_start3A = arith.constant 0 : i32
      %dma_start3A_24 = arith.constant 0 : i32
      %dma_start3A_25 = tpu.memref_slice %arg3[%add3A, %dma_start3A, %dma_start3A_24] : memref<32x10x128xi32, #tpu.memory_space<hbm>> -> memref<1x10x128xi32, #tpu.memory_space<hbm>>
      %dma_start3A_26 = tpu.memref_squeeze %dma_start3A_25 : memref<1x10x128xi32, #tpu.memory_space<hbm>> -> memref<10x128xi32, #tpu.memory_space<hbm>>
      %dma_start3A_27 = arith.constant 0 : i32
      %dma_start3A_28 = arith.constant 0 : i32
      %dma_start3A_29 = tpu.memref_slice %arg3[%add3A, %dma_start3A_27, %dma_start3A_28] : memref<32x10x128xi32, #tpu.memory_space<hbm>> -> memref<1x10x128xi32, #tpu.memory_space<hbm>>
      %dma_start3A_30 = tpu.memref_squeeze %dma_start3A_29 : memref<1x10x128xi32, #tpu.memory_space<hbm>> -> memref<10x128xi32, #tpu.memory_space<hbm>>
      tpu.enqueue_dma source(%dma_start3A_30 : memref<10x128xi32, #tpu.memory_space<hbm>>) target(%arg5 : memref<10x128xi32, #tpu.memory_space<vmem>>) target_semaphore(%run_scoped3A : memref<!tpu.dma_semaphore, #tpu.memory_space<semaphore_mem>>)
      %dma_wait3A_31 = arith.constant 0 : i32
      %dma_wait3A_32 = arith.constant 0 : i32
      %dma_wait3A_33 = tpu.memref_slice %arg3[%add3A, %dma_wait3A_31, %dma_wait3A_32] : memref<32x10x128xi32, #tpu.memory_space<hbm>> -> memref<1x10x128xi32, #tpu.memory_space<hbm>>
      %dma_wait3A_34 = tpu.memref_squeeze %dma_wait3A_33 : memref<1x10x128xi32, #tpu.memory_space<hbm>> -> memref<10x128xi32, #tpu.memory_space<hbm>>
      %dma_wait3A_35 = arith.constant 0 : i32
      %dma_wait3A_36 = arith.constant 0 : i32
      %dma_wait3A_37 = tpu.memref_slice %arg3[%add3A, %dma_wait3A_35, %dma_wait3A_36] : memref<32x10x128xi32, #tpu.memory_space<hbm>> -> memref<1x10x128xi32, #tpu.memory_space<hbm>>
      %dma_wait3A_38 = tpu.memref_squeeze %dma_wait3A_37 : memref<1x10x128xi32, #tpu.memory_space<hbm>> -> memref<10x128xi32, #tpu.memory_space<hbm>>
      tpu.wait_dma2 semaphore(%run_scoped3A : memref<!tpu.dma_semaphore, #tpu.memory_space<semaphore_mem>>) src(%dma_wait3A_38 : memref<10x128xi32, #tpu.memory_space<hbm>>) dst(%arg5 : memref<10x128xi32, #tpu.memory_space<vmem>>)
      tpu.yield
    }) : () -> ()
    %scan3A = arith.constant 0 : i32
    %scan3A_1 = arith.constant 5 : i32
    %scan3A_2 = arith.addi %scan3A, %scan3A_1 : i32
    %scan3A_3 = arith.constant 1 : i32
    scf.for %scan3A_24 = %scan3A to %scan3A_2 step %scan3A_3  : i32 {
      %mul3A_25 = arith.constant 2 : i32
      %mul3A_26 = arith.muli %scan3A_24, %mul3A_25 : i32
      %add3A_27 = arith.constant 0 : i32
      %add3A_28 = arith.addi %add3A_27, %mul3A_26 : i32
      %add3A_29 = arith.constant 0 : i32
      %add3A_30 = arith.addi %add3A_28, %add3A_29 : i32
      %mul3A_31 = arith.constant 10 : i32
      %mul3A_32 = arith.muli %add3A, %mul3A_31 : i32
      %add3A_33 = arith.addi %mul3A_32, %add3A_30 : i32
      %mul3A_34 = arith.constant 128 : i32
      %mul3A_35 = arith.muli %add3A_33, %mul3A_34 : i32
      %ge3A = arith.constant 2 : i32
      %ge3A_36 = arith.cmpi sge, %add3A_30, %ge3A : i32
      %convert_element_type3A = arith.extui %ge3A_36 : i1 to i32
      %cond3A = arith.constant 0 : i32
      %cond3A_37 = arith.cmpi ne, %convert_element_type3A, %cond3A : i32
      scf.if %cond3A_37 {
        %dma_wait3A_81 = arith.constant 0 : i32
        %dma_wait3A_82 = tpu.memref_slice %arg4[%mul3A_35, %dma_wait3A_81] : memref<40960x128xf32, #tpu.memory_space<hbm>> -> memref<128x128xf32, #tpu.memory_space<hbm>>
        %dma_wait3A_83 = arith.constant 0 : i32
        %dma_wait3A_84 = tpu.memref_slice %arg4[%mul3A_35, %dma_wait3A_83] : memref<40960x128xf32, #tpu.memory_space<hbm>> -> memref<128x128xf32, #tpu.memory_space<hbm>>
        tpu.wait_dma2 semaphore(%arg9 : memref<!tpu.dma_semaphore, #tpu.memory_space<semaphore_mem>>) src(%arg6 : memref<128x128xf32, #tpu.memory_space<vmem>>) dst(%dma_wait3A_84 : memref<128x128xf32, #tpu.memory_space<hbm>>)
      } else {
      }
      %dma_start3A = arith.constant 0 : i32
      %dma_start3A_38 = tpu.memref_slice %arg5[%add3A_30, %dma_start3A] : memref<10x128xi32, #tpu.memory_space<vmem>> -> memref<1x128xi32, #tpu.memory_space<vmem>>
      %dma_start3A_39 = tpu.memref_squeeze %dma_start3A_38 : memref<1x128xi32, #tpu.memory_space<vmem>> -> memref<128xi32, #tpu.memory_space<vmem>>
      %dma_start3A_40 = arith.constant 0 : i32
      %dma_start3A_41 = arith.constant 0 : i32
      %dma_start3A_42 = tpu.memref_slice %arg2[%dma_start3A_40, %dma_start3A_41] : memref<50000x128xf32, #tpu.memory_space<hbm>> -> memref<50000x128xf32, #tpu.memory_space<hbm>>
      tpu.enqueue_indirect_dma source(%dma_start3A_42 : memref<50000x128xf32, #tpu.memory_space<hbm>>) target(%arg6 : memref<128x128xf32, #tpu.memory_space<vmem>>) offsets(%dma_start3A_39 : memref<128xi32, #tpu.memory_space<vmem>>) semaphore(%arg8 : memref<!tpu.dma_semaphore, #tpu.memory_space<semaphore_mem>>)
      %dma_wait3A_43 = arith.constant 0 : i32
      %dma_wait3A_44 = tpu.memref_slice %arg5[%add3A_30, %dma_wait3A_43] : memref<10x128xi32, #tpu.memory_space<vmem>> -> memref<1x128xi32, #tpu.memory_space<vmem>>
      %dma_wait3A_45 = tpu.memref_squeeze %dma_wait3A_44 : memref<1x128xi32, #tpu.memory_space<vmem>> -> memref<128xi32, #tpu.memory_space<vmem>>
      %dma_wait3A_46 = arith.constant 0 : i32
      %dma_wait3A_47 = arith.constant 0 : i32
      %dma_wait3A_48 = tpu.memref_slice %arg2[%dma_wait3A_46, %dma_wait3A_47] : memref<50000x128xf32, #tpu.memory_space<hbm>> -> memref<50000x128xf32, #tpu.memory_space<hbm>>
      tpu.wait_indirect_dma semaphore(%arg8 : memref<!tpu.dma_semaphore, #tpu.memory_space<semaphore_mem>>) src(%dma_wait3A_48 : memref<50000x128xf32, #tpu.memory_space<hbm>>) dst(%arg6 : memref<128x128xf32, #tpu.memory_space<vmem>>)
      %dma_start3A_49 = arith.constant 0 : i32
      %dma_start3A_50 = tpu.memref_slice %arg4[%mul3A_35, %dma_start3A_49] : memref<40960x128xf32, #tpu.memory_space<hbm>> -> memref<128x128xf32, #tpu.memory_space<hbm>>
      %dma_start3A_51 = arith.constant 0 : i32
      %dma_start3A_52 = tpu.memref_slice %arg4[%mul3A_35, %dma_start3A_51] : memref<40960x128xf32, #tpu.memory_space<hbm>> -> memref<128x128xf32, #tpu.memory_space<hbm>>
      tpu.enqueue_dma source(%arg6 : memref<128x128xf32, #tpu.memory_space<vmem>>) target(%dma_start3A_52 : memref<128x128xf32, #tpu.memory_space<hbm>>) target_semaphore(%arg9 : memref<!tpu.dma_semaphore, #tpu.memory_space<semaphore_mem>>)
      %add3A_53 = arith.constant 1 : i32
      %add3A_54 = arith.addi %add3A_28, %add3A_53 : i32
      %mul3A_55 = arith.constant 10 : i32
      %mul3A_56 = arith.muli %add3A, %mul3A_55 : i32
      %add3A_57 = arith.addi %mul3A_56, %add3A_54 : i32
      %mul3A_58 = arith.constant 128 : i32
      %mul3A_59 = arith.muli %add3A_57, %mul3A_58 : i32
      %ge3A_60 = arith.constant 2 : i32
      %ge3A_61 = arith.cmpi sge, %add3A_54, %ge3A_60 : i32
      %convert_element_type3A_62 = arith.extui %ge3A_61 : i1 to i32
      %cond3A_63 = arith.constant 0 : i32
      %cond3A_64 = arith.cmpi ne, %convert_element_type3A_62, %cond3A_63 : i32
      scf.if %cond3A_64 {
        %dma_wait3A_81 = arith.constant 0 : i32
        %dma_wait3A_82 = tpu.memref_slice %arg4[%mul3A_59, %dma_wait3A_81] : memref<40960x128xf32, #tpu.memory_space<hbm>> -> memref<128x128xf32, #tpu.memory_space<hbm>>
        %dma_wait3A_83 = arith.constant 0 : i32
        %dma_wait3A_84 = tpu.memref_slice %arg4[%mul3A_59, %dma_wait3A_83] : memref<40960x128xf32, #tpu.memory_space<hbm>> -> memref<128x128xf32, #tpu.memory_space<hbm>>
        tpu.wait_dma2 semaphore(%arg10 : memref<!tpu.dma_semaphore, #tpu.memory_space<semaphore_mem>>) src(%arg7 : memref<128x128xf32, #tpu.memory_space<vmem>>) dst(%dma_wait3A_84 : memref<128x128xf32, #tpu.memory_space<hbm>>)
      } else {
      }
      %dma_start3A_65 = arith.constant 0 : i32
      %dma_start3A_66 = tpu.memref_slice %arg5[%add3A_54, %dma_start3A_65] : memref<10x128xi32, #tpu.memory_space<vmem>> -> memref<1x128xi32, #tpu.memory_space<vmem>>
      %dma_start3A_67 = tpu.memref_squeeze %dma_start3A_66 : memref<1x128xi32, #tpu.memory_space<vmem>> -> memref<128xi32, #tpu.memory_space<vmem>>
      %dma_start3A_68 = arith.constant 0 : i32
      %dma_start3A_69 = arith.constant 0 : i32
      %dma_start3A_70 = tpu.memref_slice %arg2[%dma_start3A_68, %dma_start3A_69] : memref<50000x128xf32, #tpu.memory_space<hbm>> -> memref<50000x128xf32, #tpu.memory_space<hbm>>
      tpu.enqueue_indirect_dma source(%dma_start3A_70 : memref<50000x128xf32, #tpu.memory_space<hbm>>) target(%arg7 : memref<128x128xf32, #tpu.memory_space<vmem>>) offsets(%dma_start3A_67 : memref<128xi32, #tpu.memory_space<vmem>>) semaphore(%arg8 : memref<!tpu.dma_semaphore, #tpu.memory_space<semaphore_mem>>)
      %dma_wait3A_71 = arith.constant 0 : i32
      %dma_wait3A_72 = tpu.memref_slice %arg5[%add3A_54, %dma_wait3A_71] : memref<10x128xi32, #tpu.memory_space<vmem>> -> memref<1x128xi32, #tpu.memory_space<vmem>>
      %dma_wait3A_73 = tpu.memref_squeeze %dma_wait3A_72 : memref<1x128xi32, #tpu.memory_space<vmem>> -> memref<128xi32, #tpu.memory_space<vmem>>
      %dma_wait3A_74 = arith.constant 0 : i32
      %dma_wait3A_75 = arith.constant 0 : i32
      %dma_wait3A_76 = tpu.memref_slice %arg2[%dma_wait3A_74, %dma_wait3A_75] : memref<50000x128xf32, #tpu.memory_space<hbm>> -> memref<50000x128xf32, #tpu.memory_space<hbm>>
      tpu.wait_indirect_dma semaphore(%arg8 : memref<!tpu.dma_semaphore, #tpu.memory_space<semaphore_mem>>) src(%dma_wait3A_76 : memref<50000x128xf32, #tpu.memory_space<hbm>>) dst(%arg7 : memref<128x128xf32, #tpu.memory_space<vmem>>)
      %dma_start3A_77 = arith.constant 0 : i32
      %dma_start3A_78 = tpu.memref_slice %arg4[%mul3A_59, %dma_start3A_77] : memref<40960x128xf32, #tpu.memory_space<hbm>> -> memref<128x128xf32, #tpu.memory_space<hbm>>
      %dma_start3A_79 = arith.constant 0 : i32
      %dma_start3A_80 = tpu.memref_slice %arg4[%mul3A_59, %dma_start3A_79] : memref<40960x128xf32, #tpu.memory_space<hbm>> -> memref<128x128xf32, #tpu.memory_space<hbm>>
      tpu.enqueue_dma source(%arg7 : memref<128x128xf32, #tpu.memory_space<vmem>>) target(%dma_start3A_80 : memref<128x128xf32, #tpu.memory_space<hbm>>) target_semaphore(%arg10 : memref<!tpu.dma_semaphore, #tpu.memory_space<semaphore_mem>>)
    }
    %scan3A_4 = arith.constant 5 : i32
    %mul3A_5 = arith.constant 10 : i32
    %mul3A_6 = arith.muli %add3A, %mul3A_5 : i32
    %add3A_7 = arith.constant 8 : i32
    %add3A_8 = arith.addi %mul3A_6, %add3A_7 : i32
    %mul3A_9 = arith.constant 128 : i32
    %mul3A_10 = arith.muli %add3A_8, %mul3A_9 : i32
    %dma_wait3A = arith.constant 0 : i32
    %dma_wait3A_11 = tpu.memref_slice %arg4[%mul3A_10, %dma_wait3A] : memref<40960x128xf32, #tpu.memory_space<hbm>> -> memref<128x128xf32, #tpu.memory_space<hbm>>
    %dma_wait3A_12 = arith.constant 0 : i32
    %dma_wait3A_13 = tpu.memref_slice %arg4[%mul3A_10, %dma_wait3A_12] : memref<40960x128xf32, #tpu.memory_space<hbm>> -> memref<128x128xf32, #tpu.memory_space<hbm>>
    tpu.wait_dma2 semaphore(%arg9 : memref<!tpu.dma_semaphore, #tpu.memory_space<semaphore_mem>>) src(%arg6 : memref<128x128xf32, #tpu.memory_space<vmem>>) dst(%dma_wait3A_13 : memref<128x128xf32, #tpu.memory_space<hbm>>)
    %mul3A_14 = arith.constant 10 : i32
    %mul3A_15 = arith.muli %add3A, %mul3A_14 : i32
    %add3A_16 = arith.constant 9 : i32
    %add3A_17 = arith.addi %mul3A_15, %add3A_16 : i32
    %mul3A_18 = arith.constant 128 : i32
    %mul3A_19 = arith.muli %add3A_17, %mul3A_18 : i32
    %dma_wait3A_20 = arith.constant 0 : i32
    %dma_wait3A_21 = tpu.memref_slice %arg4[%mul3A_19, %dma_wait3A_20] : memref<40960x128xf32, #tpu.memory_space<hbm>> -> memref<128x128xf32, #tpu.memory_space<hbm>>
    %dma_wait3A_22 = arith.constant 0 : i32
    %dma_wait3A_23 = tpu.memref_slice %arg4[%mul3A_19, %dma_wait3A_22] : memref<40960x128xf32, #tpu.memory_space<hbm>> -> memref<128x128xf32, #tpu.memory_space<hbm>>
    tpu.wait_dma2 semaphore(%arg10 : memref<!tpu.dma_semaphore, #tpu.memory_space<semaphore_mem>>) src(%arg7 : memref<128x128xf32, #tpu.memory_space<vmem>>) dst(%dma_wait3A_23 : memref<128x128xf32, #tpu.memory_space<hbm>>)
    return
  }
}

module attributes {stable_mosaic.version = 14 : i64} {
  func.func @_tail_first_kernel(%arg0: i32, %arg1: memref<4096x128xf32, #tpu.memory_space<vmem>>, %arg2: memref<1x1x4096xi32, #tpu.memory_space<vmem>>, %arg3: memref<1x64x4096xf32, #tpu.memory_space<vmem>>) attributes {dimension_semantics = [#tpu.dimension_semantics<arbitrary>], iteration_bounds = array<i64: 10>, scalar_prefetch = 0 : i64, scratch_operands = 0 : i64, tpu.core_type = #tpu.core_type<tc>, window_params = [{transform_indices = @transform_0, window_bounds = array<i64: 4096, 128>}, {transform_indices = @transform_1, window_bounds = array<i64: 1, 1, 4096>}, {transform_indices = @transform_2, window_bounds = array<i64: 1, 64, 4096>}]} {
    %get3A = arith.constant 0 : index
    %get3A_0 = arith.constant 0 : index
    %get3A_1 = vector.load %arg1[%get3A, %get3A_0] : memref<4096x128xf32, #tpu.memory_space<vmem>>, vector<4096x128xf32>
    %get3A_2 = arith.constant 0 : index
    %get3A_3 = arith.constant 0 : index
    %get3A_4 = arith.constant 0 : index
    %get3A_5 = vector.load %arg2[%get3A_2, %get3A_3, %get3A_4] : memref<1x1x4096xi32, #tpu.memory_space<vmem>>, vector<1x1x4096xi32>
    %get3A_6 = vector.shape_cast %get3A_5 : vector<1x1x4096xi32> to vector<4096xi32>
    %and3A = arith.constant 1 : i32
    %and3A_7 = vector.broadcast %and3A : i32 to vector<4096xi32>
    %and3A_8 = arith.andi %get3A_6, %and3A_7 : vector<4096xi32>
    %broadcast_in_dim3A = vector.shape_cast %and3A_8 : vector<4096xi32> to vector<4096x1xi32>
    %eq3A = arith.constant 1 : i32
    %eq3A_9 = vector.broadcast %eq3A : i32 to vector<4096x1xi32>
    %eq3A_10 = arith.cmpi eq, %broadcast_in_dim3A, %eq3A_9 : vector<4096x1xi32>
    %slice3A = vector.extract_strided_slice %get3A_1 {offsets = [0, 64], sizes = [4096, 64], strides = [1, 1]} : vector<4096x128xf32> to vector<4096x64xf32>
    %slice3A_11 = vector.extract_strided_slice %get3A_1 {offsets = [0, 0], sizes = [4096, 64], strides = [1, 1]} : vector<4096x128xf32> to vector<4096x64xf32>
    %broadcast_in_dim3A_12 = vector.shape_cast %eq3A_10 : vector<4096x1xi1> to vector<4096x1xi1>
    %broadcast_in_dim3A_13 = vector.broadcast %broadcast_in_dim3A_12 : vector<4096x1xi1> to vector<4096x64xi1>
    %select_n3A = arith.select %broadcast_in_dim3A_13, %slice3A, %slice3A_11 : vector<4096x64xi1>, vector<4096x64xf32>
    %transpose3A = tpu.transpose %select_n3A, [1, 0] : vector<4096x64xf32> -> vector<64x4096xf32>
    %swap3A = arith.constant 0 : index
    %swap3A_14 = arith.constant 0 : index
    %swap3A_15 = arith.constant 0 : index
    %swap3A_16 = vector.load %arg3[%swap3A, %swap3A_14, %swap3A_15] : memref<1x64x4096xf32, #tpu.memory_space<vmem>>, vector<1x64x4096xf32>
    %swap3A_17 = vector.shape_cast %swap3A_16 : vector<1x64x4096xf32> to vector<64x4096xf32>
    %swap3A_18 = vector.shape_cast %transpose3A : vector<64x4096xf32> to vector<1x64x4096xf32>
    tpu.vector_store %arg3[%swap3A, %swap3A_14, %swap3A_15], %swap3A_18 {strides = array<i32>} : memref<1x64x4096xf32, #tpu.memory_space<vmem>>, vector<1x64x4096xf32>,
    return
  }
  func.func @transform_0(%arg0: i32) -> (i32, i32) {
    %c0_i32 = arith.constant 0 : i32
    %c0_i32_0 = arith.constant 0 : i32
    return %arg0, %c0_i32 : i32, i32
  }
  func.func @transform_1(%arg0: i32) -> (i32, i32, i32) {
    %c0_i32 = arith.constant 0 : i32
    %c0_i32_0 = arith.constant 0 : i32
    %c0_i32_1 = arith.constant 0 : i32
    return %arg0, %c0_i32, %c0_i32_0 : i32, i32, i32
  }
  func.func @transform_2(%arg0: i32) -> (i32, i32, i32) {
    %add3A = arith.constant 0 : i32
    %add3A_0 = arith.addi %arg0, %add3A : i32
    %c0_i32 = arith.constant 0 : i32
    %c0_i32_1 = arith.constant 0 : i32
    %c0_i32_2 = arith.constant 0 : i32
    return %add3A_0, %c0_i32, %c0_i32_1 : i32, i32, i32
  }
}

module attributes {stable_mosaic.version = 14 : i64} {
  func.func @_tail_next_kernel(%arg0: i32, %arg1: memref<50x64x4096xf32, #tpu.memory_space<hbm>>, %arg2: memref<4096x128xf32, #tpu.memory_space<vmem>>, %arg3: memref<1x1x4096xi32, #tpu.memory_space<vmem>>, %arg4: memref<1x64x4096xf32, #tpu.memory_space<vmem>>) attributes {dimension_semantics = [#tpu.dimension_semantics<arbitrary>], iteration_bounds = array<i64: 10>, scalar_prefetch = 0 : i64, scratch_operands = 0 : i64, tpu.core_type = #tpu.core_type<tc>, window_params = [{}, {transform_indices = @transform_1, window_bounds = array<i64: 4096, 128>}, {transform_indices = @transform_2, window_bounds = array<i64: 1, 1, 4096>}, {transform_indices = @transform_3, window_bounds = array<i64: 1, 64, 4096>}]} {
    %get3A = arith.constant 0 : index
    %get3A_0 = arith.constant 0 : index
    %get3A_1 = vector.load %arg2[%get3A, %get3A_0] : memref<4096x128xf32, #tpu.memory_space<vmem>>, vector<4096x128xf32>
    %get3A_2 = arith.constant 0 : index
    %get3A_3 = arith.constant 0 : index
    %get3A_4 = arith.constant 0 : index
    %get3A_5 = vector.load %arg3[%get3A_2, %get3A_3, %get3A_4] : memref<1x1x4096xi32, #tpu.memory_space<vmem>>, vector<1x1x4096xi32>
    %get3A_6 = vector.shape_cast %get3A_5 : vector<1x1x4096xi32> to vector<4096xi32>
    %and3A = arith.constant 1 : i32
    %and3A_7 = vector.broadcast %and3A : i32 to vector<4096xi32>
    %and3A_8 = arith.andi %get3A_6, %and3A_7 : vector<4096xi32>
    %broadcast_in_dim3A = vector.shape_cast %and3A_8 : vector<4096xi32> to vector<4096x1xi32>
    %eq3A = arith.constant 1 : i32
    %eq3A_9 = vector.broadcast %eq3A : i32 to vector<4096x1xi32>
    %eq3A_10 = arith.cmpi eq, %broadcast_in_dim3A, %eq3A_9 : vector<4096x1xi32>
    %slice3A = vector.extract_strided_slice %get3A_1 {offsets = [0, 64], sizes = [4096, 64], strides = [1, 1]} : vector<4096x128xf32> to vector<4096x64xf32>
    %slice3A_11 = vector.extract_strided_slice %get3A_1 {offsets = [0, 0], sizes = [4096, 64], strides = [1, 1]} : vector<4096x128xf32> to vector<4096x64xf32>
    %broadcast_in_dim3A_12 = vector.shape_cast %eq3A_10 : vector<4096x1xi1> to vector<4096x1xi1>
    %broadcast_in_dim3A_13 = vector.broadcast %broadcast_in_dim3A_12 : vector<4096x1xi1> to vector<4096x64xi1>
    %select_n3A = arith.select %broadcast_in_dim3A_13, %slice3A, %slice3A_11 : vector<4096x64xi1>, vector<4096x64xf32>
    %transpose3A = tpu.transpose %select_n3A, [1, 0] : vector<4096x64xf32> -> vector<64x4096xf32>
    %swap3A = arith.constant 0 : index
    %swap3A_14 = arith.constant 0 : index
    %swap3A_15 = arith.constant 0 : index
    %swap3A_16 = vector.load %arg4[%swap3A, %swap3A_14, %swap3A_15] : memref<1x64x4096xf32, #tpu.memory_space<vmem>>, vector<1x64x4096xf32>
    %swap3A_17 = vector.shape_cast %swap3A_16 : vector<1x64x4096xf32> to vector<64x4096xf32>
    %swap3A_18 = vector.shape_cast %transpose3A : vector<64x4096xf32> to vector<1x64x4096xf32>
    tpu.vector_store %arg4[%swap3A, %swap3A_14, %swap3A_15], %swap3A_18 {strides = array<i32>} : memref<1x64x4096xf32, #tpu.memory_space<vmem>>, vector<1x64x4096xf32>,
    return
  }
  func.func @transform_1(%arg0: i32) -> (i32, i32) {
    %c0_i32 = arith.constant 0 : i32
    %c0_i32_0 = arith.constant 0 : i32
    return %arg0, %c0_i32 : i32, i32
  }
  func.func @transform_2(%arg0: i32) -> (i32, i32, i32) {
    %c0_i32 = arith.constant 0 : i32
    %c0_i32_0 = arith.constant 0 : i32
    %c0_i32_1 = arith.constant 0 : i32
    return %arg0, %c0_i32, %c0_i32_0 : i32, i32, i32
  }
  func.func @transform_3(%arg0: i32) -> (i32, i32, i32) {
    %add3A = arith.constant 20 : i32
    %add3A_0 = arith.addi %arg0, %add3A : i32
    %c0_i32 = arith.constant 0 : i32
    %c0_i32_1 = arith.constant 0 : i32
    %c0_i32_2 = arith.constant 0 : i32
    return %add3A_0, %c0_i32, %c0_i32_1 : i32, i32, i32
  }
}

module attributes {stable_mosaic.version = 14 : i64} {
  func.func @_tail_next_kernel(%arg0: i32, %arg1: memref<50x64x4096xf32, #tpu.memory_space<hbm>>, %arg2: memref<4096x128xf32, #tpu.memory_space<vmem>>, %arg3: memref<1x1x4096xi32, #tpu.memory_space<vmem>>, %arg4: memref<1x64x4096xf32, #tpu.memory_space<vmem>>) attributes {dimension_semantics = [#tpu.dimension_semantics<arbitrary>], iteration_bounds = array<i64: 10>, scalar_prefetch = 0 : i64, scratch_operands = 0 : i64, tpu.core_type = #tpu.core_type<tc>, window_params = [{}, {transform_indices = @transform_1, window_bounds = array<i64: 4096, 128>}, {transform_indices = @transform_2, window_bounds = array<i64: 1, 1, 4096>}, {transform_indices = @transform_3, window_bounds = array<i64: 1, 64, 4096>}]} {
    %get3A = arith.constant 0 : index
    %get3A_0 = arith.constant 0 : index
    %get3A_1 = vector.load %arg2[%get3A, %get3A_0] : memref<4096x128xf32, #tpu.memory_space<vmem>>, vector<4096x128xf32>
    %get3A_2 = arith.constant 0 : index
    %get3A_3 = arith.constant 0 : index
    %get3A_4 = arith.constant 0 : index
    %get3A_5 = vector.load %arg3[%get3A_2, %get3A_3, %get3A_4] : memref<1x1x4096xi32, #tpu.memory_space<vmem>>, vector<1x1x4096xi32>
    %get3A_6 = vector.shape_cast %get3A_5 : vector<1x1x4096xi32> to vector<4096xi32>
    %and3A = arith.constant 1 : i32
    %and3A_7 = vector.broadcast %and3A : i32 to vector<4096xi32>
    %and3A_8 = arith.andi %get3A_6, %and3A_7 : vector<4096xi32>
    %broadcast_in_dim3A = vector.shape_cast %and3A_8 : vector<4096xi32> to vector<4096x1xi32>
    %eq3A = arith.constant 1 : i32
    %eq3A_9 = vector.broadcast %eq3A : i32 to vector<4096x1xi32>
    %eq3A_10 = arith.cmpi eq, %broadcast_in_dim3A, %eq3A_9 : vector<4096x1xi32>
    %slice3A = vector.extract_strided_slice %get3A_1 {offsets = [0, 64], sizes = [4096, 64], strides = [1, 1]} : vector<4096x128xf32> to vector<4096x64xf32>
    %slice3A_11 = vector.extract_strided_slice %get3A_1 {offsets = [0, 0], sizes = [4096, 64], strides = [1, 1]} : vector<4096x128xf32> to vector<4096x64xf32>
    %broadcast_in_dim3A_12 = vector.shape_cast %eq3A_10 : vector<4096x1xi1> to vector<4096x1xi1>
    %broadcast_in_dim3A_13 = vector.broadcast %broadcast_in_dim3A_12 : vector<4096x1xi1> to vector<4096x64xi1>
    %select_n3A = arith.select %broadcast_in_dim3A_13, %slice3A, %slice3A_11 : vector<4096x64xi1>, vector<4096x64xf32>
    %transpose3A = tpu.transpose %select_n3A, [1, 0] : vector<4096x64xf32> -> vector<64x4096xf32>
    %swap3A = arith.constant 0 : index
    %swap3A_14 = arith.constant 0 : index
    %swap3A_15 = arith.constant 0 : index
    %swap3A_16 = vector.load %arg4[%swap3A, %swap3A_14, %swap3A_15] : memref<1x64x4096xf32, #tpu.memory_space<vmem>>, vector<1x64x4096xf32>
    %swap3A_17 = vector.shape_cast %swap3A_16 : vector<1x64x4096xf32> to vector<64x4096xf32>
    %swap3A_18 = vector.shape_cast %transpose3A : vector<64x4096xf32> to vector<1x64x4096xf32>
    tpu.vector_store %arg4[%swap3A, %swap3A_14, %swap3A_15], %swap3A_18 {strides = array<i32>} : memref<1x64x4096xf32, #tpu.memory_space<vmem>>, vector<1x64x4096xf32>,
    return
  }
  func.func @transform_1(%arg0: i32) -> (i32, i32) {
    %c0_i32 = arith.constant 0 : i32
    %c0_i32_0 = arith.constant 0 : i32
    return %arg0, %c0_i32 : i32, i32
  }
  func.func @transform_2(%arg0: i32) -> (i32, i32, i32) {
    %c0_i32 = arith.constant 0 : i32
    %c0_i32_0 = arith.constant 0 : i32
    %c0_i32_1 = arith.constant 0 : i32
    return %arg0, %c0_i32, %c0_i32_0 : i32, i32, i32
  }
  func.func @transform_3(%arg0: i32) -> (i32, i32, i32) {
    %add3A = arith.constant 10 : i32
    %add3A_0 = arith.addi %arg0, %add3A : i32
    %c0_i32 = arith.constant 0 : i32
    %c0_i32_1 = arith.constant 0 : i32
    %c0_i32_2 = arith.constant 0 : i32
    return %add3A_0, %c0_i32, %c0_i32_1 : i32, i32, i32
  }
}

module attributes {stable_mosaic.version = 14 : i64} {
  func.func @_tail_next_kernel(%arg0: i32, %arg1: memref<50x64x4096xf32, #tpu.memory_space<hbm>>, %arg2: memref<4096x128xf32, #tpu.memory_space<vmem>>, %arg3: memref<1x1x4096xi32, #tpu.memory_space<vmem>>, %arg4: memref<1x64x4096xf32, #tpu.memory_space<vmem>>) attributes {dimension_semantics = [#tpu.dimension_semantics<arbitrary>], iteration_bounds = array<i64: 10>, scalar_prefetch = 0 : i64, scratch_operands = 0 : i64, tpu.core_type = #tpu.core_type<tc>, window_params = [{}, {transform_indices = @transform_1, window_bounds = array<i64: 4096, 128>}, {transform_indices = @transform_2, window_bounds = array<i64: 1, 1, 4096>}, {transform_indices = @transform_3, window_bounds = array<i64: 1, 64, 4096>}]} {
    %get3A = arith.constant 0 : index
    %get3A_0 = arith.constant 0 : index
    %get3A_1 = vector.load %arg2[%get3A, %get3A_0] : memref<4096x128xf32, #tpu.memory_space<vmem>>, vector<4096x128xf32>
    %get3A_2 = arith.constant 0 : index
    %get3A_3 = arith.constant 0 : index
    %get3A_4 = arith.constant 0 : index
    %get3A_5 = vector.load %arg3[%get3A_2, %get3A_3, %get3A_4] : memref<1x1x4096xi32, #tpu.memory_space<vmem>>, vector<1x1x4096xi32>
    %get3A_6 = vector.shape_cast %get3A_5 : vector<1x1x4096xi32> to vector<4096xi32>
    %and3A = arith.constant 1 : i32
    %and3A_7 = vector.broadcast %and3A : i32 to vector<4096xi32>
    %and3A_8 = arith.andi %get3A_6, %and3A_7 : vector<4096xi32>
    %broadcast_in_dim3A = vector.shape_cast %and3A_8 : vector<4096xi32> to vector<4096x1xi32>
    %eq3A = arith.constant 1 : i32
    %eq3A_9 = vector.broadcast %eq3A : i32 to vector<4096x1xi32>
    %eq3A_10 = arith.cmpi eq, %broadcast_in_dim3A, %eq3A_9 : vector<4096x1xi32>
    %slice3A = vector.extract_strided_slice %get3A_1 {offsets = [0, 64], sizes = [4096, 64], strides = [1, 1]} : vector<4096x128xf32> to vector<4096x64xf32>
    %slice3A_11 = vector.extract_strided_slice %get3A_1 {offsets = [0, 0], sizes = [4096, 64], strides = [1, 1]} : vector<4096x128xf32> to vector<4096x64xf32>
    %broadcast_in_dim3A_12 = vector.shape_cast %eq3A_10 : vector<4096x1xi1> to vector<4096x1xi1>
    %broadcast_in_dim3A_13 = vector.broadcast %broadcast_in_dim3A_12 : vector<4096x1xi1> to vector<4096x64xi1>
    %select_n3A = arith.select %broadcast_in_dim3A_13, %slice3A, %slice3A_11 : vector<4096x64xi1>, vector<4096x64xf32>
    %transpose3A = tpu.transpose %select_n3A, [1, 0] : vector<4096x64xf32> -> vector<64x4096xf32>
    %swap3A = arith.constant 0 : index
    %swap3A_14 = arith.constant 0 : index
    %swap3A_15 = arith.constant 0 : index
    %swap3A_16 = vector.load %arg4[%swap3A, %swap3A_14, %swap3A_15] : memref<1x64x4096xf32, #tpu.memory_space<vmem>>, vector<1x64x4096xf32>
    %swap3A_17 = vector.shape_cast %swap3A_16 : vector<1x64x4096xf32> to vector<64x4096xf32>
    %swap3A_18 = vector.shape_cast %transpose3A : vector<64x4096xf32> to vector<1x64x4096xf32>
    tpu.vector_store %arg4[%swap3A, %swap3A_14, %swap3A_15], %swap3A_18 {strides = array<i32>} : memref<1x64x4096xf32, #tpu.memory_space<vmem>>, vector<1x64x4096xf32>,
    return
  }
  func.func @transform_1(%arg0: i32) -> (i32, i32) {
    %c0_i32 = arith.constant 0 : i32
    %c0_i32_0 = arith.constant 0 : i32
    return %arg0, %c0_i32 : i32, i32
  }
  func.func @transform_2(%arg0: i32) -> (i32, i32, i32) {
    %c0_i32 = arith.constant 0 : i32
    %c0_i32_0 = arith.constant 0 : i32
    %c0_i32_1 = arith.constant 0 : i32
    return %arg0, %c0_i32, %c0_i32_0 : i32, i32, i32
  }
  func.func @transform_3(%arg0: i32) -> (i32, i32, i32) {
    %add3A = arith.constant 30 : i32
    %add3A_0 = arith.addi %arg0, %add3A : i32
    %c0_i32 = arith.constant 0 : i32
    %c0_i32_1 = arith.constant 0 : i32
    %c0_i32_2 = arith.constant 0 : i32
    return %add3A_0, %c0_i32, %c0_i32_1 : i32, i32, i32
  }
}

module attributes {stable_mosaic.version = 14 : i64} {
  func.func @_tail_next_kernel(%arg0: i32, %arg1: memref<50x64x4096xf32, #tpu.memory_space<hbm>>, %arg2: memref<4096x128xf32, #tpu.memory_space<vmem>>, %arg3: memref<1x1x4096xi32, #tpu.memory_space<vmem>>, %arg4: memref<1x64x4096xf32, #tpu.memory_space<vmem>>) attributes {dimension_semantics = [#tpu.dimension_semantics<arbitrary>], iteration_bounds = array<i64: 10>, scalar_prefetch = 0 : i64, scratch_operands = 0 : i64, tpu.core_type = #tpu.core_type<tc>, window_params = [{}, {transform_indices = @transform_1, window_bounds = array<i64: 4096, 128>}, {transform_indices = @transform_2, window_bounds = array<i64: 1, 1, 4096>}, {transform_indices = @transform_3, window_bounds = array<i64: 1, 64, 4096>}]} {
    %get3A = arith.constant 0 : index
    %get3A_0 = arith.constant 0 : index
    %get3A_1 = vector.load %arg2[%get3A, %get3A_0] : memref<4096x128xf32, #tpu.memory_space<vmem>>, vector<4096x128xf32>
    %get3A_2 = arith.constant 0 : index
    %get3A_3 = arith.constant 0 : index
    %get3A_4 = arith.constant 0 : index
    %get3A_5 = vector.load %arg3[%get3A_2, %get3A_3, %get3A_4] : memref<1x1x4096xi32, #tpu.memory_space<vmem>>, vector<1x1x4096xi32>
    %get3A_6 = vector.shape_cast %get3A_5 : vector<1x1x4096xi32> to vector<4096xi32>
    %and3A = arith.constant 1 : i32
    %and3A_7 = vector.broadcast %and3A : i32 to vector<4096xi32>
    %and3A_8 = arith.andi %get3A_6, %and3A_7 : vector<4096xi32>
    %broadcast_in_dim3A = vector.shape_cast %and3A_8 : vector<4096xi32> to vector<4096x1xi32>
    %eq3A = arith.constant 1 : i32
    %eq3A_9 = vector.broadcast %eq3A : i32 to vector<4096x1xi32>
    %eq3A_10 = arith.cmpi eq, %broadcast_in_dim3A, %eq3A_9 : vector<4096x1xi32>
    %slice3A = vector.extract_strided_slice %get3A_1 {offsets = [0, 64], sizes = [4096, 64], strides = [1, 1]} : vector<4096x128xf32> to vector<4096x64xf32>
    %slice3A_11 = vector.extract_strided_slice %get3A_1 {offsets = [0, 0], sizes = [4096, 64], strides = [1, 1]} : vector<4096x128xf32> to vector<4096x64xf32>
    %broadcast_in_dim3A_12 = vector.shape_cast %eq3A_10 : vector<4096x1xi1> to vector<4096x1xi1>
    %broadcast_in_dim3A_13 = vector.broadcast %broadcast_in_dim3A_12 : vector<4096x1xi1> to vector<4096x64xi1>
    %select_n3A = arith.select %broadcast_in_dim3A_13, %slice3A, %slice3A_11 : vector<4096x64xi1>, vector<4096x64xf32>
    %transpose3A = tpu.transpose %select_n3A, [1, 0] : vector<4096x64xf32> -> vector<64x4096xf32>
    %swap3A = arith.constant 0 : index
    %swap3A_14 = arith.constant 0 : index
    %swap3A_15 = arith.constant 0 : index
    %swap3A_16 = vector.load %arg4[%swap3A, %swap3A_14, %swap3A_15] : memref<1x64x4096xf32, #tpu.memory_space<vmem>>, vector<1x64x4096xf32>
    %swap3A_17 = vector.shape_cast %swap3A_16 : vector<1x64x4096xf32> to vector<64x4096xf32>
    %swap3A_18 = vector.shape_cast %transpose3A : vector<64x4096xf32> to vector<1x64x4096xf32>
    tpu.vector_store %arg4[%swap3A, %swap3A_14, %swap3A_15], %swap3A_18 {strides = array<i32>} : memref<1x64x4096xf32, #tpu.memory_space<vmem>>, vector<1x64x4096xf32>,
    return
  }
  func.func @transform_1(%arg0: i32) -> (i32, i32) {
    %c0_i32 = arith.constant 0 : i32
    %c0_i32_0 = arith.constant 0 : i32
    return %arg0, %c0_i32 : i32, i32
  }
  func.func @transform_2(%arg0: i32) -> (i32, i32, i32) {
    %c0_i32 = arith.constant 0 : i32
    %c0_i32_0 = arith.constant 0 : i32
    %c0_i32_1 = arith.constant 0 : i32
    return %arg0, %c0_i32, %c0_i32_0 : i32, i32, i32
  }
  func.func @transform_3(%arg0: i32) -> (i32, i32, i32) {
    %add3A = arith.constant 40 : i32
    %add3A_0 = arith.addi %arg0, %add3A : i32
    %c0_i32 = arith.constant 0 : i32
    %c0_i32_1 = arith.constant 0 : i32
    %c0_i32_2 = arith.constant 0 : i32
    return %add3A_0, %c0_i32, %c0_i32_1 : i32, i32, i32
  }
}

</mosaic_0001>

<sc_bundles>
// kernel: kernel.12.cloned.1.call-start
scs
__scs_entry_jumppad:
0x0: {  	(pc) =	sbr.rel $0x88, $3  }
0x1: {  	(tag) =	ssettag $0x0;
	lr =	simm.s32 $0x1  }
0x2: {  	[smem:$0x3F9F] =	sst lr;
	_ =	strace $0xD0000000  }
0x3: {  	_ = 	snop  }
0x4: {  	_ = 	snop  }
0x5: {  	_ = 	snop  }
0x6: {  	_ = 	snop  }
0x7: {  	_ = 	snop  }
__scs_overlays_trampoline_lowered:
0x8: {  	[smem:$0x3FAE] =	sst s0  }
0x9: {  	[smem:$0x3FAF] =	sst s1  }
0xa: {  	[smem:$0x3FB0] =	sst s2  }
0xb: {  	[smem:$0x3FB1] =	sst s3  }
0xc: {  	[smem:$0x3FB2] =	sst s4  }
0xd: {  	[smem:$0x3FB3] =	sst s5  }
0xe: {  	[smem:$0x3FB4] =	sst s6  }
0xf: {  	[smem:$0x3FB5] =	sst s7  }
0x10: {  	[smem:$0x3FB6] =	sst s8  }
0x11: {  	[smem:$0x3FB7] =	sst s9;
	s0 =	simm.s32 @!p0 $0x0  }
0x12: {  	s1 =	sld [smem:$0x3F9D];
	s0 =	simm.s32 @p0 $0x1  }
0x13: {  	[smem:$0x3FB8] =	sst s0;
	s0 =	simm.s32 @!p1 $0x0  }
0x14: {  	s2 =	sld [smem:$0x3F9C];
	s0 =	simm.s32 @p1 $0x1  }
0x15: {  	[smem:$0x3FB9] =	sst s0;
	s0 =	simm.s32 @!p2 $0x0  }
0x16: {  	s3 =	sld [smem:$0x3FDB];
	s0 =	simm.s32 @p2 $0x1  }
0x17: {  	s4 =	simm.s32 $0x1BF5;
	[smem:$0x3FBB] =	sst s0  }
0x18: {  	s0 =	sld [smem:$0x3F9E];
	_ =	swait.ge [sflag:s4], $0x0  }
0x19: {  	s7 =	sld [smem:$0x3F9F]  }
0x1a: {  	s8 =	sadd.s32 $0xFFFFE003, lr  }
0x1b: {  	s9 =	sadd.s32 $0xFFFFFEF7, lr;
	s5 =	simm.s32 $0xFFFFFFFF;
	p2 =	slt.u32 s8, $0xFFFFF086  }
0x1c: {  	p1 =	slt.u32 s9, $0xF7A;
	s5 =	simm.s32 @!p2 $0x0  }
0x1d: {  	s5 =	simm.s32 @p1 $0x1;
	p0 =	seq.s32 s7, s2  }
0x1e: {  	s7 =	smul.u32 @!p0 $0xF7A, s2;
	p2 =	seq.s32 @!p0 s5, $0x0  }
0x1f: {  	s9 =	smul.u32 $0xF7A, s1;
	s8 =	simm.s32 @!p0 $0x1BF5;
	p2 =	por !p2, p0  }
0x20: {  	[sflag:s8] =	ssyncset.s32 @!p0 $0xFFFFF086;
	s6 =	sadd.s32 @!p0 s3, s7;
	s7 =	simm.s32 @!p0 $0x108  }
0x21: {  	s3 =	sadd.s32 s3, s9;
	s6 =	sadd.s32 @!p0 $0x88, s6;
	s7 =	simm.s32 @p2 $0x1082  }
0x22: {  	[simem:s7], [sflag:s8] =	dma.local @!p0 [hbm:s6], $0xF7A  }
0x23: {  	s9 =	sor.u32 $0xD0000000, s2;
	s6 =	simm.s32 $0x108;
	_ =	swait.ge @!p0 [sflag:s8], $0x0  }
0x24: {  	s3 =	sadd.s32 $0x88, s3;
	s6 =	simm.s32 @!p1 $0x1082;
	[sflag:s4] =	ssyncset.s32 $0xFFFFF086  }
0x25: {  	[simem:s6], [sflag:s4] =	dma.local [hbm:s3], $0xF7A  }
0x26: {  	[smem:$0x3F9F] =	sst s1;
	(tag) =	ssettag s2;
	_ =	strace s9  }
0x27: {  	s1 =	sld [smem:$0x3FAF]  }
0x28: {  	s2 =	sld [smem:$0x3FB0]  }
0x29: {  	s4 =	sld [smem:$0x3FB2]  }
0x2a: {  	p0 =	seq.s32 s5, $0x0;
	s5 =	sld [smem:$0x3FB3]  }
0x2b: {  	s6 =	sld [smem:$0x3FB4]  }
0x2c: {  	s7 =	sld [smem:$0x3FB5]  }
0x2d: {  	s3 =	simm.s32 $0x108;
	s8 =	sld [smem:$0x3FB6]  }
0x2e: {  	s3 =	simm.s32 @!p0 $0x1082;
	s9 =	sld [smem:$0x3FB7]  }
0x2f: {  	lr =	sadd.s32 s0, s3;
	s0 =	sld [smem:$0x3FAE]  }
0x30: {  	s3 =	sld [smem:$0x3FB1]  }
0x31: {  	[smem:$0x3FBA] =	sst s10  }
0x32: {  	s10 =	sld [smem:$0x3FB8];
	_ =	sdelay $0x3  }
0x33: {  	p0 =	seq.s32 s10, $0x1;
	s10 =	sld [smem:$0x3FBA];
	_ =	sdelay $0x3  }
0x34: {  	[smem:$0x3FBA] =	sst s10  }
0x35: {  	s10 =	sld [smem:$0x3FB9];
	_ =	sdelay $0x3  }
0x36: {  	p1 =	seq.s32 s10, $0x1;
	s10 =	sld [smem:$0x3FBA];
	_ =	sdelay $0x3  }
0x37: {  	[smem:$0x3FBA] =	sst s10  }
0x38: {  	s10 =	sld [smem:$0x3FBB]  }
0x39: {  	_ = 	snop;
	(pc) =	sbr.ind lr, $3  }
0x3a: {  	_ = 	snop  }
0x3b: {  	_ = 	snop  }
0x3c: {  	p2 =	seq.s32 s10, $0x1;
	s10 =	sld [smem:$0x3FBA]  }
0x3d: {  	_ =	shalt  }
0x3e: {  	_ =	shalt  }
0x3f: {  	_ =	shalt  }
0x40: {  	_ =	shalt  }
0x41: {  	_ =	shalt  }
0x42: {  	_ =	shalt  }
0x43: {  	_ =	shalt  }
0x44: {  	_ =	shalt  }
0x45: {  	_ =	shalt  }
0x46: {  	_ =	shalt  }
0x47: {  	_ =	shalt  }
0x48: {  	_ =	shalt  }
0x49: {  	_ =	shalt  }
0x4a: {  	_ =	shalt  }
0x4b: {  	_ =	shalt  }
0x4c: {  	_ =	shalt  }
0x4d: {  	_ =	shalt  }
0x4e: {  	_ =	shalt  }
0x4f: {  	_ =	shalt  }
0x50: {  	_ =	shalt  }
0x51: {  	_ =	shalt  }
0x52: {  	_ =	shalt  }
0x53: {  	_ =	shalt  }
0x54: {  	_ =	shalt  }
0x55: {  	_ =	shalt  }
0x56: {  	_ =	shalt  }
0x57: {  	_ =	shalt  }
0x58: {  	_ =	shalt  }
0x59: {  	_ =	shalt  }
0x5a: {  	_ =	shalt  }
0x5b: {  	_ =	shalt  }
0x5c: {  	_ =	shalt  }
0x5d: {  	_ =	shalt  }
0x5e: {  	_ =	shalt  }
0x5f: {  	_ =	shalt  }
0x60: {  	_ =	shalt  }
0x61: {  	_ =	shalt  }
0x62: {  	_ =	shalt  }
0x63: {  	_ =	shalt  }
0x64: {  	_ =	shalt  }
0x65: {  	_ =	shalt  }
0x66: {  	_ =	shalt  }
0x67: {  	_ =	shalt  }
0x68: {  	_ =	shalt  }
0x69: {  	_ =	shalt  }
0x6a: {  	_ =	shalt  }
0x6b: {  	_ =	shalt  }
0x6c: {  	_ =	shalt  }
0x6d: {  	_ =	shalt  }
0x6e: {  	_ =	shalt  }
0x6f: {  	_ =	shalt  }
0x70: {  	_ =	shalt  }
0x71: {  	_ =	shalt  }
0x72: {  	_ =	shalt  }
0x73: {  	_ =	shalt  }
0x74: {  	_ =	shalt  }
0x75: {  	_ =	shalt  }
0x76: {  	_ =	shalt  }
0x77: {  	_ =	shalt  }
0x78: {  	_ =	shalt  }
0x79: {  	_ =	shalt  }
0x7a: {  	_ =	shalt  }
0x7b: {  	_ =	shalt  }
0x7c: {  	_ =	shalt  }
0x7d: {  	_ =	shalt  }
0x7e: {  	_ =	shalt  }
0x7f: {  	_ =	shalt  }
0x80: {  	_ =	shalt  }
0x81: {  	_ =	shalt  }
0x82: {  	_ =	shalt  }
0x83: {  	_ =	shalt  }
0x84: {  	_ =	shalt  }
0x85: {  	_ =	shalt  }
0x86: {  	_ =	shalt  }
0x87: {  	_ =	shalt  }
.Lfunc_end0:
.L_simem_size_0:
called_computation_lowered:
.L_overlay_start_0:
0x88: {  	s2 =	sld [smem:$0x3FD9]  }
0x89: {  	s3 =	sld [smem:$0x3FFE];
	_ =	sdelay $0x1  }
0x8a: {  	s1 =	srdreg.scid  }
0x8b: {  	s0 =	sand.u32 $0x1, s1  }
0x8c: {  	s17 =	sshll.u32 s0, $0xA;
	s2 =	sadd.s32 s3, s2  }
0x8d: {  	s2 =	sadd.s32 s2, s17  }
0x8e: {  	[smem:$0x3FC6] =	sst s2  }
0x8f: {  	_ = 	snop  }
0x90: {  	s2 =	sld [smem:$0x3FD0];
	(tm) =	ssettm $0x1  }
0x91: {  	s18 =	sld [smem:$0x3FFB];
	_ =	sdelay $0x3  }
0x92: {  	_ =	strace s18  }
0x93: {  	s3 =	sld [smem:$0x3FFC];
	_ =	sdelay $0x3  }
0x94: {  	_ =	strace s3  }
0x95: {  	s3 =	sld [smem:$0x3FFD];
	_ =	sdelay $0x3  }
0x96: {  	_ =	strace s3  }
0x97: {  	_ =	strace $0x8FFFFFFF  }
0x98: {  	s19 =	sld [smem:$0x3FDB];
	_ =	sdelay $0x1  }
0x99: {  	s4 =	simm.s32 $_scs_section_size  }
0x9a: {  	s5 =	simm.s32 $_size__tile_overlayer_lowered;
	s6 =	simm.s32 $_tile_overlayer_lowered  }
0x9b: {  	s22 =	simm.s32 $0x1BFF;
	s21 =	sshll.u32 s6, $0x1;
	s3 =	sadd.s32 s4, s19  }
0x9c: {  	s7 =	simm.s32 $0x0;
	s20 =	sshll.u32 s5, $0x1;
	s5 =	sadd.s32 s21, s3  }
0x9d: {  	[timem:s7], [sflag:s22] =	dma.local [hbm:s5], s20  }
0x9e: {  	_ =	swait.ge [sflag:s22], s20  }
0x9f: {  	s4 =	ssub.s32 $0x0, s20;
	[sflag:s22] =	ssyncset.done $0x0  }
0xa0: {  	[sflag:s22] =	ssyncadd.s32 s4;
	_ =	sdelay $0x1  }
0xa1: {  	s23 =	simm.s32 $0x1B8B  }
0xa2: {  	_ =	swait.ge [sflag:s23], $0x1  }
0xa3: {  	[sflag:s23] =	ssyncset.done $0x0  }
0xa4: {  	s25 =	simm.s32 $0x1B8E;
	s24 =	sld [smem:$0x3FFE];
	[sflag:s23] =	ssyncadd.s32 $0xFFFFFFFF  }
0xa5: {  	s26 =	simm.s32 $execute0_lowered;
	[smem:$0x3FD2] =	sst s25  }
0xa6: {  	s5 =	sshll.u32 s26, $0x1;
	_ =	strace $0x80000046;
	[dreg:$0x1] =	wrdreg $0xFFFFFFFF  }
0xa7: {  	s28 =	simm.s32 $_size_execute0_lowered;
	s3 =	sadd.s32 s3, s5;
	[dreg:$0x0] =	wrdreg $0x0  }
0xa8: {  	s5 =	sshll.u32 s28, $0x1;
	[dreg:$0x2] =	wrdreg s3  }
0xa9: {  	[dreg:$0x3] =	wrdreg s5  }
0xaa: {  	[dreg:$0x4] =	wrdreg $0xC0  }
0xab: {  	_ =	task [dreg:s7], $0x5FFFF  }
0xac: {  	[dreg:$0x1] =	wrdreg $0xFFFFFFFF  }
0xad: {  	[dreg:$0x0] =	wrdreg $0x60  }
0xae: {  	[dreg:$0x2] =	wrdreg s24  }
0xaf: {  	[dreg:$0x3] =	wrdreg s2  }
0xb0: {  	[dreg:$0x4] =	wrdreg $0x9  }
0xb1: {  	_ =	task.clear_ibuf [dreg:s7], $0x5FFFF;
	_ =	strace $0x90000046  }
0xb2: {  	s29 =	simm.s32 $0x9;
	_ =	strace $0x80000048  }
0xb3: {  	_ =	swait.ge [sflag:s29], $0x1  }
0xb4: {  	[sflag:s29] =	ssyncadd.s32 $0xFFFFFFFF  }
0xb5: {  	_ =	strace $0x90000048  }
0xb6: {  	_ =	sfence  }
0xb7: {  	s30 =	sld [smem:$0x0];
	_ =	sdelay $0x2  }
0xb8: {  	s31 =	sshll.u32 s1, $0xD;
	s1 =	sshrl.u32 s1, $0x2  }
0xb9: {  	s3 =	sand.u32 $0x4000, s31;
	s1 =	sadd.s32 s1, s30  }
0xba: {  	s0 =	sor.u32 s3, s0;
	s1 =	sshll.u32 s1, $0x11  }
0xbb: {  	s0 =	sor.u32 s1, s0  }
0xbc: {  	s0 =	sadd.s32 $0x8F2B, s0  }
0xbd: {  	[sflag:s0] =	ssyncadd.remote.s32 $0x1  }
0xbe: {  	_ =	sfence.sel $0xFFFF  }
0xbf: {  	[dreg:$0x0] =	wrdreg $0xFFFFFFFF;
	(pc) =	sbr.abs _section_cstart, $3  }
0xc0: {  	[dreg:$0x1] =	wrdreg $0xFFFFFFFF  }
0xc1: {  	_ =	task.clear_ibuf [dreg:s7], $0x2FFFF;
	_ =	strace $0x9FFFFFFF  }
0xc2: {  	(tm) =	ssettm $0x7FFFFFFF  }
0xc3: {  	_ =	shalt  }
tec
execute0_lowered:
.L_overlay_start_1:
0x0: {  	(tag) =	ssettag $0x1  }
0x1: {  	s1 =	srdreg.scid;
	s0 =	stileid.u32  }
0x2: {  	s30 =	sand.u32 $0x1, s1;
	s26 =	sshll.u32 s0, $0x1  }
0x3: {  	s5 =	rddreg [dreg:$0x0];
	s10 =	sor.u32 s30, s26  }
0x4: {  	s9 =	rddreg [dreg:$0x1];
	s2 =	simm.s32 $0x0;
	s3 =	sshll.u32 s10, $0x8  }
0x5: {  	[smem:$0x7FF] =	sst s2;
	s3 =	sadd.s32 s3, s5  }
0x6: {  	s4 =	simm.s32 $0x4;
	_ =	strace $0x80000047;
	s3 =	sadd.s32 $0xC7E00, s3  }
0x7: {  	[tilespmem:s2], [sflag:$0x4] =	stream.linear.gather [hbm4b:s3+s2], $0x500, $0x38;
	[tilespmem:$0x8800] =	vst v63  }
0x8: {  	_ =	swait.ge [sflag:s4], $0x500  }
0x9: {  	s6 =	simm.s32 $0x80;
	s7 =	simm.s32 $0x800;
	[sflag:s4] =	ssyncset.done $0x0  }
0xa: {  	s8 =	simm.s32 $0x1;
	s5 =	sadd.s32 $0x2800, s5;
	[sflag:s4] =	ssyncadd.s32 $0xFFFFFB00  }
0xb: {  	[tilespmem:s7], [sflag:$0x1] =	stream.indirect.gather [hbm4b:s5+s6], $0x80, s2, s6, $0xb8;
	[tilespmem:$0x8800] =	vst v63  }
0xc: {  	s10 =	smul.u32 $0x5000, s10;
	_ =	swait.ge [sflag:s8], $0x4000  }
0xd: {  	[sflag:s8] =	ssyncset.done $0x0  }
0xe: {  	s9 =	sadd.s32 s9, s10;
	[sflag:s8] =	ssyncadd.s32 $0xFFFFC000  }
0xf: {  	[hbm4b:s9+s2] =	stream.linear.scatter [tilespmem:s7], [sflag:$0x2], $0x4000, $0x38;
	[tilespmem:$0x8800] =	vst v63  }
0x10: {  	s10 =	simm.s32 $0x4800  }
0x11: {  	[tilespmem:s10], [sflag:$0x1] =	stream.indirect.gather [hbm4b:s5+s6], $0x80, s6, s6, $0xb8;
	[tilespmem:$0x8800] =	vst v63  }
0x12: {  	_ =	swait.ge [sflag:s8], $0x4000  }
0x13: {  	[sflag:s8] =	ssyncset.done $0x0  }
0x14: {  	s12 =	simm.s32 $0x2;
	s11 =	sadd.s32 $0x800, s9;
	[sflag:s8] =	ssyncadd.s32 $0xFFFFC000  }
0x15: {  	[hbm4b:s11+s2] =	stream.linear.scatter [tilespmem:s10], [sflag:$0x3], $0x4000, $0x38;
	[tilespmem:$0x8800] =	vst v63  }
0x16: {  	_ =	swait.ge [sflag:s12], $0x4000  }
0x17: {  	[sflag:s12] =	ssyncset.done $0x0  }
0x18: {  	s13 =	simm.s32 $0x100;
	[sflag:s12] =	ssyncadd.s32 $0xFFFFC000  }
0x19: {  	[tilespmem:s7], [sflag:$0x1] =	stream.indirect.gather [hbm4b:s5+s6], $0x80, s13, s6, $0xb8;
	[tilespmem:$0x8800] =	vst v63  }
0x1a: {  	_ =	swait.ge [sflag:s8], $0x4000  }
0x1b: {  	[sflag:s8] =	ssyncset.done $0x0  }
0x1c: {  	s14 =	simm.s32 $0x3;
	s15 =	sadd.s32 $0x1000, s9;
	[sflag:s8] =	ssyncadd.s32 $0xFFFFC000  }
0x1d: {  	[hbm4b:s15+s2] =	stream.linear.scatter [tilespmem:s7], [sflag:$0x2], $0x4000, $0x38;
	[tilespmem:$0x8800] =	vst v63  }
0x1e: {  	_ =	swait.ge [sflag:s14], $0x4000  }
0x1f: {  	[sflag:s14] =	ssyncset.done $0x0  }
0x20: {  	s16 =	simm.s32 $0x180;
	[sflag:s14] =	ssyncadd.s32 $0xFFFFC000  }
0x21: {  	[tilespmem:s10], [sflag:$0x1] =	stream.indirect.gather [hbm4b:s5+s6], $0x80, s16, s6, $0xb8;
	[tilespmem:$0x8800] =	vst v63  }
0x22: {  	_ =	swait.ge [sflag:s8], $0x4000  }
0x23: {  	[sflag:s8] =	ssyncset.done $0x0  }
0x24: {  	s17 =	sadd.s32 $0x1800, s9;
	[sflag:s8] =	ssyncadd.s32 $0xFFFFC000  }
0x25: {  	[hbm4b:s17+s2] =	stream.linear.scatter [tilespmem:s10], [sflag:$0x3], $0x4000, $0x38;
	[tilespmem:$0x8800] =	vst v63  }
0x26: {  	_ =	swait.ge [sflag:s12], $0x4000  }
0x27: {  	[sflag:s12] =	ssyncset.done $0x0  }
0x28: {  	s18 =	simm.s32 $0x200;
	[sflag:s12] =	ssyncadd.s32 $0xFFFFC000  }
0x29: {  	[tilespmem:s7], [sflag:$0x1] =	stream.indirect.gather [hbm4b:s5+s6], $0x80, s18, s6, $0xb8;
	[tilespmem:$0x8800] =	vst v63  }
0x2a: {  	_ =	swait.ge [sflag:s8], $0x4000  }
0x2b: {  	[sflag:s8] =	ssyncset.done $0x0  }
0x2c: {  	s19 =	sadd.s32 $0x2000, s9;
	[sflag:s8] =	ssyncadd.s32 $0xFFFFC000  }
0x2d: {  	[hbm4b:s19+s2] =	stream.linear.scatter [tilespmem:s7], [sflag:$0x2], $0x4000, $0x38;
	[tilespmem:$0x8800] =	vst v63  }
0x2e: {  	_ =	swait.ge [sflag:s14], $0x4000  }
0x2f: {  	[sflag:s14] =	ssyncset.done $0x0  }
0x30: {  	s20 =	simm.s32 $0x280;
	[sflag:s14] =	ssyncadd.s32 $0xFFFFC000  }
0x31: {  	[tilespmem:s10], [sflag:$0x1] =	stream.indirect.gather [hbm4b:s5+s6], $0x80, s20, s6, $0xb8;
	[tilespmem:$0x8800] =	vst v63  }
0x32: {  	_ =	swait.ge [sflag:s8], $0x4000  }
0x33: {  	[sflag:s8] =	ssyncset.done $0x0  }
0x34: {  	s21 =	sadd.s32 $0x2800, s9;
	[sflag:s8] =	ssyncadd.s32 $0xFFFFC000  }
0x35: {  	[hbm4b:s21+s2] =	stream.linear.scatter [tilespmem:s10], [sflag:$0x3], $0x4000, $0x38;
	[tilespmem:$0x8800] =	vst v63  }
0x36: {  	_ =	swait.ge [sflag:s12], $0x4000  }
0x37: {  	[sflag:s12] =	ssyncset.done $0x0  }
0x38: {  	s22 =	simm.s32 $0x300;
	[sflag:s12] =	ssyncadd.s32 $0xFFFFC000  }
0x39: {  	[tilespmem:s7], [sflag:$0x1] =	stream.indirect.gather [hbm4b:s5+s6], $0x80, s22, s6, $0xb8;
	[tilespmem:$0x8800] =	vst v63  }
0x3a: {  	_ =	swait.ge [sflag:s8], $0x4000  }
0x3b: {  	[sflag:s8] =	ssyncset.done $0x0  }
0x3c: {  	s23 =	sadd.s32 $0x3000, s9;
	[sflag:s8] =	ssyncadd.s32 $0xFFFFC000  }
0x3d: {  	[hbm4b:s23+s2] =	stream.linear.scatter [tilespmem:s7], [sflag:$0x2], $0x4000, $0x38;
	[tilespmem:$0x8800] =	vst v63  }
0x3e: {  	_ =	swait.ge [sflag:s14], $0x4000  }
0x3f: {  	[sflag:s14] =	ssyncset.done $0x0  }
0x40: {  	s24 =	simm.s32 $0x380;
	[sflag:s14] =	ssyncadd.s32 $0xFFFFC000  }
0x41: {  	[tilespmem:s10], [sflag:$0x1] =	stream.indirect.gather [hbm4b:s5+s6], $0x80, s24, s6, $0xb8;
	[tilespmem:$0x8800] =	vst v63  }
0x42: {  	_ =	swait.ge [sflag:s8], $0x4000  }
0x43: {  	[sflag:s8] =	ssyncset.done $0x0  }
0x44: {  	s25 =	sadd.s32 $0x3800, s9;
	[sflag:s8] =	ssyncadd.s32 $0xFFFFC000  }
0x45: {  	[hbm4b:s25+s2] =	stream.linear.scatter [tilespmem:s10], [sflag:$0x3], $0x4000, $0x38;
	[tilespmem:$0x8800] =	vst v63  }
0x46: {  	_ =	swait.ge [sflag:s12], $0x4000  }
0x47: {  	[sflag:s12] =	ssyncset.done $0x0  }
0x48: {  	s26 =	simm.s32 $0x400;
	[sflag:s12] =	ssyncadd.s32 $0xFFFFC000  }
0x49: {  	[tilespmem:s7], [sflag:$0x1] =	stream.indirect.gather [hbm4b:s5+s6], $0x80, s26, s6, $0xb8;
	[tilespmem:$0x8800] =	vst v63  }
0x4a: {  	_ =	swait.ge [sflag:s8], $0x4000  }
0x4b: {  	[sflag:s8] =	ssyncset.done $0x0  }
0x4c: {  	s28 =	sadd.s32 $0x4000, s9;
	[sflag:s8] =	ssyncadd.s32 $0xFFFFC000  }
0x4d: {  	[hbm4b:s28+s2] =	stream.linear.scatter [tilespmem:s7], [sflag:$0x2], $0x4000, $0x38;
	[tilespmem:$0x8800] =	vst v63  }
0x4e: {  	_ =	swait.ge [sflag:s14], $0x4000  }
0x4f: {  	s31 =	ssub.s32 $0x2, s30;
	[sflag:s14] =	ssyncset.done $0x0  }
0x50: {  	s29 =	simm.s32 $0x480;
	s1 =	sshrl.u32 s31, $0x1;
	[sflag:s14] =	ssyncadd.s32 $0xFFFFC000  }
0x51: {  	[tilespmem:s10], [sflag:$0x1] =	stream.indirect.gather [hbm4b:s5+s6], $0x80, s29, s6, $0xb8;
	[tilespmem:$0x8800] =	vst v63  }
0x52: {  	s1 =	ssub.s32 s31, s1;
	_ =	swait.ge [sflag:s8], $0x4000  }
0x53: {  	s1 =	smax.u32 s1, $0x1;
	[sflag:s8] =	ssyncset.done $0x0  }
0x54: {  	s30 =	sadd.s32 $0x4800, s9;
	p0 =	sne.s32 s1, $0x1;
	[sflag:s8] =	ssyncadd.s32 $0xFFFFC000  }
0x55: {  	[hbm4b:s30+s2] =	stream.linear.scatter [tilespmem:s10], [sflag:$0x3], $0x4000, $0x38;
	[tilespmem:$0x8800] =	vst v63  }
.Ltmp0:
0x56: {  	_ =	swait.ge [sflag:s12], $0x4000;
	(pc) =	sbr.rel @!p0 .LBB2_2-.Ltmp0, $4  }
0x57: {  	[sflag:s12] =	ssyncset.done $0x0  }
0x58: {  	[sflag:s12] =	ssyncadd.s32 $0xFFFFC000  }
0x59: {  	_ =	swait.ge [sflag:s14], $0x4000  }
0x5a: {  	s31 =	sadd.s32 $0xFFFFFFFF, s1;
	[sflag:s14] =	ssyncset.done $0x0  }
.LBB2_1:
0x5b: {  	p0 =	sne.s32 s31, $0x1;
	s31 =	sadd.s32 $0xFFFFFFFF, s31;
	[sflag:s14] =	ssyncadd.s32 $0xFFFFC000  }
0x5c: {  	[tilespmem:s2], [sflag:$0x4] =	stream.linear.gather [hbm4b:s3+s2], $0x500, $0x38;
	[tilespmem:$0x8800] =	vst v63  }
0x5d: {  	_ =	swait.ge [sflag:s4], $0x500  }
0x5e: {  	[sflag:s4] =	ssyncset.done $0x0  }
0x5f: {  	[sflag:s4] =	ssyncadd.s32 $0xFFFFFB00  }
0x60: {  	[tilespmem:s7], [sflag:$0x1] =	stream.indirect.gather [hbm4b:s5+s6], $0x80, s2, s6, $0xb8;
	[tilespmem:$0x8800] =	vst v63  }
0x61: {  	_ =	swait.ge [sflag:s8], $0x4000  }
0x62: {  	[sflag:s8] =	ssyncset.done $0x0  }
0x63: {  	[sflag:s8] =	ssyncadd.s32 $0xFFFFC000  }
0x64: {  	[hbm4b:s9+s2] =	stream.linear.scatter [tilespmem:s7], [sflag:$0x2], $0x4000, $0x38;
	[tilespmem:$0x8800] =	vst v63  }
0x65: {  	_ = 	snop  }
0x66: {  	[tilespmem:s10], [sflag:$0x1] =	stream.indirect.gather [hbm4b:s5+s6], $0x80, s6, s6, $0xb8;
	[tilespmem:$0x8800] =	vst v63  }
0x67: {  	_ =	swait.ge [sflag:s8], $0x4000  }
0x68: {  	[sflag:s8] =	ssyncset.done $0x0  }
0x69: {  	[sflag:s8] =	ssyncadd.s32 $0xFFFFC000  }
0x6a: {  	[hbm4b:s11+s2] =	stream.linear.scatter [tilespmem:s10], [sflag:$0x3], $0x4000, $0x38;
	[tilespmem:$0x8800] =	vst v63  }
0x6b: {  	_ =	swait.ge [sflag:s12], $0x4000  }
0x6c: {  	[sflag:s12] =	ssyncset.done $0x0  }
0x6d: {  	[sflag:s12] =	ssyncadd.s32 $0xFFFFC000  }
0x6e: {  	[tilespmem:s7], [sflag:$0x1] =	stream.indirect.gather [hbm4b:s5+s6], $0x80, s13, s6, $0xb8;
	[tilespmem:$0x8800] =	vst v63  }
0x6f: {  	_ =	swait.ge [sflag:s8], $0x4000  }
0x70: {  	[sflag:s8] =	ssyncset.done $0x0  }
0x71: {  	[sflag:s8] =	ssyncadd.s32 $0xFFFFC000  }
0x72: {  	[hbm4b:s15+s2] =	stream.linear.scatter [tilespmem:s7], [sflag:$0x2], $0x4000, $0x38;
	[tilespmem:$0x8800] =	vst v63  }
0x73: {  	_ =	swait.ge [sflag:s14], $0x4000  }
0x74: {  	[sflag:s14] =	ssyncset.done $0x0  }
0x75: {  	[sflag:s14] =	ssyncadd.s32 $0xFFFFC000  }
0x76: {  	[tilespmem:s10], [sflag:$0x1] =	stream.indirect.gather [hbm4b:s5+s6], $0x80, s16, s6, $0xb8;
	[tilespmem:$0x8800] =	vst v63  }
0x77: {  	_ =	swait.ge [sflag:s8], $0x4000  }
0x78: {  	[sflag:s8] =	ssyncset.done $0x0  }
0x79: {  	[sflag:s8] =	ssyncadd.s32 $0xFFFFC000  }
0x7a: {  	[hbm4b:s17+s2] =	stream.linear.scatter [tilespmem:s10], [sflag:$0x3], $0x4000, $0x38;
	[tilespmem:$0x8800] =	vst v63  }
0x7b: {  	_ =	swait.ge [sflag:s12], $0x4000  }
0x7c: {  	[sflag:s12] =	ssyncset.done $0x0  }
0x7d: {  	[sflag:s12] =	ssyncadd.s32 $0xFFFFC000  }
0x7e: {  	[tilespmem:s7], [sflag:$0x1] =	stream.indirect.gather [hbm4b:s5+s6], $0x80, s18, s6, $0xb8;
	[tilespmem:$0x8800] =	vst v63  }
0x7f: {  	_ =	swait.ge [sflag:s8], $0x4000  }
0x80: {  	[sflag:s8] =	ssyncset.done $0x0  }
0x81: {  	[sflag:s8] =	ssyncadd.s32 $0xFFFFC000  }
0x82: {  	[hbm4b:s19+s2] =	stream.linear.scatter [tilespmem:s7], [sflag:$0x2], $0x4000, $0x38;
	[tilespmem:$0x8800] =	vst v63  }
0x83: {  	_ =	swait.ge [sflag:s14], $0x4000  }
0x84: {  	[sflag:s14] =	ssyncset.done $0x0  }
0x85: {  	[sflag:s14] =	ssyncadd.s32 $0xFFFFC000  }
0x86: {  	[tilespmem:s10], [sflag:$0x1] =	stream.indirect.gather [hbm4b:s5+s6], $0x80, s20, s6, $0xb8;
	[tilespmem:$0x8800] =	vst v63  }
0x87: {  	_ =	swait.ge [sflag:s8], $0x4000  }
0x88: {  	[sflag:s8] =	ssyncset.done $0x0  }
0x89: {  	[sflag:s8] =	ssyncadd.s32 $0xFFFFC000  }
0x8a: {  	[hbm4b:s21+s2] =	stream.linear.scatter [tilespmem:s10], [sflag:$0x3], $0x4000, $0x38;
	[tilespmem:$0x8800] =	vst v63  }
0x8b: {  	_ =	swait.ge [sflag:s12], $0x4000  }
0x8c: {  	[sflag:s12] =	ssyncset.done $0x0  }
0x8d: {  	[sflag:s12] =	ssyncadd.s32 $0xFFFFC000  }
0x8e: {  	[tilespmem:s7], [sflag:$0x1] =	stream.indirect.gather [hbm4b:s5+s6], $0x80, s22, s6, $0xb8;
	[tilespmem:$0x8800] =	vst v63  }
0x8f: {  	_ =	swait.ge [sflag:s8], $0x4000  }
0x90: {  	[sflag:s8] =	ssyncset.done $0x0  }
0x91: {  	[sflag:s8] =	ssyncadd.s32 $0xFFFFC000  }
0x92: {  	[hbm4b:s23+s2] =	stream.linear.scatter [tilespmem:s7], [sflag:$0x2], $0x4000, $0x38;
	[tilespmem:$0x8800] =	vst v63  }
0x93: {  	_ =	swait.ge [sflag:s14], $0x4000  }
0x94: {  	[sflag:s14] =	ssyncset.done $0x0  }
0x95: {  	[sflag:s14] =	ssyncadd.s32 $0xFFFFC000  }
0x96: {  	[tilespmem:s10], [sflag:$0x1] =	stream.indirect.gather [hbm4b:s5+s6], $0x80, s24, s6, $0xb8;
	[tilespmem:$0x8800] =	vst v63  }
0x97: {  	_ =	swait.ge [sflag:s8], $0x4000  }
0x98: {  	[sflag:s8] =	ssyncset.done $0x0  }
0x99: {  	[sflag:s8] =	ssyncadd.s32 $0xFFFFC000  }
0x9a: {  	[hbm4b:s25+s2] =	stream.linear.scatter [tilespmem:s10], [sflag:$0x3], $0x4000, $0x38;
	[tilespmem:$0x8800] =	vst v63  }
0x9b: {  	_ =	swait.ge [sflag:s12], $0x4000  }
0x9c: {  	[sflag:s12] =	ssyncset.done $0x0  }
0x9d: {  	[sflag:s12] =	ssyncadd.s32 $0xFFFFC000  }
0x9e: {  	[tilespmem:s7], [sflag:$0x1] =	stream.indirect.gather [hbm4b:s5+s6], $0x80, s26, s6, $0xb8;
	[tilespmem:$0x8800] =	vst v63  }
0x9f: {  	_ =	swait.ge [sflag:s8], $0x4000  }
0xa0: {  	[sflag:s8] =	ssyncset.done $0x0  }
0xa1: {  	[sflag:s8] =	ssyncadd.s32 $0xFFFFC000  }
0xa2: {  	[hbm4b:s28+s2] =	stream.linear.scatter [tilespmem:s7], [sflag:$0x2], $0x4000, $0x38;
	[tilespmem:$0x8800] =	vst v63  }
0xa3: {  	_ =	swait.ge [sflag:s14], $0x4000  }
0xa4: {  	[sflag:s14] =	ssyncset.done $0x0  }
0xa5: {  	[sflag:s14] =	ssyncadd.s32 $0xFFFFC000  }
0xa6: {  	[tilespmem:s10], [sflag:$0x1] =	stream.indirect.gather [hbm4b:s5+s6], $0x80, s29, s6, $0xb8;
	[tilespmem:$0x8800] =	vst v63  }
0xa7: {  	_ =	swait.ge [sflag:s8], $0x4000  }
0xa8: {  	[sflag:s8] =	ssyncset.done $0x0  }
0xa9: {  	[sflag:s8] =	ssyncadd.s32 $0xFFFFC000  }
0xaa: {  	[hbm4b:s30+s2] =	stream.linear.scatter [tilespmem:s10], [sflag:$0x3], $0x4000, $0x38;
	[tilespmem:$0x8800] =	vst v63  }
.Ltmp1:
0xab: {  	_ =	swait.ge [sflag:s12], $0x4000;
	(pc) =	sbr.rel @p0 .LBB2_1-.Ltmp1, $4  }
0xac: {  	[sflag:s12] =	ssyncset.done $0x0  }
0xad: {  	[sflag:s12] =	ssyncadd.s32 $0xFFFFC000  }
0xae: {  	_ =	swait.ge [sflag:s14], $0x4000  }
0xaf: {  	[sflag:s14] =	ssyncset.done $0x0  }
.LBB2_2:
0xb0: {  	[sflag:s14] =	ssyncadd.s32 $0xFFFFC000  }
0xb1: {  	_ =	sfence.sel $0x180000  }
0xb2: {  	[bflag:$0x0] =	sbarrier.arrive $0xFFFF  }
0xb3: {  	_ =	strace $0x90000047  }
0xb4: {  	[bflag:$0x2] =	sbarrier.arrive $0xFFFF  }
0xb5: {  	p0 =	sne.s32 s0, $0x0;
	s0 =	rddreg [dreg:$0x2]  }
0xb6: {  	s0 =	sadd.s32 @!p0 $0x100000, s0  }
0xb7: {  	[sflag:s0] =	ssyncadd.tile.s32 @!p0 $0x1;
	_ =	shalt  }
.Lfunc_end2:
_tile_overlayer_lowered:
.L_overlay_start_2:
0xb8: {  	(tag) =	ssettag $0x2  }
0xb9: {  	s0 =	rddreg [dreg:$0x0];
	s2 =	stileid.u32  }
0xba: {  	s1 =	rddreg [dreg:$0x1];
	p0 =	sne.s32 s2, $0x0  }
0xbb: {  	s3 =	rddreg [dreg:$0x2];
	[bflag:$0x3] =	sbarrier.arrive $0xFFFF;
	s2 =	simm.s32 @!p0 $0x1C04  }
0xbc: {  	[timem:s3], [sflag:s2] =	dma.local @!p0 [hbm:s0], s1  }
0xbd: {  	s0 =	simm.s32 @!p0 $0x4  }
0xbe: {  	_ =	swait.ge @!p0 [sflag:s0], s1  }
0xbf: {  	s1 =	ssub.s32 @!p0 $0x0, s1;
	[sflag:s0] =	ssyncset.done @!p0 $0x0  }
0xc0: {  	[sflag:s0] =	ssyncadd.s32 @!p0 s1  }
0xc1: {  	[bflag:$0x3] =	sbarrier.arrive $0xFFFF  }
0xc2: {  	_ =	shalt  }

// kernel: kernel.15.cloned.1.call-start
scs
__scs_entry_jumppad:
0x0: {  	(pc) =	sbr.rel $0x88, $3  }
0x1: {  	(tag) =	ssettag $0x0;
	lr =	simm.s32 $0x1  }
0x2: {  	[smem:$0x3F9F] =	sst lr;
	_ =	strace $0xD0000000  }
0x3: {  	_ = 	snop  }
0x4: {  	_ = 	snop  }
0x5: {  	_ = 	snop  }
0x6: {  	_ = 	snop  }
0x7: {  	_ = 	snop  }
__scs_overlays_trampoline_lowered:
0x8: {  	[smem:$0x3FAE] =	sst s0  }
0x9: {  	[smem:$0x3FAF] =	sst s1  }
0xa: {  	[smem:$0x3FB0] =	sst s2  }
0xb: {  	[smem:$0x3FB1] =	sst s3  }
0xc: {  	[smem:$0x3FB2] =	sst s4  }
0xd: {  	[smem:$0x3FB3] =	sst s5  }
0xe: {  	[smem:$0x3FB4] =	sst s6  }
0xf: {  	[smem:$0x3FB5] =	sst s7  }
0x10: {  	[smem:$0x3FB6] =	sst s8  }
0x11: {  	[smem:$0x3FB7] =	sst s9;
	s0 =	simm.s32 @!p0 $0x0  }
0x12: {  	s1 =	sld [smem:$0x3F9D];
	s0 =	simm.s32 @p0 $0x1  }
0x13: {  	[smem:$0x3FB8] =	sst s0;
	s0 =	simm.s32 @!p1 $0x0  }
0x14: {  	s2 =	sld [smem:$0x3F9C];
	s0 =	simm.s32 @p1 $0x1  }
0x15: {  	[smem:$0x3FB9] =	sst s0;
	s0 =	simm.s32 @!p2 $0x0  }
0x16: {  	s3 =	sld [smem:$0x3FDB];
	s0 =	simm.s32 @p2 $0x1  }
0x17: {  	s4 =	simm.s32 $0x1BF5;
	[smem:$0x3FBB] =	sst s0  }
0x18: {  	s0 =	sld [smem:$0x3F9E];
	_ =	swait.ge [sflag:s4], $0x0  }
0x19: {  	s7 =	sld [smem:$0x3F9F]  }
0x1a: {  	s8 =	sadd.s32 $0xFFFFE003, lr  }
0x1b: {  	s9 =	sadd.s32 $0xFFFFFEF7, lr;
	s5 =	simm.s32 $0xFFFFFFFF;
	p2 =	slt.u32 s8, $0xFFFFF086  }
0x1c: {  	p1 =	slt.u32 s9, $0xF7A;
	s5 =	simm.s32 @!p2 $0x0  }
0x1d: {  	s5 =	simm.s32 @p1 $0x1;
	p0 =	seq.s32 s7, s2  }
0x1e: {  	s7 =	smul.u32 @!p0 $0xF7A, s2;
	p2 =	seq.s32 @!p0 s5, $0x0  }
0x1f: {  	s9 =	smul.u32 $0xF7A, s1;
	s8 =	simm.s32 @!p0 $0x1BF5;
	p2 =	por !p2, p0  }
0x20: {  	[sflag:s8] =	ssyncset.s32 @!p0 $0xFFFFF086;
	s6 =	sadd.s32 @!p0 s3, s7;
	s7 =	simm.s32 @!p0 $0x108  }
0x21: {  	s3 =	sadd.s32 s3, s9;
	s6 =	sadd.s32 @!p0 $0x88, s6;
	s7 =	simm.s32 @p2 $0x1082  }
0x22: {  	[simem:s7], [sflag:s8] =	dma.local @!p0 [hbm:s6], $0xF7A  }
0x23: {  	s9 =	sor.u32 $0xD0000000, s2;
	s6 =	simm.s32 $0x108;
	_ =	swait.ge @!p0 [sflag:s8], $0x0  }
0x24: {  	s3 =	sadd.s32 $0x88, s3;
	s6 =	simm.s32 @!p1 $0x1082;
	[sflag:s4] =	ssyncset.s32 $0xFFFFF086  }
0x25: {  	[simem:s6], [sflag:s4] =	dma.local [hbm:s3], $0xF7A  }
0x26: {  	[smem:$0x3F9F] =	sst s1;
	(tag) =	ssettag s2;
	_ =	strace s9  }
0x27: {  	s1 =	sld [smem:$0x3FAF]  }
0x28: {  	s2 =	sld [smem:$0x3FB0]  }
0x29: {  	s4 =	sld [smem:$0x3FB2]  }
0x2a: {  	p0 =	seq.s32 s5, $0x0;
	s5 =	sld [smem:$0x3FB3]  }
0x2b: {  	s6 =	sld [smem:$0x3FB4]  }
0x2c: {  	s7 =	sld [smem:$0x3FB5]  }
0x2d: {  	s3 =	simm.s32 $0x108;
	s8 =	sld [smem:$0x3FB6]  }
0x2e: {  	s3 =	simm.s32 @!p0 $0x1082;
	s9 =	sld [smem:$0x3FB7]  }
0x2f: {  	lr =	sadd.s32 s0, s3;
	s0 =	sld [smem:$0x3FAE]  }
0x30: {  	s3 =	sld [smem:$0x3FB1]  }
0x31: {  	[smem:$0x3FBA] =	sst s10  }
0x32: {  	s10 =	sld [smem:$0x3FB8];
	_ =	sdelay $0x3  }
0x33: {  	p0 =	seq.s32 s10, $0x1;
	s10 =	sld [smem:$0x3FBA];
	_ =	sdelay $0x3  }
0x34: {  	[smem:$0x3FBA] =	sst s10  }
0x35: {  	s10 =	sld [smem:$0x3FB9];
	_ =	sdelay $0x3  }
0x36: {  	p1 =	seq.s32 s10, $0x1;
	s10 =	sld [smem:$0x3FBA];
	_ =	sdelay $0x3  }
0x37: {  	[smem:$0x3FBA] =	sst s10  }
0x38: {  	s10 =	sld [smem:$0x3FBB]  }
0x39: {  	_ = 	snop;
	(pc) =	sbr.ind lr, $3  }
0x3a: {  	_ = 	snop  }
0x3b: {  	_ = 	snop  }
0x3c: {  	p2 =	seq.s32 s10, $0x1;
	s10 =	sld [smem:$0x3FBA]  }
0x3d: {  	_ =	shalt  }
0x3e: {  	_ =	shalt  }
0x3f: {  	_ =	shalt  }
0x40: {  	_ =	shalt  }
0x41: {  	_ =	shalt  }
0x42: {  	_ =	shalt  }
0x43: {  	_ =	shalt  }
0x44: {  	_ =	shalt  }
0x45: {  	_ =	shalt  }
0x46: {  	_ =	shalt  }
0x47: {  	_ =	shalt  }
0x48: {  	_ =	shalt  }
0x49: {  	_ =	shalt  }
0x4a: {  	_ =	shalt  }
0x4b: {  	_ =	shalt  }
0x4c: {  	_ =	shalt  }
0x4d: {  	_ =	shalt  }
0x4e: {  	_ =	shalt  }
0x4f: {  	_ =	shalt  }
0x50: {  	_ =	shalt  }
0x51: {  	_ =	shalt  }
0x52: {  	_ =	shalt  }
0x53: {  	_ =	shalt  }
0x54: {  	_ =	shalt  }
0x55: {  	_ =	shalt  }
0x56: {  	_ =	shalt  }
0x57: {  	_ =	shalt  }
0x58: {  	_ =	shalt  }
0x59: {  	_ =	shalt  }
0x5a: {  	_ =	shalt  }
0x5b: {  	_ =	shalt  }
0x5c: {  	_ =	shalt  }
0x5d: {  	_ =	shalt  }
0x5e: {  	_ =	shalt  }
0x5f: {  	_ =	shalt  }
0x60: {  	_ =	shalt  }
0x61: {  	_ =	shalt  }
0x62: {  	_ =	shalt  }
0x63: {  	_ =	shalt  }
0x64: {  	_ =	shalt  }
0x65: {  	_ =	shalt  }
0x66: {  	_ =	shalt  }
0x67: {  	_ =	shalt  }
0x68: {  	_ =	shalt  }
0x69: {  	_ =	shalt  }
0x6a: {  	_ =	shalt  }
0x6b: {  	_ =	shalt  }
0x6c: {  	_ =	shalt  }
0x6d: {  	_ =	shalt  }
0x6e: {  	_ =	shalt  }
0x6f: {  	_ =	shalt  }
0x70: {  	_ =	shalt  }
0x71: {  	_ =	shalt  }
0x72: {  	_ =	shalt  }
0x73: {  	_ =	shalt  }
0x74: {  	_ =	shalt  }
0x75: {  	_ =	shalt  }
0x76: {  	_ =	shalt  }
0x77: {  	_ =	shalt  }
0x78: {  	_ =	shalt  }
0x79: {  	_ =	shalt  }
0x7a: {  	_ =	shalt  }
0x7b: {  	_ =	shalt  }
0x7c: {  	_ =	shalt  }
0x7d: {  	_ =	shalt  }
0x7e: {  	_ =	shalt  }
0x7f: {  	_ =	shalt  }
0x80: {  	_ =	shalt  }
0x81: {  	_ =	shalt  }
0x82: {  	_ =	shalt  }
0x83: {  	_ =	shalt  }
0x84: {  	_ =	shalt  }
0x85: {  	_ =	shalt  }
0x86: {  	_ =	shalt  }
0x87: {  	_ =	shalt  }
.Lfunc_end0:
.L_simem_size_0:
called_computation.1_lowered:
.L_overlay_start_0:
0x88: {  	s2 =	sld [smem:$0x3FD9]  }
0x89: {  	s3 =	sld [smem:$0x3FFE];
	_ =	sdelay $0x1  }
0x8a: {  	s1 =	srdreg.scid  }
0x8b: {  	s0 =	sand.u32 $0x1, s1  }
0x8c: {  	s17 =	sshll.u32 s0, $0xA;
	s2 =	sadd.s32 s3, s2  }
0x8d: {  	s2 =	sadd.s32 s2, s17  }
0x8e: {  	[smem:$0x3FC6] =	sst s2  }
0x8f: {  	_ = 	snop  }
0x90: {  	(tm) =	ssettm $0x1  }
0x91: {  	s18 =	sld [smem:$0x3FFB];
	_ =	sdelay $0x3  }
0x92: {  	_ =	strace s18  }
0x93: {  	s2 =	sld [smem:$0x3FFC];
	_ =	sdelay $0x3  }
0x94: {  	_ =	strace s2  }
0x95: {  	s2 =	sld [smem:$0x3FFD];
	_ =	sdelay $0x3  }
0x96: {  	_ =	strace s2  }
0x97: {  	_ =	strace $0x8FFFFFFF  }
0x98: {  	s19 =	sld [smem:$0x3FDB];
	_ =	sdelay $0x1  }
0x99: {  	s20 =	simm.s32 $_scs_section_size  }
0x9a: {  	s4 =	simm.s32 $_size__tile_overlayer_lowered;
	s5 =	simm.s32 $_tile_overlayer_lowered  }
0x9b: {  	s6 =	simm.s32 $0x1BFF;
	s21 =	sshll.u32 s5, $0x1;
	s3 =	sadd.s32 s20, s19  }
0x9c: {  	s22 =	simm.s32 $0x0;
	s4 =	sshll.u32 s4, $0x1;
	s5 =	sadd.s32 s21, s3  }
0x9d: {  	[timem:s22], [sflag:s6] =	dma.local [hbm:s5], s4  }
0x9e: {  	_ =	swait.ge [sflag:s6], s4  }
0x9f: {  	s4 =	ssub.s32 $0x0, s4;
	[sflag:s6] =	ssyncset.done $0x0  }
0xa0: {  	[sflag:s6] =	ssyncadd.s32 s4;
	_ =	sdelay $0x1  }
0xa1: {  	s23 =	simm.s32 $0x1B8B  }
0xa2: {  	_ =	swait.ge [sflag:s23], $0x1  }
0xa3: {  	[sflag:s23] =	ssyncset.done $0x0  }
0xa4: {  	[sflag:s23] =	ssyncadd.s32 $0xFFFFFFFF  }
0xa5: {  	s4 =	sld [smem:$0x0]  }
0xa6: {  	s5 =	sand.u32 $0xFFFFFFFE, s1  }
0xa7: {  	p0 =	sne.s32 s1, s5  }
0xa8: {  	s5 =	sshll.u32 @p0 s5, $0xE  }
0xa9: {  	s5 =	sadd.s32 @p0 $0x11B8D, s5;
	s6 =	sshll.u32 @p0 s4, $0x11  }
0xaa: {  	s5 =	sor.u32 @p0 s6, s5  }
0xab: {  	[sflag:s5] =	ssyncadd.remote.s32 @p0 $0x1;
	_ =	sdelay $0x1  }
0xac: {  	s5 =	simm.s32 @p0 $0x1B8D  }
0xad: {  	_ =	swait.eq @p0 [sflag:s5], $0x1  }
0xae: {  	[sflag:s5] =	ssyncadd.s32 @p0 $0xFFFFFFFF  }
0xaf: {  	s6 =	sshll.u32 @!p0 s1, $0xE  }
0xb0: {  	s6 =	sor.u32 @!p0 $0x4000, s6;
	s5 =	simm.s32 @!p0 $0x1B8D  }
0xb1: {  	s4 =	sshll.u32 @!p0 s4, $0x11;
	s6 =	sadd.s32 @!p0 $0x11B8D, s6;
	_ =	swait.eq @!p0 [sflag:s5], $0x1  }
0xb2: {  	s4 =	sor.u32 @!p0 s4, s6;
	[sflag:s5] =	ssyncadd.s32 @!p0 $0xFFFFFFFF  }
0xb3: {  	s25 =	simm.s32 $0x1B8E;
	s24 =	sld [smem:$0x3FFE];
	[sflag:s4] =	ssyncadd.remote.s32 @!p0 $0x1  }
0xb4: {  	s26 =	simm.s32 $execute0_lowered;
	[smem:$0x3FD2] =	sst s25  }
0xb5: {  	s5 =	sshll.u32 s26, $0x1;
	_ =	strace $0x80000049;
	[dreg:$0x1] =	wrdreg $0xFFFFFFFF  }
0xb6: {  	s28 =	simm.s32 $_size_execute0_lowered;
	s3 =	sadd.s32 s3, s5;
	[dreg:$0x0] =	wrdreg $0x0  }
0xb7: {  	s5 =	sshll.u32 s28, $0x1;
	[dreg:$0x2] =	wrdreg s3  }
0xb8: {  	[dreg:$0x3] =	wrdreg s5  }
0xb9: {  	[dreg:$0x4] =	wrdreg $0xC0  }
0xba: {  	_ =	task [dreg:s22], $0x5FFFF  }
0xbb: {  	[dreg:$0x1] =	wrdreg $0xFFFFFFFF  }
0xbc: {  	[dreg:$0x0] =	wrdreg $0x60  }
0xbd: {  	[dreg:$0x2] =	wrdreg s24  }
0xbe: {  	[dreg:$0x3] =	wrdreg $0xA  }
0xbf: {  	_ =	task.clear_ibuf [dreg:s22], $0x4FFFF;
	_ =	strace $0x90000049  }
0xc0: {  	s29 =	simm.s32 $0xA;
	_ =	strace $0x8000004B  }
0xc1: {  	_ =	swait.ge [sflag:s29], $0x1  }
0xc2: {  	[sflag:s29] =	ssyncadd.s32 $0xFFFFFFFF  }
0xc3: {  	_ =	strace $0x9000004B  }
0xc4: {  	_ =	sfence  }
0xc5: {  	s30 =	sld [smem:$0x0];
	_ =	sdelay $0x2  }
0xc6: {  	s31 =	sshll.u32 s1, $0xD;
	s1 =	sshrl.u32 s1, $0x2  }
0xc7: {  	s4 =	sand.u32 $0x4000, s31;
	s1 =	sadd.s32 s1, s30  }
0xc8: {  	s0 =	sor.u32 s4, s0;
	s1 =	sshll.u32 s1, $0x11  }
0xc9: {  	s0 =	sor.u32 s1, s0  }
0xca: {  	s0 =	sadd.s32 $0x8F2B, s0  }
0xcb: {  	[sflag:s0] =	ssyncadd.remote.s32 $0x1  }
0xcc: {  	_ =	sfence.sel $0xFFFF  }
0xcd: {  	[dreg:$0x0] =	wrdreg $0xFFFFFFFF;
	(pc) =	sbr.abs _section_cstart, $3  }
0xce: {  	[dreg:$0x1] =	wrdreg $0xFFFFFFFF  }
0xcf: {  	_ =	task.clear_ibuf [dreg:s22], $0x2FFFF;
	_ =	strace $0x9FFFFFFF  }
0xd0: {  	(tm) =	ssettm $0x7FFFFFFF  }
0xd1: {  	_ =	shalt  }
tec
execute0_lowered:
.L_overlay_start_1:
0x0: {  	(tag) =	ssettag $0x1  }
0x1: {  	s1 =	srdreg.scid;
	s0 =	stileid.u32  }
0x2: {  	s30 =	sand.u32 $0x1, s1;
	s26 =	sshll.u32 s0, $0x1  }
0x3: {  	s6 =	sor.u32 s30, s26  }
0x4: {  	s9 =	rddreg [dreg:$0x0];
	s2 =	simm.s32 $0x0;
	s3 =	sshll.u32 s6, $0x8  }
0x5: {  	[smem:$0x7FF] =	sst s2;
	s3 =	sadd.s32 s3, s9  }
0x6: {  	s4 =	simm.s32 $0x4;
	_ =	strace $0x8000004A;
	s3 =	sadd.s32 $0xC9E00, s3  }
0x7: {  	[tilespmem:s2], [sflag:$0x4] =	stream.linear.gather [hbm4b:s3+s2], $0x500, $0x38;
	[tilespmem:$0x8800] =	vst v63  }
0x8: {  	s7 =	simm.s32 $0x800;
	_ =	swait.ge [sflag:s4], $0x500  }
0x9: {  	s8 =	simm.s32 $0x1;
	s5 =	sadd.s32 $0x2800, s9;
	[sflag:s4] =	ssyncset.done $0x0  }
0xa: {  	s10 =	smul.u32 $0x5000, s6;
	s6 =	simm.s32 $0x80;
	[sflag:s4] =	ssyncadd.s32 $0xFFFFFB00  }
0xb: {  	[tilespmem:s7], [sflag:$0x1] =	stream.indirect.gather [hbm4b:s5+s6], $0x80, s2, s6, $0xb8;
	[tilespmem:$0x8800] =	vst v63  }
0xc: {  	_ =	swait.ge [sflag:s8], $0x4000  }
0xd: {  	s31 =	sadd.s32 s10, s9;
	[sflag:s8] =	ssyncset.done $0x0  }
0xe: {  	s9 =	sadd.s32 $0xCBE00, s31;
	[sflag:s8] =	ssyncadd.s32 $0xFFFFC000  }
0xf: {  	[hbm4b:s9+s2] =	stream.linear.scatter [tilespmem:s7], [sflag:$0x2], $0x4000, $0x38;
	[tilespmem:$0x8800] =	vst v63  }
0x10: {  	s10 =	simm.s32 $0x4800  }
0x11: {  	[tilespmem:s10], [sflag:$0x1] =	stream.indirect.gather [hbm4b:s5+s6], $0x80, s6, s6, $0xb8;
	[tilespmem:$0x8800] =	vst v63  }
0x12: {  	_ =	swait.ge [sflag:s8], $0x4000  }
0x13: {  	[sflag:s8] =	ssyncset.done $0x0  }
0x14: {  	s12 =	simm.s32 $0x2;
	s11 =	sadd.s32 $0xCC600, s31;
	[sflag:s8] =	ssyncadd.s32 $0xFFFFC000  }
0x15: {  	[hbm4b:s11+s2] =	stream.linear.scatter [tilespmem:s10], [sflag:$0x3], $0x4000, $0x38;
	[tilespmem:$0x8800] =	vst v63  }
0x16: {  	_ =	swait.ge [sflag:s12], $0x4000  }
0x17: {  	[sflag:s12] =	ssyncset.done $0x0  }
0x18: {  	s13 =	simm.s32 $0x100;
	[sflag:s12] =	ssyncadd.s32 $0xFFFFC000  }
0x19: {  	[tilespmem:s7], [sflag:$0x1] =	stream.indirect.gather [hbm4b:s5+s6], $0x80, s13, s6, $0xb8;
	[tilespmem:$0x8800] =	vst v63  }
0x1a: {  	_ =	swait.ge [sflag:s8], $0x4000  }
0x1b: {  	[sflag:s8] =	ssyncset.done $0x0  }
0x1c: {  	s14 =	simm.s32 $0x3;
	s15 =	sadd.s32 $0xCCE00, s31;
	[sflag:s8] =	ssyncadd.s32 $0xFFFFC000  }
0x1d: {  	[hbm4b:s15+s2] =	stream.linear.scatter [tilespmem:s7], [sflag:$0x2], $0x4000, $0x38;
	[tilespmem:$0x8800] =	vst v63  }
0x1e: {  	_ =	swait.ge [sflag:s14], $0x4000  }
0x1f: {  	[sflag:s14] =	ssyncset.done $0x0  }
0x20: {  	s16 =	simm.s32 $0x180;
	[sflag:s14] =	ssyncadd.s32 $0xFFFFC000  }
0x21: {  	[tilespmem:s10], [sflag:$0x1] =	stream.indirect.gather [hbm4b:s5+s6], $0x80, s16, s6, $0xb8;
	[tilespmem:$0x8800] =	vst v63  }
0x22: {  	_ =	swait.ge [sflag:s8], $0x4000  }
0x23: {  	[sflag:s8] =	ssyncset.done $0x0  }
0x24: {  	s17 =	sadd.s32 $0xCD600, s31;
	[sflag:s8] =	ssyncadd.s32 $0xFFFFC000  }
0x25: {  	[hbm4b:s17+s2] =	stream.linear.scatter [tilespmem:s10], [sflag:$0x3], $0x4000, $0x38;
	[tilespmem:$0x8800] =	vst v63  }
0x26: {  	_ =	swait.ge [sflag:s12], $0x4000  }
0x27: {  	[sflag:s12] =	ssyncset.done $0x0  }
0x28: {  	s18 =	simm.s32 $0x200;
	[sflag:s12] =	ssyncadd.s32 $0xFFFFC000  }
0x29: {  	[tilespmem:s7], [sflag:$0x1] =	stream.indirect.gather [hbm4b:s5+s6], $0x80, s18, s6, $0xb8;
	[tilespmem:$0x8800] =	vst v63  }
0x2a: {  	_ =	swait.ge [sflag:s8], $0x4000  }
0x2b: {  	[sflag:s8] =	ssyncset.done $0x0  }
0x2c: {  	s19 =	sadd.s32 $0xCDE00, s31;
	[sflag:s8] =	ssyncadd.s32 $0xFFFFC000  }
0x2d: {  	[hbm4b:s19+s2] =	stream.linear.scatter [tilespmem:s7], [sflag:$0x2], $0x4000, $0x38;
	[tilespmem:$0x8800] =	vst v63  }
0x2e: {  	_ =	swait.ge [sflag:s14], $0x4000  }
0x2f: {  	[sflag:s14] =	ssyncset.done $0x0  }
0x30: {  	s20 =	simm.s32 $0x280;
	[sflag:s14] =	ssyncadd.s32 $0xFFFFC000  }
0x31: {  	[tilespmem:s10], [sflag:$0x1] =	stream.indirect.gather [hbm4b:s5+s6], $0x80, s20, s6, $0xb8;
	[tilespmem:$0x8800] =	vst v63  }
0x32: {  	_ =	swait.ge [sflag:s8], $0x4000  }
0x33: {  	[sflag:s8] =	ssyncset.done $0x0  }
0x34: {  	s21 =	sadd.s32 $0xCE600, s31;
	[sflag:s8] =	ssyncadd.s32 $0xFFFFC000  }
0x35: {  	[hbm4b:s21+s2] =	stream.linear.scatter [tilespmem:s10], [sflag:$0x3], $0x4000, $0x38;
	[tilespmem:$0x8800] =	vst v63  }
0x36: {  	_ =	swait.ge [sflag:s12], $0x4000  }
0x37: {  	[sflag:s12] =	ssyncset.done $0x0  }
0x38: {  	s22 =	simm.s32 $0x300;
	[sflag:s12] =	ssyncadd.s32 $0xFFFFC000  }
0x39: {  	[tilespmem:s7], [sflag:$0x1] =	stream.indirect.gather [hbm4b:s5+s6], $0x80, s22, s6, $0xb8;
	[tilespmem:$0x8800] =	vst v63  }
0x3a: {  	_ =	swait.ge [sflag:s8], $0x4000  }
0x3b: {  	[sflag:s8] =	ssyncset.done $0x0  }
0x3c: {  	s23 =	sadd.s32 $0xCEE00, s31;
	[sflag:s8] =	ssyncadd.s32 $0xFFFFC000  }
0x3d: {  	[hbm4b:s23+s2] =	stream.linear.scatter [tilespmem:s7], [sflag:$0x2], $0x4000, $0x38;
	[tilespmem:$0x8800] =	vst v63  }
0x3e: {  	_ =	swait.ge [sflag:s14], $0x4000  }
0x3f: {  	[sflag:s14] =	ssyncset.done $0x0  }
0x40: {  	s24 =	simm.s32 $0x380;
	[sflag:s14] =	ssyncadd.s32 $0xFFFFC000  }
0x41: {  	[tilespmem:s10], [sflag:$0x1] =	stream.indirect.gather [hbm4b:s5+s6], $0x80, s24, s6, $0xb8;
	[tilespmem:$0x8800] =	vst v63  }
0x42: {  	_ =	swait.ge [sflag:s8], $0x4000  }
0x43: {  	[sflag:s8] =	ssyncset.done $0x0  }
0x44: {  	s25 =	sadd.s32 $0xCF600, s31;
	[sflag:s8] =	ssyncadd.s32 $0xFFFFC000  }
0x45: {  	[hbm4b:s25+s2] =	stream.linear.scatter [tilespmem:s10], [sflag:$0x3], $0x4000, $0x38;
	[tilespmem:$0x8800] =	vst v63  }
0x46: {  	_ =	swait.ge [sflag:s12], $0x4000  }
0x47: {  	[sflag:s12] =	ssyncset.done $0x0  }
0x48: {  	s26 =	simm.s32 $0x400;
	[sflag:s12] =	ssyncadd.s32 $0xFFFFC000  }
0x49: {  	[tilespmem:s7], [sflag:$0x1] =	stream.indirect.gather [hbm4b:s5+s6], $0x80, s26, s6, $0xb8;
	[tilespmem:$0x8800] =	vst v63  }
0x4a: {  	_ =	swait.ge [sflag:s8], $0x4000  }
0x4b: {  	[sflag:s8] =	ssyncset.done $0x0  }
0x4c: {  	s28 =	sadd.s32 $0xCFE00, s31;
	[sflag:s8] =	ssyncadd.s32 $0xFFFFC000  }
0x4d: {  	[hbm4b:s28+s2] =	stream.linear.scatter [tilespmem:s7], [sflag:$0x2], $0x4000, $0x38;
	[tilespmem:$0x8800] =	vst v63  }
0x4e: {  	_ =	swait.ge [sflag:s14], $0x4000  }
0x4f: {  	s29 =	simm.s32 $0x480;
	s1 =	ssub.s32 $0x2, s30;
	[sflag:s14] =	ssyncset.done $0x0  }
0x50: {  	s30 =	sadd.s32 $0xD0600, s31;
	s31 =	sshrl.u32 s1, $0x1;
	[sflag:s14] =	ssyncadd.s32 $0xFFFFC000  }
0x51: {  	[tilespmem:s10], [sflag:$0x1] =	stream.indirect.gather [hbm4b:s5+s6], $0x80, s29, s6, $0xb8;
	[tilespmem:$0x8800] =	vst v63  }
0x52: {  	s1 =	ssub.s32 s1, s31;
	_ =	swait.ge [sflag:s8], $0x4000  }
0x53: {  	s1 =	smax.u32 s1, $0x1;
	[sflag:s8] =	ssyncset.done $0x0  }
0x54: {  	p0 =	sne.s32 s1, $0x1;
	[sflag:s8] =	ssyncadd.s32 $0xFFFFC000  }
0x55: {  	[hbm4b:s30+s2] =	stream.linear.scatter [tilespmem:s10], [sflag:$0x3], $0x4000, $0x38;
	[tilespmem:$0x8800] =	vst v63  }
.Ltmp0:
0x56: {  	_ =	swait.ge [sflag:s12], $0x4000;
	(pc) =	sbr.rel @!p0 .LBB2_2-.Ltmp0, $4  }
0x57: {  	[sflag:s12] =	ssyncset.done $0x0  }
0x58: {  	[sflag:s12] =	ssyncadd.s32 $0xFFFFC000  }
0x59: {  	_ =	swait.ge [sflag:s14], $0x4000  }
0x5a: {  	s31 =	sadd.s32 $0xFFFFFFFF, s1;
	[sflag:s14] =	ssyncset.done $0x0  }
.LBB2_1:
0x5b: {  	p0 =	sne.s32 s31, $0x1;
	s31 =	sadd.s32 $0xFFFFFFFF, s31;
	[sflag:s14] =	ssyncadd.s32 $0xFFFFC000  }
0x5c: {  	[tilespmem:s2], [sflag:$0x4] =	stream.linear.gather [hbm4b:s3+s2], $0x500, $0x38;
	[tilespmem:$0x8800] =	vst v63  }
0x5d: {  	_ =	swait.ge [sflag:s4], $0x500  }
0x5e: {  	[sflag:s4] =	ssyncset.done $0x0  }
0x5f: {  	[sflag:s4] =	ssyncadd.s32 $0xFFFFFB00  }
0x60: {  	[tilespmem:s7], [sflag:$0x1] =	stream.indirect.gather [hbm4b:s5+s6], $0x80, s2, s6, $0xb8;
	[tilespmem:$0x8800] =	vst v63  }
0x61: {  	_ =	swait.ge [sflag:s8], $0x4000  }
0x62: {  	[sflag:s8] =	ssyncset.done $0x0  }
0x63: {  	[sflag:s8] =	ssyncadd.s32 $0xFFFFC000  }
0x64: {  	[hbm4b:s9+s2] =	stream.linear.scatter [tilespmem:s7], [sflag:$0x2], $0x4000, $0x38;
	[tilespmem:$0x8800] =	vst v63  }
0x65: {  	_ = 	snop  }
0x66: {  	[tilespmem:s10], [sflag:$0x1] =	stream.indirect.gather [hbm4b:s5+s6], $0x80, s6, s6, $0xb8;
	[tilespmem:$0x8800] =	vst v63  }
0x67: {  	_ =	swait.ge [sflag:s8], $0x4000  }
0x68: {  	[sflag:s8] =	ssyncset.done $0x0  }
0x69: {  	[sflag:s8] =	ssyncadd.s32 $0xFFFFC000  }
0x6a: {  	[hbm4b:s11+s2] =	stream.linear.scatter [tilespmem:s10], [sflag:$0x3], $0x4000, $0x38;
	[tilespmem:$0x8800] =	vst v63  }
0x6b: {  	_ =	swait.ge [sflag:s12], $0x4000  }
0x6c: {  	[sflag:s12] =	ssyncset.done $0x0  }
0x6d: {  	[sflag:s12] =	ssyncadd.s32 $0xFFFFC000  }
0x6e: {  	[tilespmem:s7], [sflag:$0x1] =	stream.indirect.gather [hbm4b:s5+s6], $0x80, s13, s6, $0xb8;
	[tilespmem:$0x8800] =	vst v63  }
0x6f: {  	_ =	swait.ge [sflag:s8], $0x4000  }
0x70: {  	[sflag:s8] =	ssyncset.done $0x0  }
0x71: {  	[sflag:s8] =	ssyncadd.s32 $0xFFFFC000  }
0x72: {  	[hbm4b:s15+s2] =	stream.linear.scatter [tilespmem:s7], [sflag:$0x2], $0x4000, $0x38;
	[tilespmem:$0x8800] =	vst v63  }
0x73: {  	_ =	swait.ge [sflag:s14], $0x4000  }
0x74: {  	[sflag:s14] =	ssyncset.done $0x0  }
0x75: {  	[sflag:s14] =	ssyncadd.s32 $0xFFFFC000  }
0x76: {  	[tilespmem:s10], [sflag:$0x1] =	stream.indirect.gather [hbm4b:s5+s6], $0x80, s16, s6, $0xb8;
	[tilespmem:$0x8800] =	vst v63  }
0x77: {  	_ =	swait.ge [sflag:s8], $0x4000  }
0x78: {  	[sflag:s8] =	ssyncset.done $0x0  }
0x79: {  	[sflag:s8] =	ssyncadd.s32 $0xFFFFC000  }
0x7a: {  	[hbm4b:s17+s2] =	stream.linear.scatter [tilespmem:s10], [sflag:$0x3], $0x4000, $0x38;
	[tilespmem:$0x8800] =	vst v63  }
0x7b: {  	_ =	swait.ge [sflag:s12], $0x4000  }
0x7c: {  	[sflag:s12] =	ssyncset.done $0x0  }
0x7d: {  	[sflag:s12] =	ssyncadd.s32 $0xFFFFC000  }
0x7e: {  	[tilespmem:s7], [sflag:$0x1] =	stream.indirect.gather [hbm4b:s5+s6], $0x80, s18, s6, $0xb8;
	[tilespmem:$0x8800] =	vst v63  }
0x7f: {  	_ =	swait.ge [sflag:s8], $0x4000  }
0x80: {  	[sflag:s8] =	ssyncset.done $0x0  }
0x81: {  	[sflag:s8] =	ssyncadd.s32 $0xFFFFC000  }
0x82: {  	[hbm4b:s19+s2] =	stream.linear.scatter [tilespmem:s7], [sflag:$0x2], $0x4000, $0x38;
	[tilespmem:$0x8800] =	vst v63  }
0x83: {  	_ =	swait.ge [sflag:s14], $0x4000  }
0x84: {  	[sflag:s14] =	ssyncset.done $0x0  }
0x85: {  	[sflag:s14] =	ssyncadd.s32 $0xFFFFC000  }
0x86: {  	[tilespmem:s10], [sflag:$0x1] =	stream.indirect.gather [hbm4b:s5+s6], $0x80, s20, s6, $0xb8;
	[tilespmem:$0x8800] =	vst v63  }
0x87: {  	_ =	swait.ge [sflag:s8], $0x4000  }
0x88: {  	[sflag:s8] =	ssyncset.done $0x0  }
0x89: {  	[sflag:s8] =	ssyncadd.s32 $0xFFFFC000  }
0x8a: {  	[hbm4b:s21+s2] =	stream.linear.scatter [tilespmem:s10], [sflag:$0x3], $0x4000, $0x38;
	[tilespmem:$0x8800] =	vst v63  }
0x8b: {  	_ =	swait.ge [sflag:s12], $0x4000  }
0x8c: {  	[sflag:s12] =	ssyncset.done $0x0  }
0x8d: {  	[sflag:s12] =	ssyncadd.s32 $0xFFFFC000  }
0x8e: {  	[tilespmem:s7], [sflag:$0x1] =	stream.indirect.gather [hbm4b:s5+s6], $0x80, s22, s6, $0xb8;
	[tilespmem:$0x8800] =	vst v63  }
0x8f: {  	_ =	swait.ge [sflag:s8], $0x4000  }
0x90: {  	[sflag:s8] =	ssyncset.done $0x0  }
0x91: {  	[sflag:s8] =	ssyncadd.s32 $0xFFFFC000  }
0x92: {  	[hbm4b:s23+s2] =	stream.linear.scatter [tilespmem:s7], [sflag:$0x2], $0x4000, $0x38;
	[tilespmem:$0x8800] =	vst v63  }
0x93: {  	_ =	swait.ge [sflag:s14], $0x4000  }
0x94: {  	[sflag:s14] =	ssyncset.done $0x0  }
0x95: {  	[sflag:s14] =	ssyncadd.s32 $0xFFFFC000  }
0x96: {  	[tilespmem:s10], [sflag:$0x1] =	stream.indirect.gather [hbm4b:s5+s6], $0x80, s24, s6, $0xb8;
	[tilespmem:$0x8800] =	vst v63  }
0x97: {  	_ =	swait.ge [sflag:s8], $0x4000  }
0x98: {  	[sflag:s8] =	ssyncset.done $0x0  }
0x99: {  	[sflag:s8] =	ssyncadd.s32 $0xFFFFC000  }
0x9a: {  	[hbm4b:s25+s2] =	stream.linear.scatter [tilespmem:s10], [sflag:$0x3], $0x4000, $0x38;
	[tilespmem:$0x8800] =	vst v63  }
0x9b: {  	_ =	swait.ge [sflag:s12], $0x4000  }
0x9c: {  	[sflag:s12] =	ssyncset.done $0x0  }
0x9d: {  	[sflag:s12] =	ssyncadd.s32 $0xFFFFC000  }
0x9e: {  	[tilespmem:s7], [sflag:$0x1] =	stream.indirect.gather [hbm4b:s5+s6], $0x80, s26, s6, $0xb8;
	[tilespmem:$0x8800] =	vst v63  }
0x9f: {  	_ =	swait.ge [sflag:s8], $0x4000  }
0xa0: {  	[sflag:s8] =	ssyncset.done $0x0  }
0xa1: {  	[sflag:s8] =	ssyncadd.s32 $0xFFFFC000  }
0xa2: {  	[hbm4b:s28+s2] =	stream.linear.scatter [tilespmem:s7], [sflag:$0x2], $0x4000, $0x38;
	[tilespmem:$0x8800] =	vst v63  }
0xa3: {  	_ =	swait.ge [sflag:s14], $0x4000  }
0xa4: {  	[sflag:s14] =	ssyncset.done $0x0  }
0xa5: {  	[sflag:s14] =	ssyncadd.s32 $0xFFFFC000  }
0xa6: {  	[tilespmem:s10], [sflag:$0x1] =	stream.indirect.gather [hbm4b:s5+s6], $0x80, s29, s6, $0xb8;
	[tilespmem:$0x8800] =	vst v63  }
0xa7: {  	_ =	swait.ge [sflag:s8], $0x4000  }
0xa8: {  	[sflag:s8] =	ssyncset.done $0x0  }
0xa9: {  	[sflag:s8] =	ssyncadd.s32 $0xFFFFC000  }
0xaa: {  	[hbm4b:s30+s2] =	stream.linear.scatter [tilespmem:s10], [sflag:$0x3], $0x4000, $0x38;
	[tilespmem:$0x8800] =	vst v63  }
.Ltmp1:
0xab: {  	_ =	swait.ge [sflag:s12], $0x4000;
	(pc) =	sbr.rel @p0 .LBB2_1-.Ltmp1, $4  }
0xac: {  	[sflag:s12] =	ssyncset.done $0x0  }
0xad: {  	[sflag:s12] =	ssyncadd.s32 $0xFFFFC000  }
0xae: {  	_ =	swait.ge [sflag:s14], $0x4000  }
0xaf: {  	[sflag:s14] =	ssyncset.done $0x0  }
.LBB2_2:
0xb0: {  	[sflag:s14] =	ssyncadd.s32 $0xFFFFC000  }
0xb1: {  	_ =	sfence.sel $0x180000  }
0xb2: {  	[bflag:$0x0] =	sbarrier.arrive $0xFFFF  }
0xb3: {  	_ =	strace $0x9000004A  }
0xb4: {  	[bflag:$0x2] =	sbarrier.arrive $0xFFFF  }
0xb5: {  	p0 =	sne.s32 s0, $0x0;
	s0 =	rddreg [dreg:$0x1]  }
0xb6: {  	s0 =	sadd.s32 @!p0 $0x100000, s0  }
0xb7: {  	[sflag:s0] =	ssyncadd.tile.s32 @!p0 $0x1;
	_ =	shalt  }
.Lfunc_end2:
_tile_overlayer_lowered:
.L_overlay_start_2:
0xb8: {  	(tag) =	ssettag $0x2  }
0xb9: {  	s0 =	rddreg [dreg:$0x0];
	s2 =	stileid.u32  }
0xba: {  	s1 =	rddreg [dreg:$0x1];
	p0 =	sne.s32 s2, $0x0  }
0xbb: {  	s3 =	rddreg [dreg:$0x2];
	[bflag:$0x3] =	sbarrier.arrive $0xFFFF;
	s2 =	simm.s32 @!p0 $0x1C04  }
0xbc: {  	[timem:s3], [sflag:s2] =	dma.local @!p0 [hbm:s0], s1  }
0xbd: {  	s0 =	simm.s32 @!p0 $0x4  }
0xbe: {  	_ =	swait.ge @!p0 [sflag:s0], s1  }
0xbf: {  	s1 =	ssub.s32 @!p0 $0x0, s1;
	[sflag:s0] =	ssyncset.done @!p0 $0x0  }
0xc0: {  	[sflag:s0] =	ssyncadd.s32 @!p0 s1  }
0xc1: {  	[bflag:$0x3] =	sbarrier.arrive $0xFFFF  }
0xc2: {  	_ =	shalt  }

// kernel: kernel.18.cloned.1.call-start
scs
__scs_entry_jumppad:
0x0: {  	(pc) =	sbr.rel $0x88, $3  }
0x1: {  	(tag) =	ssettag $0x0;
	lr =	simm.s32 $0x1  }
0x2: {  	[smem:$0x3F9F] =	sst lr;
	_ =	strace $0xD0000000  }
0x3: {  	_ = 	snop  }
0x4: {  	_ = 	snop  }
0x5: {  	_ = 	snop  }
0x6: {  	_ = 	snop  }
0x7: {  	_ = 	snop  }
__scs_overlays_trampoline_lowered:
0x8: {  	[smem:$0x3FAE] =	sst s0  }
0x9: {  	[smem:$0x3FAF] =	sst s1  }
0xa: {  	[smem:$0x3FB0] =	sst s2  }
0xb: {  	[smem:$0x3FB1] =	sst s3  }
0xc: {  	[smem:$0x3FB2] =	sst s4  }
0xd: {  	[smem:$0x3FB3] =	sst s5  }
0xe: {  	[smem:$0x3FB4] =	sst s6  }
0xf: {  	[smem:$0x3FB5] =	sst s7  }
0x10: {  	[smem:$0x3FB6] =	sst s8  }
0x11: {  	[smem:$0x3FB7] =	sst s9;
	s0 =	simm.s32 @!p0 $0x0  }
0x12: {  	s1 =	sld [smem:$0x3F9D];
	s0 =	simm.s32 @p0 $0x1  }
0x13: {  	[smem:$0x3FB8] =	sst s0;
	s0 =	simm.s32 @!p1 $0x0  }
0x14: {  	s2 =	sld [smem:$0x3F9C];
	s0 =	simm.s32 @p1 $0x1  }
0x15: {  	[smem:$0x3FB9] =	sst s0;
	s0 =	simm.s32 @!p2 $0x0  }
0x16: {  	s3 =	sld [smem:$0x3FDB];
	s0 =	simm.s32 @p2 $0x1  }
0x17: {  	s4 =	simm.s32 $0x1BF5;
	[smem:$0x3FBB] =	sst s0  }
0x18: {  	s0 =	sld [smem:$0x3F9E];
	_ =	swait.ge [sflag:s4], $0x0  }
0x19: {  	s7 =	sld [smem:$0x3F9F]  }
0x1a: {  	s8 =	sadd.s32 $0xFFFFE003, lr  }
0x1b: {  	s9 =	sadd.s32 $0xFFFFFEF7, lr;
	s5 =	simm.s32 $0xFFFFFFFF;
	p2 =	slt.u32 s8, $0xFFFFF086  }
0x1c: {  	p1 =	slt.u32 s9, $0xF7A;
	s5 =	simm.s32 @!p2 $0x0  }
0x1d: {  	s5 =	simm.s32 @p1 $0x1;
	p0 =	seq.s32 s7, s2  }
0x1e: {  	s7 =	smul.u32 @!p0 $0xF7A, s2;
	p2 =	seq.s32 @!p0 s5, $0x0  }
0x1f: {  	s9 =	smul.u32 $0xF7A, s1;
	s8 =	simm.s32 @!p0 $0x1BF5;
	p2 =	por !p2, p0  }
0x20: {  	[sflag:s8] =	ssyncset.s32 @!p0 $0xFFFFF086;
	s6 =	sadd.s32 @!p0 s3, s7;
	s7 =	simm.s32 @!p0 $0x108  }
0x21: {  	s3 =	sadd.s32 s3, s9;
	s6 =	sadd.s32 @!p0 $0x88, s6;
	s7 =	simm.s32 @p2 $0x1082  }
0x22: {  	[simem:s7], [sflag:s8] =	dma.local @!p0 [hbm:s6], $0xF7A  }
0x23: {  	s9 =	sor.u32 $0xD0000000, s2;
	s6 =	simm.s32 $0x108;
	_ =	swait.ge @!p0 [sflag:s8], $0x0  }
0x24: {  	s3 =	sadd.s32 $0x88, s3;
	s6 =	simm.s32 @!p1 $0x1082;
	[sflag:s4] =	ssyncset.s32 $0xFFFFF086  }
0x25: {  	[simem:s6], [sflag:s4] =	dma.local [hbm:s3], $0xF7A  }
0x26: {  	[smem:$0x3F9F] =	sst s1;
	(tag) =	ssettag s2;
	_ =	strace s9  }
0x27: {  	s1 =	sld [smem:$0x3FAF]  }
0x28: {  	s2 =	sld [smem:$0x3FB0]  }
0x29: {  	s4 =	sld [smem:$0x3FB2]  }
0x2a: {  	p0 =	seq.s32 s5, $0x0;
	s5 =	sld [smem:$0x3FB3]  }
0x2b: {  	s6 =	sld [smem:$0x3FB4]  }
0x2c: {  	s7 =	sld [smem:$0x3FB5]  }
0x2d: {  	s3 =	simm.s32 $0x108;
	s8 =	sld [smem:$0x3FB6]  }
0x2e: {  	s3 =	simm.s32 @!p0 $0x1082;
	s9 =	sld [smem:$0x3FB7]  }
0x2f: {  	lr =	sadd.s32 s0, s3;
	s0 =	sld [smem:$0x3FAE]  }
0x30: {  	s3 =	sld [smem:$0x3FB1]  }
0x31: {  	[smem:$0x3FBA] =	sst s10  }
0x32: {  	s10 =	sld [smem:$0x3FB8];
	_ =	sdelay $0x3  }
0x33: {  	p0 =	seq.s32 s10, $0x1;
	s10 =	sld [smem:$0x3FBA];
	_ =	sdelay $0x3  }
0x34: {  	[smem:$0x3FBA] =	sst s10  }
0x35: {  	s10 =	sld [smem:$0x3FB9];
	_ =	sdelay $0x3  }
0x36: {  	p1 =	seq.s32 s10, $0x1;
	s10 =	sld [smem:$0x3FBA];
	_ =	sdelay $0x3  }
0x37: {  	[smem:$0x3FBA] =	sst s10  }
0x38: {  	s10 =	sld [smem:$0x3FBB]  }
0x39: {  	_ = 	snop;
	(pc) =	sbr.ind lr, $3  }
0x3a: {  	_ = 	snop  }
0x3b: {  	_ = 	snop  }
0x3c: {  	p2 =	seq.s32 s10, $0x1;
	s10 =	sld [smem:$0x3FBA]  }
0x3d: {  	_ =	shalt  }
0x3e: {  	_ =	shalt  }
0x3f: {  	_ =	shalt  }
0x40: {  	_ =	shalt  }
0x41: {  	_ =	shalt  }
0x42: {  	_ =	shalt  }
0x43: {  	_ =	shalt  }
0x44: {  	_ =	shalt  }
0x45: {  	_ =	shalt  }
0x46: {  	_ =	shalt  }
0x47: {  	_ =	shalt  }
0x48: {  	_ =	shalt  }
0x49: {  	_ =	shalt  }
0x4a: {  	_ =	shalt  }
0x4b: {  	_ =	shalt  }
0x4c: {  	_ =	shalt  }
0x4d: {  	_ =	shalt  }
0x4e: {  	_ =	shalt  }
0x4f: {  	_ =	shalt  }
0x50: {  	_ =	shalt  }
0x51: {  	_ =	shalt  }
0x52: {  	_ =	shalt  }
0x53: {  	_ =	shalt  }
0x54: {  	_ =	shalt  }
0x55: {  	_ =	shalt  }
0x56: {  	_ =	shalt  }
0x57: {  	_ =	shalt  }
0x58: {  	_ =	shalt  }
0x59: {  	_ =	shalt  }
0x5a: {  	_ =	shalt  }
0x5b: {  	_ =	shalt  }
0x5c: {  	_ =	shalt  }
0x5d: {  	_ =	shalt  }
0x5e: {  	_ =	shalt  }
0x5f: {  	_ =	shalt  }
0x60: {  	_ =	shalt  }
0x61: {  	_ =	shalt  }
0x62: {  	_ =	shalt  }
0x63: {  	_ =	shalt  }
0x64: {  	_ =	shalt  }
0x65: {  	_ =	shalt  }
0x66: {  	_ =	shalt  }
0x67: {  	_ =	shalt  }
0x68: {  	_ =	shalt  }
0x69: {  	_ =	shalt  }
0x6a: {  	_ =	shalt  }
0x6b: {  	_ =	shalt  }
0x6c: {  	_ =	shalt  }
0x6d: {  	_ =	shalt  }
0x6e: {  	_ =	shalt  }
0x6f: {  	_ =	shalt  }
0x70: {  	_ =	shalt  }
0x71: {  	_ =	shalt  }
0x72: {  	_ =	shalt  }
0x73: {  	_ =	shalt  }
0x74: {  	_ =	shalt  }
0x75: {  	_ =	shalt  }
0x76: {  	_ =	shalt  }
0x77: {  	_ =	shalt  }
0x78: {  	_ =	shalt  }
0x79: {  	_ =	shalt  }
0x7a: {  	_ =	shalt  }
0x7b: {  	_ =	shalt  }
0x7c: {  	_ =	shalt  }
0x7d: {  	_ =	shalt  }
0x7e: {  	_ =	shalt  }
0x7f: {  	_ =	shalt  }
0x80: {  	_ =	shalt  }
0x81: {  	_ =	shalt  }
0x82: {  	_ =	shalt  }
0x83: {  	_ =	shalt  }
0x84: {  	_ =	shalt  }
0x85: {  	_ =	shalt  }
0x86: {  	_ =	shalt  }
0x87: {  	_ =	shalt  }
.Lfunc_end0:
.L_simem_size_0:
called_computation.2_lowered:
.L_overlay_start_0:
0x88: {  	s2 =	sld [smem:$0x3FD9]  }
0x89: {  	s3 =	sld [smem:$0x3FFE];
	_ =	sdelay $0x1  }
0x8a: {  	s1 =	srdreg.scid  }
0x8b: {  	s0 =	sand.u32 $0x1, s1  }
0x8c: {  	s17 =	sshll.u32 s0, $0xA;
	s2 =	sadd.s32 s3, s2  }
0x8d: {  	s2 =	sadd.s32 s2, s17  }
0x8e: {  	[smem:$0x3FC6] =	sst s2  }
0x8f: {  	_ = 	snop  }
0x90: {  	(tm) =	ssettm $0x1  }
0x91: {  	s18 =	sld [smem:$0x3FFB];
	_ =	sdelay $0x3  }
0x92: {  	_ =	strace s18  }
0x93: {  	s2 =	sld [smem:$0x3FFC];
	_ =	sdelay $0x3  }
0x94: {  	_ =	strace s2  }
0x95: {  	s2 =	sld [smem:$0x3FFD];
	_ =	sdelay $0x3  }
0x96: {  	_ =	strace s2  }
0x97: {  	_ =	strace $0x8FFFFFFF  }
0x98: {  	s19 =	sld [smem:$0x3FDB];
	_ =	sdelay $0x1  }
0x99: {  	s20 =	simm.s32 $_scs_section_size  }
0x9a: {  	s4 =	simm.s32 $_size__tile_overlayer_lowered;
	s5 =	simm.s32 $_tile_overlayer_lowered  }
0x9b: {  	s6 =	simm.s32 $0x1BFF;
	s21 =	sshll.u32 s5, $0x1;
	s3 =	sadd.s32 s20, s19  }
0x9c: {  	s22 =	simm.s32 $0x0;
	s4 =	sshll.u32 s4, $0x1;
	s5 =	sadd.s32 s21, s3  }
0x9d: {  	[timem:s22], [sflag:s6] =	dma.local [hbm:s5], s4  }
0x9e: {  	_ =	swait.ge [sflag:s6], s4  }
0x9f: {  	s4 =	ssub.s32 $0x0, s4;
	[sflag:s6] =	ssyncset.done $0x0  }
0xa0: {  	[sflag:s6] =	ssyncadd.s32 s4;
	_ =	sdelay $0x1  }
0xa1: {  	s23 =	simm.s32 $0x1B8B  }
0xa2: {  	_ =	swait.ge [sflag:s23], $0x1  }
0xa3: {  	[sflag:s23] =	ssyncset.done $0x0  }
0xa4: {  	[sflag:s23] =	ssyncadd.s32 $0xFFFFFFFF  }
0xa5: {  	s4 =	sld [smem:$0x0]  }
0xa6: {  	s5 =	sand.u32 $0xFFFFFFFE, s1  }
0xa7: {  	p0 =	sne.s32 s1, s5  }
0xa8: {  	s5 =	sshll.u32 @p0 s5, $0xE  }
0xa9: {  	s5 =	sadd.s32 @p0 $0x11B8D, s5;
	s6 =	sshll.u32 @p0 s4, $0x11  }
0xaa: {  	s5 =	sor.u32 @p0 s6, s5  }
0xab: {  	[sflag:s5] =	ssyncadd.remote.s32 @p0 $0x1;
	_ =	sdelay $0x1  }
0xac: {  	s5 =	simm.s32 @p0 $0x1B8D  }
0xad: {  	_ =	swait.eq @p0 [sflag:s5], $0x1  }
0xae: {  	[sflag:s5] =	ssyncadd.s32 @p0 $0xFFFFFFFF  }
0xaf: {  	s6 =	sshll.u32 @!p0 s1, $0xE  }
0xb0: {  	s6 =	sor.u32 @!p0 $0x4000, s6;
	s5 =	simm.s32 @!p0 $0x1B8D  }
0xb1: {  	s4 =	sshll.u32 @!p0 s4, $0x11;
	s6 =	sadd.s32 @!p0 $0x11B8D, s6;
	_ =	swait.eq @!p0 [sflag:s5], $0x1  }
0xb2: {  	s4 =	sor.u32 @!p0 s4, s6;
	[sflag:s5] =	ssyncadd.s32 @!p0 $0xFFFFFFFF  }
0xb3: {  	s25 =	simm.s32 $0x1B8E;
	s24 =	sld [smem:$0x3FFE];
	[sflag:s4] =	ssyncadd.remote.s32 @!p0 $0x1  }
0xb4: {  	s26 =	simm.s32 $execute0_lowered;
	[smem:$0x3FD2] =	sst s25  }
0xb5: {  	s5 =	sshll.u32 s26, $0x1;
	_ =	strace $0x8000004C;
	[dreg:$0x1] =	wrdreg $0xFFFFFFFF  }
0xb6: {  	s28 =	simm.s32 $_size_execute0_lowered;
	s3 =	sadd.s32 s3, s5;
	[dreg:$0x0] =	wrdreg $0x0  }
0xb7: {  	s5 =	sshll.u32 s28, $0x1;
	[dreg:$0x2] =	wrdreg s3  }
0xb8: {  	[dreg:$0x3] =	wrdreg s5  }
0xb9: {  	[dreg:$0x4] =	wrdreg $0xC0  }
0xba: {  	_ =	task [dreg:s22], $0x5FFFF  }
0xbb: {  	[dreg:$0x1] =	wrdreg $0xFFFFFFFF  }
0xbc: {  	[dreg:$0x0] =	wrdreg $0x60  }
0xbd: {  	[dreg:$0x2] =	wrdreg s24  }
0xbe: {  	[dreg:$0x3] =	wrdreg $0xB  }
0xbf: {  	_ =	task.clear_ibuf [dreg:s22], $0x4FFFF;
	_ =	strace $0x9000004C  }
0xc0: {  	s29 =	simm.s32 $0xB;
	_ =	strace $0x8000004E  }
0xc1: {  	_ =	swait.ge [sflag:s29], $0x1  }
0xc2: {  	[sflag:s29] =	ssyncadd.s32 $0xFFFFFFFF  }
0xc3: {  	_ =	strace $0x9000004E  }
0xc4: {  	_ =	sfence  }
0xc5: {  	s30 =	sld [smem:$0x0];
	_ =	sdelay $0x2  }
0xc6: {  	s31 =	sshll.u32 s1, $0xD;
	s1 =	sshrl.u32 s1, $0x2  }
0xc7: {  	s4 =	sand.u32 $0x4000, s31;
	s1 =	sadd.s32 s1, s30  }
0xc8: {  	s0 =	sor.u32 s4, s0;
	s1 =	sshll.u32 s1, $0x11  }
0xc9: {  	s0 =	sor.u32 s1, s0  }
0xca: {  	s0 =	sadd.s32 $0x8F2B, s0  }
0xcb: {  	[sflag:s0] =	ssyncadd.remote.s32 $0x1  }
0xcc: {  	_ =	sfence.sel $0xFFFF  }
0xcd: {  	[dreg:$0x0] =	wrdreg $0xFFFFFFFF;
	(pc) =	sbr.abs _section_cstart, $3  }
0xce: {  	[dreg:$0x1] =	wrdreg $0xFFFFFFFF  }
0xcf: {  	_ =	task.clear_ibuf [dreg:s22], $0x2FFFF;
	_ =	strace $0x9FFFFFFF  }
0xd0: {  	(tm) =	ssettm $0x7FFFFFFF  }
0xd1: {  	_ =	shalt  }
tec
execute0_lowered:
.L_overlay_start_1:
0x0: {  	(tag) =	ssettag $0x1  }
0x1: {  	s1 =	srdreg.scid;
	s0 =	stileid.u32  }
0x2: {  	s30 =	sand.u32 $0x1, s1;
	s26 =	sshll.u32 s0, $0x1  }
0x3: {  	s6 =	sor.u32 s30, s26  }
0x4: {  	s9 =	rddreg [dreg:$0x0];
	s2 =	simm.s32 $0x0;
	s3 =	sshll.u32 s6, $0x8  }
0x5: {  	[smem:$0x7FF] =	sst s2;
	s3 =	sadd.s32 s3, s9  }
0x6: {  	s4 =	simm.s32 $0x4;
	_ =	strace $0x8000004D;
	s3 =	sadd.s32 $0x16BE00, s3  }
0x7: {  	[tilespmem:s2], [sflag:$0x4] =	stream.linear.gather [hbm4b:s3+s2], $0x500, $0x38;
	[tilespmem:$0x8800] =	vst v63  }
0x8: {  	s7 =	simm.s32 $0x800;
	_ =	swait.ge [sflag:s4], $0x500  }
0x9: {  	s8 =	simm.s32 $0x1;
	s5 =	sadd.s32 $0x2800, s9;
	[sflag:s4] =	ssyncset.done $0x0  }
0xa: {  	s10 =	smul.u32 $0x5000, s6;
	s6 =	simm.s32 $0x80;
	[sflag:s4] =	ssyncadd.s32 $0xFFFFFB00  }
0xb: {  	[tilespmem:s7], [sflag:$0x1] =	stream.indirect.gather [hbm4b:s5+s6], $0x80, s2, s6, $0xb8;
	[tilespmem:$0x8800] =	vst v63  }
0xc: {  	_ =	swait.ge [sflag:s8], $0x4000  }
0xd: {  	s31 =	sadd.s32 s10, s9;
	[sflag:s8] =	ssyncset.done $0x0  }
0xe: {  	s9 =	sadd.s32 $0x16DE00, s31;
	[sflag:s8] =	ssyncadd.s32 $0xFFFFC000  }
0xf: {  	[hbm4b:s9+s2] =	stream.linear.scatter [tilespmem:s7], [sflag:$0x2], $0x4000, $0x38;
	[tilespmem:$0x8800] =	vst v63  }
0x10: {  	s10 =	simm.s32 $0x4800  }
0x11: {  	[tilespmem:s10], [sflag:$0x1] =	stream.indirect.gather [hbm4b:s5+s6], $0x80, s6, s6, $0xb8;
	[tilespmem:$0x8800] =	vst v63  }
0x12: {  	_ =	swait.ge [sflag:s8], $0x4000  }
0x13: {  	[sflag:s8] =	ssyncset.done $0x0  }
0x14: {  	s12 =	simm.s32 $0x2;
	s11 =	sadd.s32 $0x16E600, s31;
	[sflag:s8] =	ssyncadd.s32 $0xFFFFC000  }
0x15: {  	[hbm4b:s11+s2] =	stream.linear.scatter [tilespmem:s10], [sflag:$0x3], $0x4000, $0x38;
	[tilespmem:$0x8800] =	vst v63  }
0x16: {  	_ =	swait.ge [sflag:s12], $0x4000  }
0x17: {  	[sflag:s12] =	ssyncset.done $0x0  }
0x18: {  	s13 =	simm.s32 $0x100;
	[sflag:s12] =	ssyncadd.s32 $0xFFFFC000  }
0x19: {  	[tilespmem:s7], [sflag:$0x1] =	stream.indirect.gather [hbm4b:s5+s6], $0x80, s13, s6, $0xb8;
	[tilespmem:$0x8800] =	vst v63  }
0x1a: {  	_ =	swait.ge [sflag:s8], $0x4000  }
0x1b: {  	[sflag:s8] =	ssyncset.done $0x0  }
0x1c: {  	s14 =	simm.s32 $0x3;
	s15 =	sadd.s32 $0x16EE00, s31;
	[sflag:s8] =	ssyncadd.s32 $0xFFFFC000  }
0x1d: {  	[hbm4b:s15+s2] =	stream.linear.scatter [tilespmem:s7], [sflag:$0x2], $0x4000, $0x38;
	[tilespmem:$0x8800] =	vst v63  }
0x1e: {  	_ =	swait.ge [sflag:s14], $0x4000  }
0x1f: {  	[sflag:s14] =	ssyncset.done $0x0  }
0x20: {  	s16 =	simm.s32 $0x180;
	[sflag:s14] =	ssyncadd.s32 $0xFFFFC000  }
0x21: {  	[tilespmem:s10], [sflag:$0x1] =	stream.indirect.gather [hbm4b:s5+s6], $0x80, s16, s6, $0xb8;
	[tilespmem:$0x8800] =	vst v63  }
0x22: {  	_ =	swait.ge [sflag:s8], $0x4000  }
0x23: {  	[sflag:s8] =	ssyncset.done $0x0  }
0x24: {  	s17 =	sadd.s32 $0x16F600, s31;
	[sflag:s8] =	ssyncadd.s32 $0xFFFFC000  }
0x25: {  	[hbm4b:s17+s2] =	stream.linear.scatter [tilespmem:s10], [sflag:$0x3], $0x4000, $0x38;
	[tilespmem:$0x8800] =	vst v63  }
0x26: {  	_ =	swait.ge [sflag:s12], $0x4000  }
0x27: {  	[sflag:s12] =	ssyncset.done $0x0  }
0x28: {  	s18 =	simm.s32 $0x200;
	[sflag:s12] =	ssyncadd.s32 $0xFFFFC000  }
0x29: {  	[tilespmem:s7], [sflag:$0x1] =	stream.indirect.gather [hbm4b:s5+s6], $0x80, s18, s6, $0xb8;
	[tilespmem:$0x8800] =	vst v63  }
0x2a: {  	_ =	swait.ge [sflag:s8], $0x4000  }
0x2b: {  	[sflag:s8] =	ssyncset.done $0x0  }
0x2c: {  	s19 =	sadd.s32 $0x16FE00, s31;
	[sflag:s8] =	ssyncadd.s32 $0xFFFFC000  }
0x2d: {  	[hbm4b:s19+s2] =	stream.linear.scatter [tilespmem:s7], [sflag:$0x2], $0x4000, $0x38;
	[tilespmem:$0x8800] =	vst v63  }
0x2e: {  	_ =	swait.ge [sflag:s14], $0x4000  }
0x2f: {  	[sflag:s14] =	ssyncset.done $0x0  }
0x30: {  	s20 =	simm.s32 $0x280;
	[sflag:s14] =	ssyncadd.s32 $0xFFFFC000  }
0x31: {  	[tilespmem:s10], [sflag:$0x1] =	stream.indirect.gather [hbm4b:s5+s6], $0x80, s20, s6, $0xb8;
	[tilespmem:$0x8800] =	vst v63  }
0x32: {  	_ =	swait.ge [sflag:s8], $0x4000  }
0x33: {  	[sflag:s8] =	ssyncset.done $0x0  }
0x34: {  	s21 =	sadd.s32 $0x170600, s31;
	[sflag:s8] =	ssyncadd.s32 $0xFFFFC000  }
0x35: {  	[hbm4b:s21+s2] =	stream.linear.scatter [tilespmem:s10], [sflag:$0x3], $0x4000, $0x38;
	[tilespmem:$0x8800] =	vst v63  }
0x36: {  	_ =	swait.ge [sflag:s12], $0x4000  }
0x37: {  	[sflag:s12] =	ssyncset.done $0x0  }
0x38: {  	s22 =	simm.s32 $0x300;
	[sflag:s12] =	ssyncadd.s32 $0xFFFFC000  }
0x39: {  	[tilespmem:s7], [sflag:$0x1] =	stream.indirect.gather [hbm4b:s5+s6], $0x80, s22, s6, $0xb8;
	[tilespmem:$0x8800] =	vst v63  }
0x3a: {  	_ =	swait.ge [sflag:s8], $0x4000  }
0x3b: {  	[sflag:s8] =	ssyncset.done $0x0  }
0x3c: {  	s23 =	sadd.s32 $0x170E00, s31;
	[sflag:s8] =	ssyncadd.s32 $0xFFFFC000  }
0x3d: {  	[hbm4b:s23+s2] =	stream.linear.scatter [tilespmem:s7], [sflag:$0x2], $0x4000, $0x38;
	[tilespmem:$0x8800] =	vst v63  }
0x3e: {  	_ =	swait.ge [sflag:s14], $0x4000  }
0x3f: {  	[sflag:s14] =	ssyncset.done $0x0  }
0x40: {  	s24 =	simm.s32 $0x380;
	[sflag:s14] =	ssyncadd.s32 $0xFFFFC000  }
0x41: {  	[tilespmem:s10], [sflag:$0x1] =	stream.indirect.gather [hbm4b:s5+s6], $0x80, s24, s6, $0xb8;
	[tilespmem:$0x8800] =	vst v63  }
0x42: {  	_ =	swait.ge [sflag:s8], $0x4000  }
0x43: {  	[sflag:s8] =	ssyncset.done $0x0  }
0x44: {  	s25 =	sadd.s32 $0x171600, s31;
	[sflag:s8] =	ssyncadd.s32 $0xFFFFC000  }
0x45: {  	[hbm4b:s25+s2] =	stream.linear.scatter [tilespmem:s10], [sflag:$0x3], $0x4000, $0x38;
	[tilespmem:$0x8800] =	vst v63  }
0x46: {  	_ =	swait.ge [sflag:s12], $0x4000  }
0x47: {  	[sflag:s12] =	ssyncset.done $0x0  }
0x48: {  	s26 =	simm.s32 $0x400;
	[sflag:s12] =	ssyncadd.s32 $0xFFFFC000  }
0x49: {  	[tilespmem:s7], [sflag:$0x1] =	stream.indirect.gather [hbm4b:s5+s6], $0x80, s26, s6, $0xb8;
	[tilespmem:$0x8800] =	vst v63  }
0x4a: {  	_ =	swait.ge [sflag:s8], $0x4000  }
0x4b: {  	[sflag:s8] =	ssyncset.done $0x0  }
0x4c: {  	s28 =	sadd.s32 $0x171E00, s31;
	[sflag:s8] =	ssyncadd.s32 $0xFFFFC000  }
0x4d: {  	[hbm4b:s28+s2] =	stream.linear.scatter [tilespmem:s7], [sflag:$0x2], $0x4000, $0x38;
	[tilespmem:$0x8800] =	vst v63  }
0x4e: {  	_ =	swait.ge [sflag:s14], $0x4000  }
0x4f: {  	s29 =	simm.s32 $0x480;
	s1 =	ssub.s32 $0x2, s30;
	[sflag:s14] =	ssyncset.done $0x0  }
0x50: {  	s30 =	sadd.s32 $0x172600, s31;
	s31 =	sshrl.u32 s1, $0x1;
	[sflag:s14] =	ssyncadd.s32 $0xFFFFC000  }
0x51: {  	[tilespmem:s10], [sflag:$0x1] =	stream.indirect.gather [hbm4b:s5+s6], $0x80, s29, s6, $0xb8;
	[tilespmem:$0x8800] =	vst v63  }
0x52: {  	s1 =	ssub.s32 s1, s31;
	_ =	swait.ge [sflag:s8], $0x4000  }
0x53: {  	s1 =	smax.u32 s1, $0x1;
	[sflag:s8] =	ssyncset.done $0x0  }
0x54: {  	p0 =	sne.s32 s1, $0x1;
	[sflag:s8] =	ssyncadd.s32 $0xFFFFC000  }
0x55: {  	[hbm4b:s30+s2] =	stream.linear.scatter [tilespmem:s10], [sflag:$0x3], $0x4000, $0x38;
	[tilespmem:$0x8800] =	vst v63  }
.Ltmp0:
0x56: {  	_ =	swait.ge [sflag:s12], $0x4000;
	(pc) =	sbr.rel @!p0 .LBB2_2-.Ltmp0, $4  }
0x57: {  	[sflag:s12] =	ssyncset.done $0x0  }
0x58: {  	[sflag:s12] =	ssyncadd.s32 $0xFFFFC000  }
0x59: {  	_ =	swait.ge [sflag:s14], $0x4000  }
0x5a: {  	s31 =	sadd.s32 $0xFFFFFFFF, s1;
	[sflag:s14] =	ssyncset.done $0x0  }
.LBB2_1:
0x5b: {  	p0 =	sne.s32 s31, $0x1;
	s31 =	sadd.s32 $0xFFFFFFFF, s31;
	[sflag:s14] =	ssyncadd.s32 $0xFFFFC000  }
0x5c: {  	[tilespmem:s2], [sflag:$0x4] =	stream.linear.gather [hbm4b:s3+s2], $0x500, $0x38;
	[tilespmem:$0x8800] =	vst v63  }
0x5d: {  	_ =	swait.ge [sflag:s4], $0x500  }
0x5e: {  	[sflag:s4] =	ssyncset.done $0x0  }
0x5f: {  	[sflag:s4] =	ssyncadd.s32 $0xFFFFFB00  }
0x60: {  	[tilespmem:s7], [sflag:$0x1] =	stream.indirect.gather [hbm4b:s5+s6], $0x80, s2, s6, $0xb8;
	[tilespmem:$0x8800] =	vst v63  }
0x61: {  	_ =	swait.ge [sflag:s8], $0x4000  }
0x62: {  	[sflag:s8] =	ssyncset.done $0x0  }
0x63: {  	[sflag:s8] =	ssyncadd.s32 $0xFFFFC000  }
0x64: {  	[hbm4b:s9+s2] =	stream.linear.scatter [tilespmem:s7], [sflag:$0x2], $0x4000, $0x38;
	[tilespmem:$0x8800] =	vst v63  }
0x65: {  	_ = 	snop  }
0x66: {  	[tilespmem:s10], [sflag:$0x1] =	stream.indirect.gather [hbm4b:s5+s6], $0x80, s6, s6, $0xb8;
	[tilespmem:$0x8800] =	vst v63  }
0x67: {  	_ =	swait.ge [sflag:s8], $0x4000  }
0x68: {  	[sflag:s8] =	ssyncset.done $0x0  }
0x69: {  	[sflag:s8] =	ssyncadd.s32 $0xFFFFC000  }
0x6a: {  	[hbm4b:s11+s2] =	stream.linear.scatter [tilespmem:s10], [sflag:$0x3], $0x4000, $0x38;
	[tilespmem:$0x8800] =	vst v63  }
0x6b: {  	_ =	swait.ge [sflag:s12], $0x4000  }
0x6c: {  	[sflag:s12] =	ssyncset.done $0x0  }
0x6d: {  	[sflag:s12] =	ssyncadd.s32 $0xFFFFC000  }
0x6e: {  	[tilespmem:s7], [sflag:$0x1] =	stream.indirect.gather [hbm4b:s5+s6], $0x80, s13, s6, $0xb8;
	[tilespmem:$0x8800] =	vst v63  }
0x6f: {  	_ =	swait.ge [sflag:s8], $0x4000  }
0x70: {  	[sflag:s8] =	ssyncset.done $0x0  }
0x71: {  	[sflag:s8] =	ssyncadd.s32 $0xFFFFC000  }
0x72: {  	[hbm4b:s15+s2] =	stream.linear.scatter [tilespmem:s7], [sflag:$0x2], $0x4000, $0x38;
	[tilespmem:$0x8800] =	vst v63  }
0x73: {  	_ =	swait.ge [sflag:s14], $0x4000  }
0x74: {  	[sflag:s14] =	ssyncset.done $0x0  }
0x75: {  	[sflag:s14] =	ssyncadd.s32 $0xFFFFC000  }
0x76: {  	[tilespmem:s10], [sflag:$0x1] =	stream.indirect.gather [hbm4b:s5+s6], $0x80, s16, s6, $0xb8;
	[tilespmem:$0x8800] =	vst v63  }
0x77: {  	_ =	swait.ge [sflag:s8], $0x4000  }
0x78: {  	[sflag:s8] =	ssyncset.done $0x0  }
0x79: {  	[sflag:s8] =	ssyncadd.s32 $0xFFFFC000  }
0x7a: {  	[hbm4b:s17+s2] =	stream.linear.scatter [tilespmem:s10], [sflag:$0x3], $0x4000, $0x38;
	[tilespmem:$0x8800] =	vst v63  }
0x7b: {  	_ =	swait.ge [sflag:s12], $0x4000  }
0x7c: {  	[sflag:s12] =	ssyncset.done $0x0  }
0x7d: {  	[sflag:s12] =	ssyncadd.s32 $0xFFFFC000  }
0x7e: {  	[tilespmem:s7], [sflag:$0x1] =	stream.indirect.gather [hbm4b:s5+s6], $0x80, s18, s6, $0xb8;
	[tilespmem:$0x8800] =	vst v63  }
0x7f: {  	_ =	swait.ge [sflag:s8], $0x4000  }
0x80: {  	[sflag:s8] =	ssyncset.done $0x0  }
0x81: {  	[sflag:s8] =	ssyncadd.s32 $0xFFFFC000  }
0x82: {  	[hbm4b:s19+s2] =	stream.linear.scatter [tilespmem:s7], [sflag:$0x2], $0x4000, $0x38;
	[tilespmem:$0x8800] =	vst v63  }
0x83: {  	_ =	swait.ge [sflag:s14], $0x4000  }
0x84: {  	[sflag:s14] =	ssyncset.done $0x0  }
0x85: {  	[sflag:s14] =	ssyncadd.s32 $0xFFFFC000  }
0x86: {  	[tilespmem:s10], [sflag:$0x1] =	stream.indirect.gather [hbm4b:s5+s6], $0x80, s20, s6, $0xb8;
	[tilespmem:$0x8800] =	vst v63  }
0x87: {  	_ =	swait.ge [sflag:s8], $0x4000  }
0x88: {  	[sflag:s8] =	ssyncset.done $0x0  }
0x89: {  	[sflag:s8] =	ssyncadd.s32 $0xFFFFC000  }
0x8a: {  	[hbm4b:s21+s2] =	stream.linear.scatter [tilespmem:s10], [sflag:$0x3], $0x4000, $0x38;
	[tilespmem:$0x8800] =	vst v63  }
0x8b: {  	_ =	swait.ge [sflag:s12], $0x4000  }
0x8c: {  	[sflag:s12] =	ssyncset.done $0x0  }
0x8d: {  	[sflag:s12] =	ssyncadd.s32 $0xFFFFC000  }
0x8e: {  	[tilespmem:s7], [sflag:$0x1] =	stream.indirect.gather [hbm4b:s5+s6], $0x80, s22, s6, $0xb8;
	[tilespmem:$0x8800] =	vst v63  }
0x8f: {  	_ =	swait.ge [sflag:s8], $0x4000  }
0x90: {  	[sflag:s8] =	ssyncset.done $0x0  }
0x91: {  	[sflag:s8] =	ssyncadd.s32 $0xFFFFC000  }
0x92: {  	[hbm4b:s23+s2] =	stream.linear.scatter [tilespmem:s7], [sflag:$0x2], $0x4000, $0x38;
	[tilespmem:$0x8800] =	vst v63  }
0x93: {  	_ =	swait.ge [sflag:s14], $0x4000  }
0x94: {  	[sflag:s14] =	ssyncset.done $0x0  }
0x95: {  	[sflag:s14] =	ssyncadd.s32 $0xFFFFC000  }
0x96: {  	[tilespmem:s10], [sflag:$0x1] =	stream.indirect.gather [hbm4b:s5+s6], $0x80, s24, s6, $0xb8;
	[tilespmem:$0x8800] =	vst v63  }
0x97: {  	_ =	swait.ge [sflag:s8], $0x4000  }
0x98: {  	[sflag:s8] =	ssyncset.done $0x0  }
0x99: {  	[sflag:s8] =	ssyncadd.s32 $0xFFFFC000  }
0x9a: {  	[hbm4b:s25+s2] =	stream.linear.scatter [tilespmem:s10], [sflag:$0x3], $0x4000, $0x38;
	[tilespmem:$0x8800] =	vst v63  }
0x9b: {  	_ =	swait.ge [sflag:s12], $0x4000  }
0x9c: {  	[sflag:s12] =	ssyncset.done $0x0  }
0x9d: {  	[sflag:s12] =	ssyncadd.s32 $0xFFFFC000  }
0x9e: {  	[tilespmem:s7], [sflag:$0x1] =	stream.indirect.gather [hbm4b:s5+s6], $0x80, s26, s6, $0xb8;
	[tilespmem:$0x8800] =	vst v63  }
0x9f: {  	_ =	swait.ge [sflag:s8], $0x4000  }
0xa0: {  	[sflag:s8] =	ssyncset.done $0x0  }
0xa1: {  	[sflag:s8] =	ssyncadd.s32 $0xFFFFC000  }
0xa2: {  	[hbm4b:s28+s2] =	stream.linear.scatter [tilespmem:s7], [sflag:$0x2], $0x4000, $0x38;
	[tilespmem:$0x8800] =	vst v63  }
0xa3: {  	_ =	swait.ge [sflag:s14], $0x4000  }
0xa4: {  	[sflag:s14] =	ssyncset.done $0x0  }
0xa5: {  	[sflag:s14] =	ssyncadd.s32 $0xFFFFC000  }
0xa6: {  	[tilespmem:s10], [sflag:$0x1] =	stream.indirect.gather [hbm4b:s5+s6], $0x80, s29, s6, $0xb8;
	[tilespmem:$0x8800] =	vst v63  }
0xa7: {  	_ =	swait.ge [sflag:s8], $0x4000  }
0xa8: {  	[sflag:s8] =	ssyncset.done $0x0  }
0xa9: {  	[sflag:s8] =	ssyncadd.s32 $0xFFFFC000  }
0xaa: {  	[hbm4b:s30+s2] =	stream.linear.scatter [tilespmem:s10], [sflag:$0x3], $0x4000, $0x38;
	[tilespmem:$0x8800] =	vst v63  }
.Ltmp1:
0xab: {  	_ =	swait.ge [sflag:s12], $0x4000;
	(pc) =	sbr.rel @p0 .LBB2_1-.Ltmp1, $4  }
0xac: {  	[sflag:s12] =	ssyncset.done $0x0  }
0xad: {  	[sflag:s12] =	ssyncadd.s32 $0xFFFFC000  }
0xae: {  	_ =	swait.ge [sflag:s14], $0x4000  }
0xaf: {  	[sflag:s14] =	ssyncset.done $0x0  }
.LBB2_2:
0xb0: {  	[sflag:s14] =	ssyncadd.s32 $0xFFFFC000  }
0xb1: {  	_ =	sfence.sel $0x180000  }
0xb2: {  	[bflag:$0x0] =	sbarrier.arrive $0xFFFF  }
0xb3: {  	_ =	strace $0x9000004D  }
0xb4: {  	[bflag:$0x2] =	sbarrier.arrive $0xFFFF  }
0xb5: {  	p0 =	sne.s32 s0, $0x0;
	s0 =	rddreg [dreg:$0x1]  }
0xb6: {  	s0 =	sadd.s32 @!p0 $0x100000, s0  }
0xb7: {  	[sflag:s0] =	ssyncadd.tile.s32 @!p0 $0x1;
	_ =	shalt  }
.Lfunc_end2:
_tile_overlayer_lowered:
.L_overlay_start_2:
0xb8: {  	(tag) =	ssettag $0x2  }
0xb9: {  	s0 =	rddreg [dreg:$0x0];
	s2 =	stileid.u32  }
0xba: {  	s1 =	rddreg [dreg:$0x1];
	p0 =	sne.s32 s2, $0x0  }
0xbb: {  	s3 =	rddreg [dreg:$0x2];
	[bflag:$0x3] =	sbarrier.arrive $0xFFFF;
	s2 =	simm.s32 @!p0 $0x1C04  }
0xbc: {  	[timem:s3], [sflag:s2] =	dma.local @!p0 [hbm:s0], s1  }
0xbd: {  	s0 =	simm.s32 @!p0 $0x4  }
0xbe: {  	_ =	swait.ge @!p0 [sflag:s0], s1  }
0xbf: {  	s1 =	ssub.s32 @!p0 $0x0, s1;
	[sflag:s0] =	ssyncset.done @!p0 $0x0  }
0xc0: {  	[sflag:s0] =	ssyncadd.s32 @!p0 s1  }
0xc1: {  	[bflag:$0x3] =	sbarrier.arrive $0xFFFF  }
0xc2: {  	_ =	shalt  }

// kernel: kernel.21.cloned.1.call-start
scs
__scs_entry_jumppad:
0x0: {  	(pc) =	sbr.rel $0x88, $3  }
0x1: {  	(tag) =	ssettag $0x0;
	lr =	simm.s32 $0x1  }
0x2: {  	[smem:$0x3F9F] =	sst lr;
	_ =	strace $0xD0000000  }
0x3: {  	_ = 	snop  }
0x4: {  	_ = 	snop  }
0x5: {  	_ = 	snop  }
0x6: {  	_ = 	snop  }
0x7: {  	_ = 	snop  }
__scs_overlays_trampoline_lowered:
0x8: {  	[smem:$0x3FAE] =	sst s0  }
0x9: {  	[smem:$0x3FAF] =	sst s1  }
0xa: {  	[smem:$0x3FB0] =	sst s2  }
0xb: {  	[smem:$0x3FB1] =	sst s3  }
0xc: {  	[smem:$0x3FB2] =	sst s4  }
0xd: {  	[smem:$0x3FB3] =	sst s5  }
0xe: {  	[smem:$0x3FB4] =	sst s6  }
0xf: {  	[smem:$0x3FB5] =	sst s7  }
0x10: {  	[smem:$0x3FB6] =	sst s8  }
0x11: {  	[smem:$0x3FB7] =	sst s9;
	s0 =	simm.s32 @!p0 $0x0  }
0x12: {  	s1 =	sld [smem:$0x3F9D];
	s0 =	simm.s32 @p0 $0x1  }
0x13: {  	[smem:$0x3FB8] =	sst s0;
	s0 =	simm.s32 @!p1 $0x0  }
0x14: {  	s2 =	sld [smem:$0x3F9C];
	s0 =	simm.s32 @p1 $0x1  }
0x15: {  	[smem:$0x3FB9] =	sst s0;
	s0 =	simm.s32 @!p2 $0x0  }
0x16: {  	s3 =	sld [smem:$0x3FDB];
	s0 =	simm.s32 @p2 $0x1  }
0x17: {  	s4 =	simm.s32 $0x1BF5;
	[smem:$0x3FBB] =	sst s0  }
0x18: {  	s0 =	sld [smem:$0x3F9E];
	_ =	swait.ge [sflag:s4], $0x0  }
0x19: {  	s7 =	sld [smem:$0x3F9F]  }
0x1a: {  	s8 =	sadd.s32 $0xFFFFE003, lr  }
0x1b: {  	s9 =	sadd.s32 $0xFFFFFEF7, lr;
	s5 =	simm.s32 $0xFFFFFFFF;
	p2 =	slt.u32 s8, $0xFFFFF086  }
0x1c: {  	p1 =	slt.u32 s9, $0xF7A;
	s5 =	simm.s32 @!p2 $0x0  }
0x1d: {  	s5 =	simm.s32 @p1 $0x1;
	p0 =	seq.s32 s7, s2  }
0x1e: {  	s7 =	smul.u32 @!p0 $0xF7A, s2;
	p2 =	seq.s32 @!p0 s5, $0x0  }
0x1f: {  	s9 =	smul.u32 $0xF7A, s1;
	s8 =	simm.s32 @!p0 $0x1BF5;
	p2 =	por !p2, p0  }
0x20: {  	[sflag:s8] =	ssyncset.s32 @!p0 $0xFFFFF086;
	s6 =	sadd.s32 @!p0 s3, s7;
	s7 =	simm.s32 @!p0 $0x108  }
0x21: {  	s3 =	sadd.s32 s3, s9;
	s6 =	sadd.s32 @!p0 $0x88, s6;
	s7 =	simm.s32 @p2 $0x1082  }
0x22: {  	[simem:s7], [sflag:s8] =	dma.local @!p0 [hbm:s6], $0xF7A  }
0x23: {  	s9 =	sor.u32 $0xD0000000, s2;
	s6 =	simm.s32 $0x108;
	_ =	swait.ge @!p0 [sflag:s8], $0x0  }
0x24: {  	s3 =	sadd.s32 $0x88, s3;
	s6 =	simm.s32 @!p1 $0x1082;
	[sflag:s4] =	ssyncset.s32 $0xFFFFF086  }
0x25: {  	[simem:s6], [sflag:s4] =	dma.local [hbm:s3], $0xF7A  }
0x26: {  	[smem:$0x3F9F] =	sst s1;
	(tag) =	ssettag s2;
	_ =	strace s9  }
0x27: {  	s1 =	sld [smem:$0x3FAF]  }
0x28: {  	s2 =	sld [smem:$0x3FB0]  }
0x29: {  	s4 =	sld [smem:$0x3FB2]  }
0x2a: {  	p0 =	seq.s32 s5, $0x0;
	s5 =	sld [smem:$0x3FB3]  }
0x2b: {  	s6 =	sld [smem:$0x3FB4]  }
0x2c: {  	s7 =	sld [smem:$0x3FB5]  }
0x2d: {  	s3 =	simm.s32 $0x108;
	s8 =	sld [smem:$0x3FB6]  }
0x2e: {  	s3 =	simm.s32 @!p0 $0x1082;
	s9 =	sld [smem:$0x3FB7]  }
0x2f: {  	lr =	sadd.s32 s0, s3;
	s0 =	sld [smem:$0x3FAE]  }
0x30: {  	s3 =	sld [smem:$0x3FB1]  }
0x31: {  	[smem:$0x3FBA] =	sst s10  }
0x32: {  	s10 =	sld [smem:$0x3FB8];
	_ =	sdelay $0x3  }
0x33: {  	p0 =	seq.s32 s10, $0x1;
	s10 =	sld [smem:$0x3FBA];
	_ =	sdelay $0x3  }
0x34: {  	[smem:$0x3FBA] =	sst s10  }
0x35: {  	s10 =	sld [smem:$0x3FB9];
	_ =	sdelay $0x3  }
0x36: {  	p1 =	seq.s32 s10, $0x1;
	s10 =	sld [smem:$0x3FBA];
	_ =	sdelay $0x3  }
0x37: {  	[smem:$0x3FBA] =	sst s10  }
0x38: {  	s10 =	sld [smem:$0x3FBB]  }
0x39: {  	_ = 	snop;
	(pc) =	sbr.ind lr, $3  }
0x3a: {  	_ = 	snop  }
0x3b: {  	_ = 	snop  }
0x3c: {  	p2 =	seq.s32 s10, $0x1;
	s10 =	sld [smem:$0x3FBA]  }
0x3d: {  	_ =	shalt  }
0x3e: {  	_ =	shalt  }
0x3f: {  	_ =	shalt  }
0x40: {  	_ =	shalt  }
0x41: {  	_ =	shalt  }
0x42: {  	_ =	shalt  }
0x43: {  	_ =	shalt  }
0x44: {  	_ =	shalt  }
0x45: {  	_ =	shalt  }
0x46: {  	_ =	shalt  }
0x47: {  	_ =	shalt  }
0x48: {  	_ =	shalt  }
0x49: {  	_ =	shalt  }
0x4a: {  	_ =	shalt  }
0x4b: {  	_ =	shalt  }
0x4c: {  	_ =	shalt  }
0x4d: {  	_ =	shalt  }
0x4e: {  	_ =	shalt  }
0x4f: {  	_ =	shalt  }
0x50: {  	_ =	shalt  }
0x51: {  	_ =	shalt  }
0x52: {  	_ =	shalt  }
0x53: {  	_ =	shalt  }
0x54: {  	_ =	shalt  }
0x55: {  	_ =	shalt  }
0x56: {  	_ =	shalt  }
0x57: {  	_ =	shalt  }
0x58: {  	_ =	shalt  }
0x59: {  	_ =	shalt  }
0x5a: {  	_ =	shalt  }
0x5b: {  	_ =	shalt  }
0x5c: {  	_ =	shalt  }
0x5d: {  	_ =	shalt  }
0x5e: {  	_ =	shalt  }
0x5f: {  	_ =	shalt  }
0x60: {  	_ =	shalt  }
0x61: {  	_ =	shalt  }
0x62: {  	_ =	shalt  }
0x63: {  	_ =	shalt  }
0x64: {  	_ =	shalt  }
0x65: {  	_ =	shalt  }
0x66: {  	_ =	shalt  }
0x67: {  	_ =	shalt  }
0x68: {  	_ =	shalt  }
0x69: {  	_ =	shalt  }
0x6a: {  	_ =	shalt  }
0x6b: {  	_ =	shalt  }
0x6c: {  	_ =	shalt  }
0x6d: {  	_ =	shalt  }
0x6e: {  	_ =	shalt  }
0x6f: {  	_ =	shalt  }
0x70: {  	_ =	shalt  }
0x71: {  	_ =	shalt  }
0x72: {  	_ =	shalt  }
0x73: {  	_ =	shalt  }
0x74: {  	_ =	shalt  }
0x75: {  	_ =	shalt  }
0x76: {  	_ =	shalt  }
0x77: {  	_ =	shalt  }
0x78: {  	_ =	shalt  }
0x79: {  	_ =	shalt  }
0x7a: {  	_ =	shalt  }
0x7b: {  	_ =	shalt  }
0x7c: {  	_ =	shalt  }
0x7d: {  	_ =	shalt  }
0x7e: {  	_ =	shalt  }
0x7f: {  	_ =	shalt  }
0x80: {  	_ =	shalt  }
0x81: {  	_ =	shalt  }
0x82: {  	_ =	shalt  }
0x83: {  	_ =	shalt  }
0x84: {  	_ =	shalt  }
0x85: {  	_ =	shalt  }
0x86: {  	_ =	shalt  }
0x87: {  	_ =	shalt  }
.Lfunc_end0:
.L_simem_size_0:
called_computation.3_lowered:
.L_overlay_start_0:
0x88: {  	s2 =	sld [smem:$0x3FD9]  }
0x89: {  	s3 =	sld [smem:$0x3FFE];
	_ =	sdelay $0x1  }
0x8a: {  	s1 =	srdreg.scid  }
0x8b: {  	s0 =	sand.u32 $0x1, s1  }
0x8c: {  	s17 =	sshll.u32 s0, $0xA;
	s2 =	sadd.s32 s3, s2  }
0x8d: {  	s2 =	sadd.s32 s2, s17  }
0x8e: {  	[smem:$0x3FC6] =	sst s2  }
0x8f: {  	_ = 	snop  }
0x90: {  	(tm) =	ssettm $0x1  }
0x91: {  	s18 =	sld [smem:$0x3FFB];
	_ =	sdelay $0x3  }
0x92: {  	_ =	strace s18  }
0x93: {  	s2 =	sld [smem:$0x3FFC];
	_ =	sdelay $0x3  }
0x94: {  	_ =	strace s2  }
0x95: {  	s2 =	sld [smem:$0x3FFD];
	_ =	sdelay $0x3  }
0x96: {  	_ =	strace s2  }
0x97: {  	_ =	strace $0x8FFFFFFF  }
0x98: {  	s19 =	sld [smem:$0x3FDB];
	_ =	sdelay $0x1  }
0x99: {  	s20 =	simm.s32 $_scs_section_size  }
0x9a: {  	s4 =	simm.s32 $_size__tile_overlayer_lowered;
	s5 =	simm.s32 $_tile_overlayer_lowered  }
0x9b: {  	s6 =	simm.s32 $0x1BFF;
	s21 =	sshll.u32 s5, $0x1;
	s3 =	sadd.s32 s20, s19  }
0x9c: {  	s22 =	simm.s32 $0x0;
	s4 =	sshll.u32 s4, $0x1;
	s5 =	sadd.s32 s21, s3  }
0x9d: {  	[timem:s22], [sflag:s6] =	dma.local [hbm:s5], s4  }
0x9e: {  	_ =	swait.ge [sflag:s6], s4  }
0x9f: {  	s4 =	ssub.s32 $0x0, s4;
	[sflag:s6] =	ssyncset.done $0x0  }
0xa0: {  	[sflag:s6] =	ssyncadd.s32 s4;
	_ =	sdelay $0x1  }
0xa1: {  	s23 =	simm.s32 $0x1B8B  }
0xa2: {  	_ =	swait.ge [sflag:s23], $0x1  }
0xa3: {  	[sflag:s23] =	ssyncset.done $0x0  }
0xa4: {  	[sflag:s23] =	ssyncadd.s32 $0xFFFFFFFF  }
0xa5: {  	s4 =	sld [smem:$0x0]  }
0xa6: {  	s5 =	sand.u32 $0xFFFFFFFE, s1  }
0xa7: {  	p0 =	sne.s32 s1, s5  }
0xa8: {  	s5 =	sshll.u32 @p0 s5, $0xE  }
0xa9: {  	s5 =	sadd.s32 @p0 $0x11B8D, s5;
	s6 =	sshll.u32 @p0 s4, $0x11  }
0xaa: {  	s5 =	sor.u32 @p0 s6, s5  }
0xab: {  	[sflag:s5] =	ssyncadd.remote.s32 @p0 $0x1;
	_ =	sdelay $0x1  }
0xac: {  	s5 =	simm.s32 @p0 $0x1B8D  }
0xad: {  	_ =	swait.eq @p0 [sflag:s5], $0x1  }
0xae: {  	[sflag:s5] =	ssyncadd.s32 @p0 $0xFFFFFFFF  }
0xaf: {  	s6 =	sshll.u32 @!p0 s1, $0xE  }
0xb0: {  	s6 =	sor.u32 @!p0 $0x4000, s6;
	s5 =	simm.s32 @!p0 $0x1B8D  }
0xb1: {  	s4 =	sshll.u32 @!p0 s4, $0x11;
	s6 =	sadd.s32 @!p0 $0x11B8D, s6;
	_ =	swait.eq @!p0 [sflag:s5], $0x1  }
0xb2: {  	s4 =	sor.u32 @!p0 s4, s6;
	[sflag:s5] =	ssyncadd.s32 @!p0 $0xFFFFFFFF  }
0xb3: {  	s25 =	simm.s32 $0x1B8E;
	s24 =	sld [smem:$0x3FFE];
	[sflag:s4] =	ssyncadd.remote.s32 @!p0 $0x1  }
0xb4: {  	s26 =	simm.s32 $execute0_lowered;
	[smem:$0x3FD2] =	sst s25  }
0xb5: {  	s5 =	sshll.u32 s26, $0x1;
	_ =	strace $0x8000004F;
	[dreg:$0x1] =	wrdreg $0xFFFFFFFF  }
0xb6: {  	s28 =	simm.s32 $_size_execute0_lowered;
	s3 =	sadd.s32 s3, s5;
	[dreg:$0x0] =	wrdreg $0x0  }
0xb7: {  	s5 =	sshll.u32 s28, $0x1;
	[dreg:$0x2] =	wrdreg s3  }
0xb8: {  	[dreg:$0x3] =	wrdreg s5  }
0xb9: {  	[dreg:$0x4] =	wrdreg $0xC0  }
0xba: {  	_ =	task [dreg:s22], $0x5FFFF  }
0xbb: {  	[dreg:$0x1] =	wrdreg $0xFFFFFFFF  }
0xbc: {  	[dreg:$0x0] =	wrdreg $0x60  }
0xbd: {  	[dreg:$0x2] =	wrdreg s24  }
0xbe: {  	[dreg:$0x3] =	wrdreg $0xC  }
0xbf: {  	_ =	task.clear_ibuf [dreg:s22], $0x4FFFF;
	_ =	strace $0x9000004F  }
0xc0: {  	s29 =	simm.s32 $0xC;
	_ =	strace $0x80000051  }
0xc1: {  	_ =	swait.ge [sflag:s29], $0x1  }
0xc2: {  	[sflag:s29] =	ssyncadd.s32 $0xFFFFFFFF  }
0xc3: {  	_ =	strace $0x90000051  }
0xc4: {  	_ =	sfence  }
0xc5: {  	s30 =	sld [smem:$0x0];
	_ =	sdelay $0x2  }
0xc6: {  	s31 =	sshll.u32 s1, $0xD;
	s1 =	sshrl.u32 s1, $0x2  }
0xc7: {  	s4 =	sand.u32 $0x4000, s31;
	s1 =	sadd.s32 s1, s30  }
0xc8: {  	s0 =	sor.u32 s4, s0;
	s1 =	sshll.u32 s1, $0x11  }
0xc9: {  	s0 =	sor.u32 s1, s0  }
0xca: {  	s0 =	sadd.s32 $0x8F2B, s0  }
0xcb: {  	[sflag:s0] =	ssyncadd.remote.s32 $0x1  }
0xcc: {  	_ =	sfence.sel $0xFFFF  }
0xcd: {  	[dreg:$0x0] =	wrdreg $0xFFFFFFFF;
	(pc) =	sbr.abs _section_cstart, $3  }
0xce: {  	[dreg:$0x1] =	wrdreg $0xFFFFFFFF  }
0xcf: {  	_ =	task.clear_ibuf [dreg:s22], $0x2FFFF;
	_ =	strace $0x9FFFFFFF  }
0xd0: {  	(tm) =	ssettm $0x7FFFFFFF  }
0xd1: {  	_ =	shalt  }
tec
execute0_lowered:
.L_overlay_start_1:
0x0: {  	(tag) =	ssettag $0x1  }
0x1: {  	s1 =	srdreg.scid;
	s0 =	stileid.u32  }
0x2: {  	s30 =	sand.u32 $0x1, s1;
	s26 =	sshll.u32 s0, $0x1  }
0x3: {  	s6 =	sor.u32 s30, s26  }
0x4: {  	s9 =	rddreg [dreg:$0x0];
	s2 =	simm.s32 $0x0;
	s3 =	sshll.u32 s6, $0x8  }
0x5: {  	[smem:$0x7FF] =	sst s2;
	s3 =	sadd.s32 s3, s9  }
0x6: {  	s4 =	simm.s32 $0x4;
	_ =	strace $0x80000050;
	s3 =	sadd.s32 $0x20DE00, s3  }
0x7: {  	[tilespmem:s2], [sflag:$0x4] =	stream.linear.gather [hbm4b:s3+s2], $0x500, $0x38;
	[tilespmem:$0x8800] =	vst v63  }
0x8: {  	s7 =	simm.s32 $0x800;
	_ =	swait.ge [sflag:s4], $0x500  }
0x9: {  	s8 =	simm.s32 $0x1;
	s5 =	sadd.s32 $0x2800, s9;
	[sflag:s4] =	ssyncset.done $0x0  }
0xa: {  	s10 =	smul.u32 $0x5000, s6;
	s6 =	simm.s32 $0x80;
	[sflag:s4] =	ssyncadd.s32 $0xFFFFFB00  }
0xb: {  	[tilespmem:s7], [sflag:$0x1] =	stream.indirect.gather [hbm4b:s5+s6], $0x80, s2, s6, $0xb8;
	[tilespmem:$0x8800] =	vst v63  }
0xc: {  	_ =	swait.ge [sflag:s8], $0x4000  }
0xd: {  	s31 =	sadd.s32 s10, s9;
	[sflag:s8] =	ssyncset.done $0x0  }
0xe: {  	s9 =	sadd.s32 $0x20FE00, s31;
	[sflag:s8] =	ssyncadd.s32 $0xFFFFC000  }
0xf: {  	[hbm4b:s9+s2] =	stream.linear.scatter [tilespmem:s7], [sflag:$0x2], $0x4000, $0x38;
	[tilespmem:$0x8800] =	vst v63  }
0x10: {  	s10 =	simm.s32 $0x4800  }
0x11: {  	[tilespmem:s10], [sflag:$0x1] =	stream.indirect.gather [hbm4b:s5+s6], $0x80, s6, s6, $0xb8;
	[tilespmem:$0x8800] =	vst v63  }
0x12: {  	_ =	swait.ge [sflag:s8], $0x4000  }
0x13: {  	[sflag:s8] =	ssyncset.done $0x0  }
0x14: {  	s12 =	simm.s32 $0x2;
	s11 =	sadd.s32 $0x210600, s31;
	[sflag:s8] =	ssyncadd.s32 $0xFFFFC000  }
0x15: {  	[hbm4b:s11+s2] =	stream.linear.scatter [tilespmem:s10], [sflag:$0x3], $0x4000, $0x38;
	[tilespmem:$0x8800] =	vst v63  }
0x16: {  	_ =	swait.ge [sflag:s12], $0x4000  }
0x17: {  	[sflag:s12] =	ssyncset.done $0x0  }
0x18: {  	s13 =	simm.s32 $0x100;
	[sflag:s12] =	ssyncadd.s32 $0xFFFFC000  }
0x19: {  	[tilespmem:s7], [sflag:$0x1] =	stream.indirect.gather [hbm4b:s5+s6], $0x80, s13, s6, $0xb8;
	[tilespmem:$0x8800] =	vst v63  }
0x1a: {  	_ =	swait.ge [sflag:s8], $0x4000  }
0x1b: {  	[sflag:s8] =	ssyncset.done $0x0  }
0x1c: {  	s14 =	simm.s32 $0x3;
	s15 =	sadd.s32 $0x210E00, s31;
	[sflag:s8] =	ssyncadd.s32 $0xFFFFC000  }
0x1d: {  	[hbm4b:s15+s2] =	stream.linear.scatter [tilespmem:s7], [sflag:$0x2], $0x4000, $0x38;
	[tilespmem:$0x8800] =	vst v63  }
0x1e: {  	_ =	swait.ge [sflag:s14], $0x4000  }
0x1f: {  	[sflag:s14] =	ssyncset.done $0x0  }
0x20: {  	s16 =	simm.s32 $0x180;
	[sflag:s14] =	ssyncadd.s32 $0xFFFFC000  }
0x21: {  	[tilespmem:s10], [sflag:$0x1] =	stream.indirect.gather [hbm4b:s5+s6], $0x80, s16, s6, $0xb8;
	[tilespmem:$0x8800] =	vst v63  }
0x22: {  	_ =	swait.ge [sflag:s8], $0x4000  }
0x23: {  	[sflag:s8] =	ssyncset.done $0x0  }
0x24: {  	s17 =	sadd.s32 $0x211600, s31;
	[sflag:s8] =	ssyncadd.s32 $0xFFFFC000  }
0x25: {  	[hbm4b:s17+s2] =	stream.linear.scatter [tilespmem:s10], [sflag:$0x3], $0x4000, $0x38;
	[tilespmem:$0x8800] =	vst v63  }
0x26: {  	_ =	swait.ge [sflag:s12], $0x4000  }
0x27: {  	[sflag:s12] =	ssyncset.done $0x0  }
0x28: {  	s18 =	simm.s32 $0x200;
	[sflag:s12] =	ssyncadd.s32 $0xFFFFC000  }
0x29: {  	[tilespmem:s7], [sflag:$0x1] =	stream.indirect.gather [hbm4b:s5+s6], $0x80, s18, s6, $0xb8;
	[tilespmem:$0x8800] =	vst v63  }
0x2a: {  	_ =	swait.ge [sflag:s8], $0x4000  }
0x2b: {  	[sflag:s8] =	ssyncset.done $0x0  }
0x2c: {  	s19 =	sadd.s32 $0x211E00, s31;
	[sflag:s8] =	ssyncadd.s32 $0xFFFFC000  }
0x2d: {  	[hbm4b:s19+s2] =	stream.linear.scatter [tilespmem:s7], [sflag:$0x2], $0x4000, $0x38;
	[tilespmem:$0x8800] =	vst v63  }
0x2e: {  	_ =	swait.ge [sflag:s14], $0x4000  }
0x2f: {  	[sflag:s14] =	ssyncset.done $0x0  }
0x30: {  	s20 =	simm.s32 $0x280;
	[sflag:s14] =	ssyncadd.s32 $0xFFFFC000  }
0x31: {  	[tilespmem:s10], [sflag:$0x1] =	stream.indirect.gather [hbm4b:s5+s6], $0x80, s20, s6, $0xb8;
	[tilespmem:$0x8800] =	vst v63  }
0x32: {  	_ =	swait.ge [sflag:s8], $0x4000  }
0x33: {  	[sflag:s8] =	ssyncset.done $0x0  }
0x34: {  	s21 =	sadd.s32 $0x212600, s31;
	[sflag:s8] =	ssyncadd.s32 $0xFFFFC000  }
0x35: {  	[hbm4b:s21+s2] =	stream.linear.scatter [tilespmem:s10], [sflag:$0x3], $0x4000, $0x38;
	[tilespmem:$0x8800] =	vst v63  }
0x36: {  	_ =	swait.ge [sflag:s12], $0x4000  }
0x37: {  	[sflag:s12] =	ssyncset.done $0x0  }
0x38: {  	s22 =	simm.s32 $0x300;
	[sflag:s12] =	ssyncadd.s32 $0xFFFFC000  }
0x39: {  	[tilespmem:s7], [sflag:$0x1] =	stream.indirect.gather [hbm4b:s5+s6], $0x80, s22, s6, $0xb8;
	[tilespmem:$0x8800] =	vst v63  }
0x3a: {  	_ =	swait.ge [sflag:s8], $0x4000  }
0x3b: {  	[sflag:s8] =	ssyncset.done $0x0  }
0x3c: {  	s23 =	sadd.s32 $0x212E00, s31;
	[sflag:s8] =	ssyncadd.s32 $0xFFFFC000  }
0x3d: {  	[hbm4b:s23+s2] =	stream.linear.scatter [tilespmem:s7], [sflag:$0x2], $0x4000, $0x38;
	[tilespmem:$0x8800] =	vst v63  }
0x3e: {  	_ =	swait.ge [sflag:s14], $0x4000  }
0x3f: {  	[sflag:s14] =	ssyncset.done $0x0  }
0x40: {  	s24 =	simm.s32 $0x380;
	[sflag:s14] =	ssyncadd.s32 $0xFFFFC000  }
0x41: {  	[tilespmem:s10], [sflag:$0x1] =	stream.indirect.gather [hbm4b:s5+s6], $0x80, s24, s6, $0xb8;
	[tilespmem:$0x8800] =	vst v63  }
0x42: {  	_ =	swait.ge [sflag:s8], $0x4000  }
0x43: {  	[sflag:s8] =	ssyncset.done $0x0  }
0x44: {  	s25 =	sadd.s32 $0x213600, s31;
	[sflag:s8] =	ssyncadd.s32 $0xFFFFC000  }
0x45: {  	[hbm4b:s25+s2] =	stream.linear.scatter [tilespmem:s10], [sflag:$0x3], $0x4000, $0x38;
	[tilespmem:$0x8800] =	vst v63  }
0x46: {  	_ =	swait.ge [sflag:s12], $0x4000  }
0x47: {  	[sflag:s12] =	ssyncset.done $0x0  }
0x48: {  	s26 =	simm.s32 $0x400;
	[sflag:s12] =	ssyncadd.s32 $0xFFFFC000  }
0x49: {  	[tilespmem:s7], [sflag:$0x1] =	stream.indirect.gather [hbm4b:s5+s6], $0x80, s26, s6, $0xb8;
	[tilespmem:$0x8800] =	vst v63  }
0x4a: {  	_ =	swait.ge [sflag:s8], $0x4000  }
0x4b: {  	[sflag:s8] =	ssyncset.done $0x0  }
0x4c: {  	s28 =	sadd.s32 $0x213E00, s31;
	[sflag:s8] =	ssyncadd.s32 $0xFFFFC000  }
0x4d: {  	[hbm4b:s28+s2] =	stream.linear.scatter [tilespmem:s7], [sflag:$0x2], $0x4000, $0x38;
	[tilespmem:$0x8800] =	vst v63  }
0x4e: {  	_ =	swait.ge [sflag:s14], $0x4000  }
0x4f: {  	s29 =	simm.s32 $0x480;
	s1 =	ssub.s32 $0x2, s30;
	[sflag:s14] =	ssyncset.done $0x0  }
0x50: {  	s30 =	sadd.s32 $0x214600, s31;
	s31 =	sshrl.u32 s1, $0x1;
	[sflag:s14] =	ssyncadd.s32 $0xFFFFC000  }
0x51: {  	[tilespmem:s10], [sflag:$0x1] =	stream.indirect.gather [hbm4b:s5+s6], $0x80, s29, s6, $0xb8;
	[tilespmem:$0x8800] =	vst v63  }
0x52: {  	s1 =	ssub.s32 s1, s31;
	_ =	swait.ge [sflag:s8], $0x4000  }
0x53: {  	s1 =	smax.u32 s1, $0x1;
	[sflag:s8] =	ssyncset.done $0x0  }
0x54: {  	p0 =	sne.s32 s1, $0x1;
	[sflag:s8] =	ssyncadd.s32 $0xFFFFC000  }
0x55: {  	[hbm4b:s30+s2] =	stream.linear.scatter [tilespmem:s10], [sflag:$0x3], $0x4000, $0x38;
	[tilespmem:$0x8800] =	vst v63  }
.Ltmp0:
0x56: {  	_ =	swait.ge [sflag:s12], $0x4000;
	(pc) =	sbr.rel @!p0 .LBB2_2-.Ltmp0, $4  }
0x57: {  	[sflag:s12] =	ssyncset.done $0x0  }
0x58: {  	[sflag:s12] =	ssyncadd.s32 $0xFFFFC000  }
0x59: {  	_ =	swait.ge [sflag:s14], $0x4000  }
0x5a: {  	s31 =	sadd.s32 $0xFFFFFFFF, s1;
	[sflag:s14] =	ssyncset.done $0x0  }
.LBB2_1:
0x5b: {  	p0 =	sne.s32 s31, $0x1;
	s31 =	sadd.s32 $0xFFFFFFFF, s31;
	[sflag:s14] =	ssyncadd.s32 $0xFFFFC000  }
0x5c: {  	[tilespmem:s2], [sflag:$0x4] =	stream.linear.gather [hbm4b:s3+s2], $0x500, $0x38;
	[tilespmem:$0x8800] =	vst v63  }
0x5d: {  	_ =	swait.ge [sflag:s4], $0x500  }
0x5e: {  	[sflag:s4] =	ssyncset.done $0x0  }
0x5f: {  	[sflag:s4] =	ssyncadd.s32 $0xFFFFFB00  }
0x60: {  	[tilespmem:s7], [sflag:$0x1] =	stream.indirect.gather [hbm4b:s5+s6], $0x80, s2, s6, $0xb8;
	[tilespmem:$0x8800] =	vst v63  }
0x61: {  	_ =	swait.ge [sflag:s8], $0x4000  }
0x62: {  	[sflag:s8] =	ssyncset.done $0x0  }
0x63: {  	[sflag:s8] =	ssyncadd.s32 $0xFFFFC000  }
0x64: {  	[hbm4b:s9+s2] =	stream.linear.scatter [tilespmem:s7], [sflag:$0x2], $0x4000, $0x38;
	[tilespmem:$0x8800] =	vst v63  }
0x65: {  	_ = 	snop  }
0x66: {  	[tilespmem:s10], [sflag:$0x1] =	stream.indirect.gather [hbm4b:s5+s6], $0x80, s6, s6, $0xb8;
	[tilespmem:$0x8800] =	vst v63  }
0x67: {  	_ =	swait.ge [sflag:s8], $0x4000  }
0x68: {  	[sflag:s8] =	ssyncset.done $0x0  }
0x69: {  	[sflag:s8] =	ssyncadd.s32 $0xFFFFC000  }
0x6a: {  	[hbm4b:s11+s2] =	stream.linear.scatter [tilespmem:s10], [sflag:$0x3], $0x4000, $0x38;
	[tilespmem:$0x8800] =	vst v63  }
0x6b: {  	_ =	swait.ge [sflag:s12], $0x4000  }
0x6c: {  	[sflag:s12] =	ssyncset.done $0x0  }
0x6d: {  	[sflag:s12] =	ssyncadd.s32 $0xFFFFC000  }
0x6e: {  	[tilespmem:s7], [sflag:$0x1] =	stream.indirect.gather [hbm4b:s5+s6], $0x80, s13, s6, $0xb8;
	[tilespmem:$0x8800] =	vst v63  }
0x6f: {  	_ =	swait.ge [sflag:s8], $0x4000  }
0x70: {  	[sflag:s8] =	ssyncset.done $0x0  }
0x71: {  	[sflag:s8] =	ssyncadd.s32 $0xFFFFC000  }
0x72: {  	[hbm4b:s15+s2] =	stream.linear.scatter [tilespmem:s7], [sflag:$0x2], $0x4000, $0x38;
	[tilespmem:$0x8800] =	vst v63  }
0x73: {  	_ =	swait.ge [sflag:s14], $0x4000  }
0x74: {  	[sflag:s14] =	ssyncset.done $0x0  }
0x75: {  	[sflag:s14] =	ssyncadd.s32 $0xFFFFC000  }
0x76: {  	[tilespmem:s10], [sflag:$0x1] =	stream.indirect.gather [hbm4b:s5+s6], $0x80, s16, s6, $0xb8;
	[tilespmem:$0x8800] =	vst v63  }
0x77: {  	_ =	swait.ge [sflag:s8], $0x4000  }
0x78: {  	[sflag:s8] =	ssyncset.done $0x0  }
0x79: {  	[sflag:s8] =	ssyncadd.s32 $0xFFFFC000  }
0x7a: {  	[hbm4b:s17+s2] =	stream.linear.scatter [tilespmem:s10], [sflag:$0x3], $0x4000, $0x38;
	[tilespmem:$0x8800] =	vst v63  }
0x7b: {  	_ =	swait.ge [sflag:s12], $0x4000  }
0x7c: {  	[sflag:s12] =	ssyncset.done $0x0  }
0x7d: {  	[sflag:s12] =	ssyncadd.s32 $0xFFFFC000  }
0x7e: {  	[tilespmem:s7], [sflag:$0x1] =	stream.indirect.gather [hbm4b:s5+s6], $0x80, s18, s6, $0xb8;
	[tilespmem:$0x8800] =	vst v63  }
0x7f: {  	_ =	swait.ge [sflag:s8], $0x4000  }
0x80: {  	[sflag:s8] =	ssyncset.done $0x0  }
0x81: {  	[sflag:s8] =	ssyncadd.s32 $0xFFFFC000  }
0x82: {  	[hbm4b:s19+s2] =	stream.linear.scatter [tilespmem:s7], [sflag:$0x2], $0x4000, $0x38;
	[tilespmem:$0x8800] =	vst v63  }
0x83: {  	_ =	swait.ge [sflag:s14], $0x4000  }
0x84: {  	[sflag:s14] =	ssyncset.done $0x0  }
0x85: {  	[sflag:s14] =	ssyncadd.s32 $0xFFFFC000  }
0x86: {  	[tilespmem:s10], [sflag:$0x1] =	stream.indirect.gather [hbm4b:s5+s6], $0x80, s20, s6, $0xb8;
	[tilespmem:$0x8800] =	vst v63  }
0x87: {  	_ =	swait.ge [sflag:s8], $0x4000  }
0x88: {  	[sflag:s8] =	ssyncset.done $0x0  }
0x89: {  	[sflag:s8] =	ssyncadd.s32 $0xFFFFC000  }
0x8a: {  	[hbm4b:s21+s2] =	stream.linear.scatter [tilespmem:s10], [sflag:$0x3], $0x4000, $0x38;
	[tilespmem:$0x8800] =	vst v63  }
0x8b: {  	_ =	swait.ge [sflag:s12], $0x4000  }
0x8c: {  	[sflag:s12] =	ssyncset.done $0x0  }
0x8d: {  	[sflag:s12] =	ssyncadd.s32 $0xFFFFC000  }
0x8e: {  	[tilespmem:s7], [sflag:$0x1] =	stream.indirect.gather [hbm4b:s5+s6], $0x80, s22, s6, $0xb8;
	[tilespmem:$0x8800] =	vst v63  }
0x8f: {  	_ =	swait.ge [sflag:s8], $0x4000  }
0x90: {  	[sflag:s8] =	ssyncset.done $0x0  }
0x91: {  	[sflag:s8] =	ssyncadd.s32 $0xFFFFC000  }
0x92: {  	[hbm4b:s23+s2] =	stream.linear.scatter [tilespmem:s7], [sflag:$0x2], $0x4000, $0x38;
	[tilespmem:$0x8800] =	vst v63  }
0x93: {  	_ =	swait.ge [sflag:s14], $0x4000  }
0x94: {  	[sflag:s14] =	ssyncset.done $0x0  }
0x95: {  	[sflag:s14] =	ssyncadd.s32 $0xFFFFC000  }
0x96: {  	[tilespmem:s10], [sflag:$0x1] =	stream.indirect.gather [hbm4b:s5+s6], $0x80, s24, s6, $0xb8;
	[tilespmem:$0x8800] =	vst v63  }
0x97: {  	_ =	swait.ge [sflag:s8], $0x4000  }
0x98: {  	[sflag:s8] =	ssyncset.done $0x0  }
0x99: {  	[sflag:s8] =	ssyncadd.s32 $0xFFFFC000  }
0x9a: {  	[hbm4b:s25+s2] =	stream.linear.scatter [tilespmem:s10], [sflag:$0x3], $0x4000, $0x38;
	[tilespmem:$0x8800] =	vst v63  }
0x9b: {  	_ =	swait.ge [sflag:s12], $0x4000  }
0x9c: {  	[sflag:s12] =	ssyncset.done $0x0  }
0x9d: {  	[sflag:s12] =	ssyncadd.s32 $0xFFFFC000  }
0x9e: {  	[tilespmem:s7], [sflag:$0x1] =	stream.indirect.gather [hbm4b:s5+s6], $0x80, s26, s6, $0xb8;
	[tilespmem:$0x8800] =	vst v63  }
0x9f: {  	_ =	swait.ge [sflag:s8], $0x4000  }
0xa0: {  	[sflag:s8] =	ssyncset.done $0x0  }
0xa1: {  	[sflag:s8] =	ssyncadd.s32 $0xFFFFC000  }
0xa2: {  	[hbm4b:s28+s2] =	stream.linear.scatter [tilespmem:s7], [sflag:$0x2], $0x4000, $0x38;
	[tilespmem:$0x8800] =	vst v63  }
0xa3: {  	_ =	swait.ge [sflag:s14], $0x4000  }
0xa4: {  	[sflag:s14] =	ssyncset.done $0x0  }
0xa5: {  	[sflag:s14] =	ssyncadd.s32 $0xFFFFC000  }
0xa6: {  	[tilespmem:s10], [sflag:$0x1] =	stream.indirect.gather [hbm4b:s5+s6], $0x80, s29, s6, $0xb8;
	[tilespmem:$0x8800] =	vst v63  }
0xa7: {  	_ =	swait.ge [sflag:s8], $0x4000  }
0xa8: {  	[sflag:s8] =	ssyncset.done $0x0  }
0xa9: {  	[sflag:s8] =	ssyncadd.s32 $0xFFFFC000  }
0xaa: {  	[hbm4b:s30+s2] =	stream.linear.scatter [tilespmem:s10], [sflag:$0x3], $0x4000, $0x38;
	[tilespmem:$0x8800] =	vst v63  }
.Ltmp1:
0xab: {  	_ =	swait.ge [sflag:s12], $0x4000;
	(pc) =	sbr.rel @p0 .LBB2_1-.Ltmp1, $4  }
0xac: {  	[sflag:s12] =	ssyncset.done $0x0  }
0xad: {  	[sflag:s12] =	ssyncadd.s32 $0xFFFFC000  }
0xae: {  	_ =	swait.ge [sflag:s14], $0x4000  }
0xaf: {  	[sflag:s14] =	ssyncset.done $0x0  }
.LBB2_2:
0xb0: {  	[sflag:s14] =	ssyncadd.s32 $0xFFFFC000  }
0xb1: {  	_ =	sfence.sel $0x180000  }
0xb2: {  	[bflag:$0x0] =	sbarrier.arrive $0xFFFF  }
0xb3: {  	_ =	strace $0x90000050  }
0xb4: {  	[bflag:$0x2] =	sbarrier.arrive $0xFFFF  }
0xb5: {  	p0 =	sne.s32 s0, $0x0;
	s0 =	rddreg [dreg:$0x1]  }
0xb6: {  	s0 =	sadd.s32 @!p0 $0x100000, s0  }
0xb7: {  	[sflag:s0] =	ssyncadd.tile.s32 @!p0 $0x1;
	_ =	shalt  }
.Lfunc_end2:
_tile_overlayer_lowered:
.L_overlay_start_2:
0xb8: {  	(tag) =	ssettag $0x2  }
0xb9: {  	s0 =	rddreg [dreg:$0x0];
	s2 =	stileid.u32  }
0xba: {  	s1 =	rddreg [dreg:$0x1];
	p0 =	sne.s32 s2, $0x0  }
0xbb: {  	s3 =	rddreg [dreg:$0x2];
	[bflag:$0x3] =	sbarrier.arrive $0xFFFF;
	s2 =	simm.s32 @!p0 $0x1C04  }
0xbc: {  	[timem:s3], [sflag:s2] =	dma.local @!p0 [hbm:s0], s1  }
0xbd: {  	s0 =	simm.s32 @!p0 $0x4  }
0xbe: {  	_ =	swait.ge @!p0 [sflag:s0], s1  }
0xbf: {  	s1 =	ssub.s32 @!p0 $0x0, s1;
	[sflag:s0] =	ssyncset.done @!p0 $0x0  }
0xc0: {  	[sflag:s0] =	ssyncadd.s32 @!p0 s1  }
0xc1: {  	[bflag:$0x3] =	sbarrier.arrive $0xFFFF  }
0xc2: {  	_ =	shalt  }

// kernel: kernel.24.cloned.1.call-start
scs
__scs_entry_jumppad:
0x0: {  	(pc) =	sbr.rel $0x88, $3  }
0x1: {  	(tag) =	ssettag $0x0;
	lr =	simm.s32 $0x1  }
0x2: {  	[smem:$0x3F9F] =	sst lr;
	_ =	strace $0xD0000000  }
0x3: {  	_ = 	snop  }
0x4: {  	_ = 	snop  }
0x5: {  	_ = 	snop  }
0x6: {  	_ = 	snop  }
0x7: {  	_ = 	snop  }
__scs_overlays_trampoline_lowered:
0x8: {  	[smem:$0x3FAE] =	sst s0  }
0x9: {  	[smem:$0x3FAF] =	sst s1  }
0xa: {  	[smem:$0x3FB0] =	sst s2  }
0xb: {  	[smem:$0x3FB1] =	sst s3  }
0xc: {  	[smem:$0x3FB2] =	sst s4  }
0xd: {  	[smem:$0x3FB3] =	sst s5  }
0xe: {  	[smem:$0x3FB4] =	sst s6  }
0xf: {  	[smem:$0x3FB5] =	sst s7  }
0x10: {  	[smem:$0x3FB6] =	sst s8  }
0x11: {  	[smem:$0x3FB7] =	sst s9;
	s0 =	simm.s32 @!p0 $0x0  }
0x12: {  	s1 =	sld [smem:$0x3F9D];
	s0 =	simm.s32 @p0 $0x1  }
0x13: {  	[smem:$0x3FB8] =	sst s0;
	s0 =	simm.s32 @!p1 $0x0  }
0x14: {  	s2 =	sld [smem:$0x3F9C];
	s0 =	simm.s32 @p1 $0x1  }
0x15: {  	[smem:$0x3FB9] =	sst s0;
	s0 =	simm.s32 @!p2 $0x0  }
0x16: {  	s3 =	sld [smem:$0x3FDB];
	s0 =	simm.s32 @p2 $0x1  }
0x17: {  	s4 =	simm.s32 $0x1BF5;
	[smem:$0x3FBB] =	sst s0  }
0x18: {  	s0 =	sld [smem:$0x3F9E];
	_ =	swait.ge [sflag:s4], $0x0  }
0x19: {  	s7 =	sld [smem:$0x3F9F]  }
0x1a: {  	s8 =	sadd.s32 $0xFFFFE003, lr  }
0x1b: {  	s9 =	sadd.s32 $0xFFFFFEF7, lr;
	s5 =	simm.s32 $0xFFFFFFFF;
	p2 =	slt.u32 s8, $0xFFFFF086  }
0x1c: {  	p1 =	slt.u32 s9, $0xF7A;
	s5 =	simm.s32 @!p2 $0x0  }
0x1d: {  	s5 =	simm.s32 @p1 $0x1;
	p0 =	seq.s32 s7, s2  }
0x1e: {  	s7 =	smul.u32 @!p0 $0xF7A, s2;
	p2 =	seq.s32 @!p0 s5, $0x0  }
0x1f: {  	s9 =	smul.u32 $0xF7A, s1;
	s8 =	simm.s32 @!p0 $0x1BF5;
	p2 =	por !p2, p0  }
0x20: {  	[sflag:s8] =	ssyncset.s32 @!p0 $0xFFFFF086;
	s6 =	sadd.s32 @!p0 s3, s7;
	s7 =	simm.s32 @!p0 $0x108  }
0x21: {  	s3 =	sadd.s32 s3, s9;
	s6 =	sadd.s32 @!p0 $0x88, s6;
	s7 =	simm.s32 @p2 $0x1082  }
0x22: {  	[simem:s7], [sflag:s8] =	dma.local @!p0 [hbm:s6], $0xF7A  }
0x23: {  	s9 =	sor.u32 $0xD0000000, s2;
	s6 =	simm.s32 $0x108;
	_ =	swait.ge @!p0 [sflag:s8], $0x0  }
0x24: {  	s3 =	sadd.s32 $0x88, s3;
	s6 =	simm.s32 @!p1 $0x1082;
	[sflag:s4] =	ssyncset.s32 $0xFFFFF086  }
0x25: {  	[simem:s6], [sflag:s4] =	dma.local [hbm:s3], $0xF7A  }
0x26: {  	[smem:$0x3F9F] =	sst s1;
	(tag) =	ssettag s2;
	_ =	strace s9  }
0x27: {  	s1 =	sld [smem:$0x3FAF]  }
0x28: {  	s2 =	sld [smem:$0x3FB0]  }
0x29: {  	s4 =	sld [smem:$0x3FB2]  }
0x2a: {  	p0 =	seq.s32 s5, $0x0;
	s5 =	sld [smem:$0x3FB3]  }
0x2b: {  	s6 =	sld [smem:$0x3FB4]  }
0x2c: {  	s7 =	sld [smem:$0x3FB5]  }
0x2d: {  	s3 =	simm.s32 $0x108;
	s8 =	sld [smem:$0x3FB6]  }
0x2e: {  	s3 =	simm.s32 @!p0 $0x1082;
	s9 =	sld [smem:$0x3FB7]  }
0x2f: {  	lr =	sadd.s32 s0, s3;
	s0 =	sld [smem:$0x3FAE]  }
0x30: {  	s3 =	sld [smem:$0x3FB1]  }
0x31: {  	[smem:$0x3FBA] =	sst s10  }
0x32: {  	s10 =	sld [smem:$0x3FB8];
	_ =	sdelay $0x3  }
0x33: {  	p0 =	seq.s32 s10, $0x1;
	s10 =	sld [smem:$0x3FBA];
	_ =	sdelay $0x3  }
0x34: {  	[smem:$0x3FBA] =	sst s10  }
0x35: {  	s10 =	sld [smem:$0x3FB9];
	_ =	sdelay $0x3  }
0x36: {  	p1 =	seq.s32 s10, $0x1;
	s10 =	sld [smem:$0x3FBA];
	_ =	sdelay $0x3  }
0x37: {  	[smem:$0x3FBA] =	sst s10  }
0x38: {  	s10 =	sld [smem:$0x3FBB]  }
0x39: {  	_ = 	snop;
	(pc) =	sbr.ind lr, $3  }
0x3a: {  	_ = 	snop  }
0x3b: {  	_ = 	snop  }
0x3c: {  	p2 =	seq.s32 s10, $0x1;
	s10 =	sld [smem:$0x3FBA]  }
0x3d: {  	_ =	shalt  }
0x3e: {  	_ =	shalt  }
0x3f: {  	_ =	shalt  }
0x40: {  	_ =	shalt  }
0x41: {  	_ =	shalt  }
0x42: {  	_ =	shalt  }
0x43: {  	_ =	shalt  }
0x44: {  	_ =	shalt  }
0x45: {  	_ =	shalt  }
0x46: {  	_ =	shalt  }
0x47: {  	_ =	shalt  }
0x48: {  	_ =	shalt  }
0x49: {  	_ =	shalt  }
0x4a: {  	_ =	shalt  }
0x4b: {  	_ =	shalt  }
0x4c: {  	_ =	shalt  }
0x4d: {  	_ =	shalt  }
0x4e: {  	_ =	shalt  }
0x4f: {  	_ =	shalt  }
0x50: {  	_ =	shalt  }
0x51: {  	_ =	shalt  }
0x52: {  	_ =	shalt  }
0x53: {  	_ =	shalt  }
0x54: {  	_ =	shalt  }
0x55: {  	_ =	shalt  }
0x56: {  	_ =	shalt  }
0x57: {  	_ =	shalt  }
0x58: {  	_ =	shalt  }
0x59: {  	_ =	shalt  }
0x5a: {  	_ =	shalt  }
0x5b: {  	_ =	shalt  }
0x5c: {  	_ =	shalt  }
0x5d: {  	_ =	shalt  }
0x5e: {  	_ =	shalt  }
0x5f: {  	_ =	shalt  }
0x60: {  	_ =	shalt  }
0x61: {  	_ =	shalt  }
0x62: {  	_ =	shalt  }
0x63: {  	_ =	shalt  }
0x64: {  	_ =	shalt  }
0x65: {  	_ =	shalt  }
0x66: {  	_ =	shalt  }
0x67: {  	_ =	shalt  }
0x68: {  	_ =	shalt  }
0x69: {  	_ =	shalt  }
0x6a: {  	_ =	shalt  }
0x6b: {  	_ =	shalt  }
0x6c: {  	_ =	shalt  }
0x6d: {  	_ =	shalt  }
0x6e: {  	_ =	shalt  }
0x6f: {  	_ =	shalt  }
0x70: {  	_ =	shalt  }
0x71: {  	_ =	shalt  }
0x72: {  	_ =	shalt  }
0x73: {  	_ =	shalt  }
0x74: {  	_ =	shalt  }
0x75: {  	_ =	shalt  }
0x76: {  	_ =	shalt  }
0x77: {  	_ =	shalt  }
0x78: {  	_ =	shalt  }
0x79: {  	_ =	shalt  }
0x7a: {  	_ =	shalt  }
0x7b: {  	_ =	shalt  }
0x7c: {  	_ =	shalt  }
0x7d: {  	_ =	shalt  }
0x7e: {  	_ =	shalt  }
0x7f: {  	_ =	shalt  }
0x80: {  	_ =	shalt  }
0x81: {  	_ =	shalt  }
0x82: {  	_ =	shalt  }
0x83: {  	_ =	shalt  }
0x84: {  	_ =	shalt  }
0x85: {  	_ =	shalt  }
0x86: {  	_ =	shalt  }
0x87: {  	_ =	shalt  }
.Lfunc_end0:
.L_simem_size_0:
called_computation.4_lowered:
.L_overlay_start_0:
0x88: {  	s2 =	sld [smem:$0x3FD9]  }
0x89: {  	s3 =	sld [smem:$0x3FFE];
	_ =	sdelay $0x1  }
0x8a: {  	s1 =	srdreg.scid  }
0x8b: {  	s0 =	sand.u32 $0x1, s1  }
0x8c: {  	s17 =	sshll.u32 s0, $0xA;
	s2 =	sadd.s32 s3, s2  }
0x8d: {  	s2 =	sadd.s32 s2, s17  }
0x8e: {  	[smem:$0x3FC6] =	sst s2  }
0x8f: {  	_ = 	snop  }
0x90: {  	(tm) =	ssettm $0x1  }
0x91: {  	s18 =	sld [smem:$0x3FFB];
	_ =	sdelay $0x3  }
0x92: {  	_ =	strace s18  }
0x93: {  	s2 =	sld [smem:$0x3FFC];
	_ =	sdelay $0x3  }
0x94: {  	_ =	strace s2  }
0x95: {  	s2 =	sld [smem:$0x3FFD];
	_ =	sdelay $0x3  }
0x96: {  	_ =	strace s2  }
0x97: {  	_ =	strace $0x8FFFFFFF  }
0x98: {  	s19 =	sld [smem:$0x3FDB];
	_ =	sdelay $0x1  }
0x99: {  	s20 =	simm.s32 $_scs_section_size  }
0x9a: {  	s4 =	simm.s32 $_size__tile_overlayer_lowered;
	s5 =	simm.s32 $_tile_overlayer_lowered  }
0x9b: {  	s6 =	simm.s32 $0x1BFF;
	s21 =	sshll.u32 s5, $0x1;
	s3 =	sadd.s32 s20, s19  }
0x9c: {  	s22 =	simm.s32 $0x0;
	s4 =	sshll.u32 s4, $0x1;
	s5 =	sadd.s32 s21, s3  }
0x9d: {  	[timem:s22], [sflag:s6] =	dma.local [hbm:s5], s4  }
0x9e: {  	_ =	swait.ge [sflag:s6], s4  }
0x9f: {  	s4 =	ssub.s32 $0x0, s4;
	[sflag:s6] =	ssyncset.done $0x0  }
0xa0: {  	[sflag:s6] =	ssyncadd.s32 s4;
	_ =	sdelay $0x1  }
0xa1: {  	s23 =	simm.s32 $0x1B8B  }
0xa2: {  	_ =	swait.ge [sflag:s23], $0x1  }
0xa3: {  	[sflag:s23] =	ssyncset.done $0x0  }
0xa4: {  	[sflag:s23] =	ssyncadd.s32 $0xFFFFFFFF  }
0xa5: {  	s4 =	sld [smem:$0x0]  }
0xa6: {  	s5 =	sand.u32 $0xFFFFFFFE, s1  }
0xa7: {  	p0 =	sne.s32 s1, s5  }
0xa8: {  	s5 =	sshll.u32 @p0 s5, $0xE  }
0xa9: {  	s5 =	sadd.s32 @p0 $0x11B8D, s5;
	s6 =	sshll.u32 @p0 s4, $0x11  }
0xaa: {  	s5 =	sor.u32 @p0 s6, s5  }
0xab: {  	[sflag:s5] =	ssyncadd.remote.s32 @p0 $0x1;
	_ =	sdelay $0x1  }
0xac: {  	s5 =	simm.s32 @p0 $0x1B8D  }
0xad: {  	_ =	swait.eq @p0 [sflag:s5], $0x1  }
0xae: {  	[sflag:s5] =	ssyncadd.s32 @p0 $0xFFFFFFFF  }
0xaf: {  	s6 =	sshll.u32 @!p0 s1, $0xE  }
0xb0: {  	s6 =	sor.u32 @!p0 $0x4000, s6;
	s5 =	simm.s32 @!p0 $0x1B8D  }
0xb1: {  	s4 =	sshll.u32 @!p0 s4, $0x11;
	s6 =	sadd.s32 @!p0 $0x11B8D, s6;
	_ =	swait.eq @!p0 [sflag:s5], $0x1  }
0xb2: {  	s4 =	sor.u32 @!p0 s4, s6;
	[sflag:s5] =	ssyncadd.s32 @!p0 $0xFFFFFFFF  }
0xb3: {  	s25 =	simm.s32 $0x1B8E;
	s24 =	sld [smem:$0x3FFE];
	[sflag:s4] =	ssyncadd.remote.s32 @!p0 $0x1  }
0xb4: {  	s26 =	simm.s32 $execute0_lowered;
	[smem:$0x3FD2] =	sst s25  }
0xb5: {  	s5 =	sshll.u32 s26, $0x1;
	_ =	strace $0x80000052;
	[dreg:$0x1] =	wrdreg $0xFFFFFFFF  }
0xb6: {  	s28 =	simm.s32 $_size_execute0_lowered;
	s3 =	sadd.s32 s3, s5;
	[dreg:$0x0] =	wrdreg $0x0  }
0xb7: {  	s5 =	sshll.u32 s28, $0x1;
	[dreg:$0x2] =	wrdreg s3  }
0xb8: {  	[dreg:$0x3] =	wrdreg s5  }
0xb9: {  	[dreg:$0x4] =	wrdreg $0xC0  }
0xba: {  	_ =	task [dreg:s22], $0x5FFFF  }
0xbb: {  	[dreg:$0x1] =	wrdreg $0xFFFFFFFF  }
0xbc: {  	[dreg:$0x0] =	wrdreg $0x60  }
0xbd: {  	[dreg:$0x2] =	wrdreg s24  }
0xbe: {  	[dreg:$0x3] =	wrdreg $0xD  }
0xbf: {  	_ =	task.clear_ibuf [dreg:s22], $0x4FFFF;
	_ =	strace $0x90000052  }
0xc0: {  	s29 =	simm.s32 $0xD;
	_ =	strace $0x80000054  }
0xc1: {  	_ =	swait.ge [sflag:s29], $0x1  }
0xc2: {  	[sflag:s29] =	ssyncadd.s32 $0xFFFFFFFF  }
0xc3: {  	_ =	strace $0x90000054  }
0xc4: {  	_ =	sfence  }
0xc5: {  	s30 =	sld [smem:$0x0];
	_ =	sdelay $0x2  }
0xc6: {  	s31 =	sshll.u32 s1, $0xD;
	s1 =	sshrl.u32 s1, $0x2  }
0xc7: {  	s4 =	sand.u32 $0x4000, s31;
	s1 =	sadd.s32 s1, s30  }
0xc8: {  	s0 =	sor.u32 s4, s0;
	s1 =	sshll.u32 s1, $0x11  }
0xc9: {  	s0 =	sor.u32 s1, s0  }
0xca: {  	s0 =	sadd.s32 $0x8F2B, s0  }
0xcb: {  	[sflag:s0] =	ssyncadd.remote.s32 $0x1  }
0xcc: {  	_ =	sfence.sel $0xFFFF  }
0xcd: {  	[dreg:$0x0] =	wrdreg $0xFFFFFFFF;
	(pc) =	sbr.abs _section_cstart, $3  }
0xce: {  	[dreg:$0x1] =	wrdreg $0xFFFFFFFF  }
0xcf: {  	_ =	task.clear_ibuf [dreg:s22], $0x2FFFF;
	_ =	strace $0x9FFFFFFF  }
0xd0: {  	(tm) =	ssettm $0x7FFFFFFF  }
0xd1: {  	_ =	shalt  }
tec
execute0_lowered:
.L_overlay_start_1:
0x0: {  	(tag) =	ssettag $0x1  }
0x1: {  	s1 =	srdreg.scid;
	s0 =	stileid.u32  }
0x2: {  	s30 =	sand.u32 $0x1, s1;
	s26 =	sshll.u32 s0, $0x1  }
0x3: {  	s6 =	sor.u32 s30, s26  }
0x4: {  	s9 =	rddreg [dreg:$0x0];
	s2 =	simm.s32 $0x0;
	s3 =	sshll.u32 s6, $0x8  }
0x5: {  	[smem:$0x7FF] =	sst s2;
	s3 =	sadd.s32 s3, s9  }
0x6: {  	s4 =	simm.s32 $0x4;
	_ =	strace $0x80000053;
	s3 =	sadd.s32 $0xC5E00, s3  }
0x7: {  	[tilespmem:s2], [sflag:$0x4] =	stream.linear.gather [hbm4b:s3+s2], $0x500, $0x38;
	[tilespmem:$0x8800] =	vst v63  }
0x8: {  	s7 =	simm.s32 $0x800;
	_ =	swait.ge [sflag:s4], $0x500  }
0x9: {  	s8 =	simm.s32 $0x1;
	s5 =	sadd.s32 $0x2800, s9;
	[sflag:s4] =	ssyncset.done $0x0  }
0xa: {  	s10 =	smul.u32 $0x5000, s6;
	s6 =	simm.s32 $0x80;
	[sflag:s4] =	ssyncadd.s32 $0xFFFFFB00  }
0xb: {  	[tilespmem:s7], [sflag:$0x1] =	stream.indirect.gather [hbm4b:s5+s6], $0x80, s2, s6, $0xb8;
	[tilespmem:$0x8800] =	vst v63  }
0xc: {  	_ =	swait.ge [sflag:s8], $0x4000  }
0xd: {  	s31 =	sadd.s32 s10, s9;
	[sflag:s8] =	ssyncset.done $0x0  }
0xe: {  	s9 =	sadd.s32 $0x2AFE00, s31;
	[sflag:s8] =	ssyncadd.s32 $0xFFFFC000  }
0xf: {  	[hbm4b:s9+s2] =	stream.linear.scatter [tilespmem:s7], [sflag:$0x2], $0x4000, $0x38;
	[tilespmem:$0x8800] =	vst v63  }
0x10: {  	s10 =	simm.s32 $0x4800  }
0x11: {  	[tilespmem:s10], [sflag:$0x1] =	stream.indirect.gather [hbm4b:s5+s6], $0x80, s6, s6, $0xb8;
	[tilespmem:$0x8800] =	vst v63  }
0x12: {  	_ =	swait.ge [sflag:s8], $0x4000  }
0x13: {  	[sflag:s8] =	ssyncset.done $0x0  }
0x14: {  	s12 =	simm.s32 $0x2;
	s11 =	sadd.s32 $0x2B0600, s31;
	[sflag:s8] =	ssyncadd.s32 $0xFFFFC000  }
0x15: {  	[hbm4b:s11+s2] =	stream.linear.scatter [tilespmem:s10], [sflag:$0x3], $0x4000, $0x38;
	[tilespmem:$0x8800] =	vst v63  }
0x16: {  	_ =	swait.ge [sflag:s12], $0x4000  }
0x17: {  	[sflag:s12] =	ssyncset.done $0x0  }
0x18: {  	s13 =	simm.s32 $0x100;
	[sflag:s12] =	ssyncadd.s32 $0xFFFFC000  }
0x19: {  	[tilespmem:s7], [sflag:$0x1] =	stream.indirect.gather [hbm4b:s5+s6], $0x80, s13, s6, $0xb8;
	[tilespmem:$0x8800] =	vst v63  }
0x1a: {  	_ =	swait.ge [sflag:s8], $0x4000  }
0x1b: {  	[sflag:s8] =	ssyncset.done $0x0  }
0x1c: {  	s14 =	simm.s32 $0x3;
	s15 =	sadd.s32 $0x2B0E00, s31;
	[sflag:s8] =	ssyncadd.s32 $0xFFFFC000  }
0x1d: {  	[hbm4b:s15+s2] =	stream.linear.scatter [tilespmem:s7], [sflag:$0x2], $0x4000, $0x38;
	[tilespmem:$0x8800] =	vst v63  }
0x1e: {  	_ =	swait.ge [sflag:s14], $0x4000  }
0x1f: {  	[sflag:s14] =	ssyncset.done $0x0  }
0x20: {  	s16 =	simm.s32 $0x180;
	[sflag:s14] =	ssyncadd.s32 $0xFFFFC000  }
0x21: {  	[tilespmem:s10], [sflag:$0x1] =	stream.indirect.gather [hbm4b:s5+s6], $0x80, s16, s6, $0xb8;
	[tilespmem:$0x8800] =	vst v63  }
0x22: {  	_ =	swait.ge [sflag:s8], $0x4000  }
0x23: {  	[sflag:s8] =	ssyncset.done $0x0  }
0x24: {  	s17 =	sadd.s32 $0x2B1600, s31;
	[sflag:s8] =	ssyncadd.s32 $0xFFFFC000  }
0x25: {  	[hbm4b:s17+s2] =	stream.linear.scatter [tilespmem:s10], [sflag:$0x3], $0x4000, $0x38;
	[tilespmem:$0x8800] =	vst v63  }
0x26: {  	_ =	swait.ge [sflag:s12], $0x4000  }
0x27: {  	[sflag:s12] =	ssyncset.done $0x0  }
0x28: {  	s18 =	simm.s32 $0x200;
	[sflag:s12] =	ssyncadd.s32 $0xFFFFC000  }
0x29: {  	[tilespmem:s7], [sflag:$0x1] =	stream.indirect.gather [hbm4b:s5+s6], $0x80, s18, s6, $0xb8;
	[tilespmem:$0x8800] =	vst v63  }
0x2a: {  	_ =	swait.ge [sflag:s8], $0x4000  }
0x2b: {  	[sflag:s8] =	ssyncset.done $0x0  }
0x2c: {  	s19 =	sadd.s32 $0x2B1E00, s31;
	[sflag:s8] =	ssyncadd.s32 $0xFFFFC000  }
0x2d: {  	[hbm4b:s19+s2] =	stream.linear.scatter [tilespmem:s7], [sflag:$0x2], $0x4000, $0x38;
	[tilespmem:$0x8800] =	vst v63  }
0x2e: {  	_ =	swait.ge [sflag:s14], $0x4000  }
0x2f: {  	[sflag:s14] =	ssyncset.done $0x0  }
0x30: {  	s20 =	simm.s32 $0x280;
	[sflag:s14] =	ssyncadd.s32 $0xFFFFC000  }
0x31: {  	[tilespmem:s10], [sflag:$0x1] =	stream.indirect.gather [hbm4b:s5+s6], $0x80, s20, s6, $0xb8;
	[tilespmem:$0x8800] =	vst v63  }
0x32: {  	_ =	swait.ge [sflag:s8], $0x4000  }
0x33: {  	[sflag:s8] =	ssyncset.done $0x0  }
0x34: {  	s21 =	sadd.s32 $0x2B2600, s31;
	[sflag:s8] =	ssyncadd.s32 $0xFFFFC000  }
0x35: {  	[hbm4b:s21+s2] =	stream.linear.scatter [tilespmem:s10], [sflag:$0x3], $0x4000, $0x38;
	[tilespmem:$0x8800] =	vst v63  }
0x36: {  	_ =	swait.ge [sflag:s12], $0x4000  }
0x37: {  	[sflag:s12] =	ssyncset.done $0x0  }
0x38: {  	s22 =	simm.s32 $0x300;
	[sflag:s12] =	ssyncadd.s32 $0xFFFFC000  }
0x39: {  	[tilespmem:s7], [sflag:$0x1] =	stream.indirect.gather [hbm4b:s5+s6], $0x80, s22, s6, $0xb8;
	[tilespmem:$0x8800] =	vst v63  }
0x3a: {  	_ =	swait.ge [sflag:s8], $0x4000  }
0x3b: {  	[sflag:s8] =	ssyncset.done $0x0  }
0x3c: {  	s23 =	sadd.s32 $0x2B2E00, s31;
	[sflag:s8] =	ssyncadd.s32 $0xFFFFC000  }
0x3d: {  	[hbm4b:s23+s2] =	stream.linear.scatter [tilespmem:s7], [sflag:$0x2], $0x4000, $0x38;
	[tilespmem:$0x8800] =	vst v63  }
0x3e: {  	_ =	swait.ge [sflag:s14], $0x4000  }
0x3f: {  	[sflag:s14] =	ssyncset.done $0x0  }
0x40: {  	s24 =	simm.s32 $0x380;
	[sflag:s14] =	ssyncadd.s32 $0xFFFFC000  }
0x41: {  	[tilespmem:s10], [sflag:$0x1] =	stream.indirect.gather [hbm4b:s5+s6], $0x80, s24, s6, $0xb8;
	[tilespmem:$0x8800] =	vst v63  }
0x42: {  	_ =	swait.ge [sflag:s8], $0x4000  }
0x43: {  	[sflag:s8] =	ssyncset.done $0x0  }
0x44: {  	s25 =	sadd.s32 $0x2B3600, s31;
	[sflag:s8] =	ssyncadd.s32 $0xFFFFC000  }
0x45: {  	[hbm4b:s25+s2] =	stream.linear.scatter [tilespmem:s10], [sflag:$0x3], $0x4000, $0x38;
	[tilespmem:$0x8800] =	vst v63  }
0x46: {  	_ =	swait.ge [sflag:s12], $0x4000  }
0x47: {  	[sflag:s12] =	ssyncset.done $0x0  }
0x48: {  	s26 =	simm.s32 $0x400;
	[sflag:s12] =	ssyncadd.s32 $0xFFFFC000  }
0x49: {  	[tilespmem:s7], [sflag:$0x1] =	stream.indirect.gather [hbm4b:s5+s6], $0x80, s26, s6, $0xb8;
	[tilespmem:$0x8800] =	vst v63  }
0x4a: {  	_ =	swait.ge [sflag:s8], $0x4000  }
0x4b: {  	[sflag:s8] =	ssyncset.done $0x0  }
0x4c: {  	s28 =	sadd.s32 $0x2B3E00, s31;
	[sflag:s8] =	ssyncadd.s32 $0xFFFFC000  }
0x4d: {  	[hbm4b:s28+s2] =	stream.linear.scatter [tilespmem:s7], [sflag:$0x2], $0x4000, $0x38;
	[tilespmem:$0x8800] =	vst v63  }
0x4e: {  	_ =	swait.ge [sflag:s14], $0x4000  }
0x4f: {  	s29 =	simm.s32 $0x480;
	s1 =	ssub.s32 $0x2, s30;
	[sflag:s14] =	ssyncset.done $0x0  }
0x50: {  	s30 =	sadd.s32 $0x2B4600, s31;
	s31 =	sshrl.u32 s1, $0x1;
	[sflag:s14] =	ssyncadd.s32 $0xFFFFC000  }
0x51: {  	[tilespmem:s10], [sflag:$0x1] =	stream.indirect.gather [hbm4b:s5+s6], $0x80, s29, s6, $0xb8;
	[tilespmem:$0x8800] =	vst v63  }
0x52: {  	s1 =	ssub.s32 s1, s31;
	_ =	swait.ge [sflag:s8], $0x4000  }
0x53: {  	s1 =	smax.u32 s1, $0x1;
	[sflag:s8] =	ssyncset.done $0x0  }
0x54: {  	p0 =	sne.s32 s1, $0x1;
	[sflag:s8] =	ssyncadd.s32 $0xFFFFC000  }
0x55: {  	[hbm4b:s30+s2] =	stream.linear.scatter [tilespmem:s10], [sflag:$0x3], $0x4000, $0x38;
	[tilespmem:$0x8800] =	vst v63  }
.Ltmp0:
0x56: {  	_ =	swait.ge [sflag:s12], $0x4000;
	(pc) =	sbr.rel @!p0 .LBB2_2-.Ltmp0, $4  }
0x57: {  	[sflag:s12] =	ssyncset.done $0x0  }
0x58: {  	[sflag:s12] =	ssyncadd.s32 $0xFFFFC000  }
0x59: {  	_ =	swait.ge [sflag:s14], $0x4000  }
0x5a: {  	s31 =	sadd.s32 $0xFFFFFFFF, s1;
	[sflag:s14] =	ssyncset.done $0x0  }
.LBB2_1:
0x5b: {  	p0 =	sne.s32 s31, $0x1;
	s31 =	sadd.s32 $0xFFFFFFFF, s31;
	[sflag:s14] =	ssyncadd.s32 $0xFFFFC000  }
0x5c: {  	[tilespmem:s2], [sflag:$0x4] =	stream.linear.gather [hbm4b:s3+s2], $0x500, $0x38;
	[tilespmem:$0x8800] =	vst v63  }
0x5d: {  	_ =	swait.ge [sflag:s4], $0x500  }
0x5e: {  	[sflag:s4] =	ssyncset.done $0x0  }
0x5f: {  	[sflag:s4] =	ssyncadd.s32 $0xFFFFFB00  }
0x60: {  	[tilespmem:s7], [sflag:$0x1] =	stream.indirect.gather [hbm4b:s5+s6], $0x80, s2, s6, $0xb8;
	[tilespmem:$0x8800] =	vst v63  }
0x61: {  	_ =	swait.ge [sflag:s8], $0x4000  }
0x62: {  	[sflag:s8] =	ssyncset.done $0x0  }
0x63: {  	[sflag:s8] =	ssyncadd.s32 $0xFFFFC000  }
0x64: {  	[hbm4b:s9+s2] =	stream.linear.scatter [tilespmem:s7], [sflag:$0x2], $0x4000, $0x38;
	[tilespmem:$0x8800] =	vst v63  }
0x65: {  	_ = 	snop  }
0x66: {  	[tilespmem:s10], [sflag:$0x1] =	stream.indirect.gather [hbm4b:s5+s6], $0x80, s6, s6, $0xb8;
	[tilespmem:$0x8800] =	vst v63  }
0x67: {  	_ =	swait.ge [sflag:s8], $0x4000  }
0x68: {  	[sflag:s8] =	ssyncset.done $0x0  }
0x69: {  	[sflag:s8] =	ssyncadd.s32 $0xFFFFC000  }
0x6a: {  	[hbm4b:s11+s2] =	stream.linear.scatter [tilespmem:s10], [sflag:$0x3], $0x4000, $0x38;
	[tilespmem:$0x8800] =	vst v63  }
0x6b: {  	_ =	swait.ge [sflag:s12], $0x4000  }
0x6c: {  	[sflag:s12] =	ssyncset.done $0x0  }
0x6d: {  	[sflag:s12] =	ssyncadd.s32 $0xFFFFC000  }
0x6e: {  	[tilespmem:s7], [sflag:$0x1] =	stream.indirect.gather [hbm4b:s5+s6], $0x80, s13, s6, $0xb8;
	[tilespmem:$0x8800] =	vst v63  }
0x6f: {  	_ =	swait.ge [sflag:s8], $0x4000  }
0x70: {  	[sflag:s8] =	ssyncset.done $0x0  }
0x71: {  	[sflag:s8] =	ssyncadd.s32 $0xFFFFC000  }
0x72: {  	[hbm4b:s15+s2] =	stream.linear.scatter [tilespmem:s7], [sflag:$0x2], $0x4000, $0x38;
	[tilespmem:$0x8800] =	vst v63  }
0x73: {  	_ =	swait.ge [sflag:s14], $0x4000  }
0x74: {  	[sflag:s14] =	ssyncset.done $0x0  }
0x75: {  	[sflag:s14] =	ssyncadd.s32 $0xFFFFC000  }
0x76: {  	[tilespmem:s10], [sflag:$0x1] =	stream.indirect.gather [hbm4b:s5+s6], $0x80, s16, s6, $0xb8;
	[tilespmem:$0x8800] =	vst v63  }
0x77: {  	_ =	swait.ge [sflag:s8], $0x4000  }
0x78: {  	[sflag:s8] =	ssyncset.done $0x0  }
0x79: {  	[sflag:s8] =	ssyncadd.s32 $0xFFFFC000  }
0x7a: {  	[hbm4b:s17+s2] =	stream.linear.scatter [tilespmem:s10], [sflag:$0x3], $0x4000, $0x38;
	[tilespmem:$0x8800] =	vst v63  }
0x7b: {  	_ =	swait.ge [sflag:s12], $0x4000  }
0x7c: {  	[sflag:s12] =	ssyncset.done $0x0  }
0x7d: {  	[sflag:s12] =	ssyncadd.s32 $0xFFFFC000  }
0x7e: {  	[tilespmem:s7], [sflag:$0x1] =	stream.indirect.gather [hbm4b:s5+s6], $0x80, s18, s6, $0xb8;
	[tilespmem:$0x8800] =	vst v63  }
0x7f: {  	_ =	swait.ge [sflag:s8], $0x4000  }
0x80: {  	[sflag:s8] =	ssyncset.done $0x0  }
0x81: {  	[sflag:s8] =	ssyncadd.s32 $0xFFFFC000  }
0x82: {  	[hbm4b:s19+s2] =	stream.linear.scatter [tilespmem:s7], [sflag:$0x2], $0x4000, $0x38;
	[tilespmem:$0x8800] =	vst v63  }
0x83: {  	_ =	swait.ge [sflag:s14], $0x4000  }
0x84: {  	[sflag:s14] =	ssyncset.done $0x0  }
0x85: {  	[sflag:s14] =	ssyncadd.s32 $0xFFFFC000  }
0x86: {  	[tilespmem:s10], [sflag:$0x1] =	stream.indirect.gather [hbm4b:s5+s6], $0x80, s20, s6, $0xb8;
	[tilespmem:$0x8800] =	vst v63  }
0x87: {  	_ =	swait.ge [sflag:s8], $0x4000  }
0x88: {  	[sflag:s8] =	ssyncset.done $0x0  }
0x89: {  	[sflag:s8] =	ssyncadd.s32 $0xFFFFC000  }
0x8a: {  	[hbm4b:s21+s2] =	stream.linear.scatter [tilespmem:s10], [sflag:$0x3], $0x4000, $0x38;
	[tilespmem:$0x8800] =	vst v63  }
0x8b: {  	_ =	swait.ge [sflag:s12], $0x4000  }
0x8c: {  	[sflag:s12] =	ssyncset.done $0x0  }
0x8d: {  	[sflag:s12] =	ssyncadd.s32 $0xFFFFC000  }
0x8e: {  	[tilespmem:s7], [sflag:$0x1] =	stream.indirect.gather [hbm4b:s5+s6], $0x80, s22, s6, $0xb8;
	[tilespmem:$0x8800] =	vst v63  }
0x8f: {  	_ =	swait.ge [sflag:s8], $0x4000  }
0x90: {  	[sflag:s8] =	ssyncset.done $0x0  }
0x91: {  	[sflag:s8] =	ssyncadd.s32 $0xFFFFC000  }
0x92: {  	[hbm4b:s23+s2] =	stream.linear.scatter [tilespmem:s7], [sflag:$0x2], $0x4000, $0x38;
	[tilespmem:$0x8800] =	vst v63  }
0x93: {  	_ =	swait.ge [sflag:s14], $0x4000  }
0x94: {  	[sflag:s14] =	ssyncset.done $0x0  }
0x95: {  	[sflag:s14] =	ssyncadd.s32 $0xFFFFC000  }
0x96: {  	[tilespmem:s10], [sflag:$0x1] =	stream.indirect.gather [hbm4b:s5+s6], $0x80, s24, s6, $0xb8;
	[tilespmem:$0x8800] =	vst v63  }
0x97: {  	_ =	swait.ge [sflag:s8], $0x4000  }
0x98: {  	[sflag:s8] =	ssyncset.done $0x0  }
0x99: {  	[sflag:s8] =	ssyncadd.s32 $0xFFFFC000  }
0x9a: {  	[hbm4b:s25+s2] =	stream.linear.scatter [tilespmem:s10], [sflag:$0x3], $0x4000, $0x38;
	[tilespmem:$0x8800] =	vst v63  }
0x9b: {  	_ =	swait.ge [sflag:s12], $0x4000  }
0x9c: {  	[sflag:s12] =	ssyncset.done $0x0  }
0x9d: {  	[sflag:s12] =	ssyncadd.s32 $0xFFFFC000  }
0x9e: {  	[tilespmem:s7], [sflag:$0x1] =	stream.indirect.gather [hbm4b:s5+s6], $0x80, s26, s6, $0xb8;
	[tilespmem:$0x8800] =	vst v63  }
0x9f: {  	_ =	swait.ge [sflag:s8], $0x4000  }
0xa0: {  	[sflag:s8] =	ssyncset.done $0x0  }
0xa1: {  	[sflag:s8] =	ssyncadd.s32 $0xFFFFC000  }
0xa2: {  	[hbm4b:s28+s2] =	stream.linear.scatter [tilespmem:s7], [sflag:$0x2], $0x4000, $0x38;
	[tilespmem:$0x8800] =	vst v63  }
0xa3: {  	_ =	swait.ge [sflag:s14], $0x4000  }
0xa4: {  	[sflag:s14] =	ssyncset.done $0x0  }
0xa5: {  	[sflag:s14] =	ssyncadd.s32 $0xFFFFC000  }
0xa6: {  	[tilespmem:s10], [sflag:$0x1] =	stream.indirect.gather [hbm4b:s5+s6], $0x80, s29, s6, $0xb8;
	[tilespmem:$0x8800] =	vst v63  }
0xa7: {  	_ =	swait.ge [sflag:s8], $0x4000  }
0xa8: {  	[sflag:s8] =	ssyncset.done $0x0  }
0xa9: {  	[sflag:s8] =	ssyncadd.s32 $0xFFFFC000  }
0xaa: {  	[hbm4b:s30+s2] =	stream.linear.scatter [tilespmem:s10], [sflag:$0x3], $0x4000, $0x38;
	[tilespmem:$0x8800] =	vst v63  }
.Ltmp1:
0xab: {  	_ =	swait.ge [sflag:s12], $0x4000;
	(pc) =	sbr.rel @p0 .LBB2_1-.Ltmp1, $4  }
0xac: {  	[sflag:s12] =	ssyncset.done $0x0  }
0xad: {  	[sflag:s12] =	ssyncadd.s32 $0xFFFFC000  }
0xae: {  	_ =	swait.ge [sflag:s14], $0x4000  }
0xaf: {  	[sflag:s14] =	ssyncset.done $0x0  }
.LBB2_2:
0xb0: {  	[sflag:s14] =	ssyncadd.s32 $0xFFFFC000  }
0xb1: {  	_ =	sfence.sel $0x180000  }
0xb2: {  	[bflag:$0x0] =	sbarrier.arrive $0xFFFF  }
0xb3: {  	_ =	strace $0x90000053  }
0xb4: {  	[bflag:$0x2] =	sbarrier.arrive $0xFFFF  }
0xb5: {  	p0 =	sne.s32 s0, $0x0;
	s0 =	rddreg [dreg:$0x1]  }
0xb6: {  	s0 =	sadd.s32 @!p0 $0x100000, s0  }
0xb7: {  	[sflag:s0] =	ssyncadd.tile.s32 @!p0 $0x1;
	_ =	shalt  }
.Lfunc_end2:
_tile_overlayer_lowered:
.L_overlay_start_2:
0xb8: {  	(tag) =	ssettag $0x2  }
0xb9: {  	s0 =	rddreg [dreg:$0x0];
	s2 =	stileid.u32  }
0xba: {  	s1 =	rddreg [dreg:$0x1];
	p0 =	sne.s32 s2, $0x0  }
0xbb: {  	s3 =	rddreg [dreg:$0x2];
	[bflag:$0x3] =	sbarrier.arrive $0xFFFF;
	s2 =	simm.s32 @!p0 $0x1C04  }
0xbc: {  	[timem:s3], [sflag:s2] =	dma.local @!p0 [hbm:s0], s1  }
0xbd: {  	s0 =	simm.s32 @!p0 $0x4  }
0xbe: {  	_ =	swait.ge @!p0 [sflag:s0], s1  }
0xbf: {  	s1 =	ssub.s32 @!p0 $0x0, s1;
	[sflag:s0] =	ssyncset.done @!p0 $0x0  }
0xc0: {  	[sflag:s0] =	ssyncadd.s32 @!p0 s1  }
0xc1: {  	[bflag:$0x3] =	sbarrier.arrive $0xFFFF  }
0xc2: {  	_ =	shalt  }

</sc_bundles>
